<compile_context>
chip_gen: v7x
topology: tpu7x:2x2x1
jax: 0.10.2.dev20260603
libtpu: 0.0.44.dev20260713+nightly
codegen_flags: <defaults>
</compile_context>

<pallas_src>
import functools

import jax
import jax.numpy as jnp
from jax import lax
from jax.experimental import pallas as pl
from jax.experimental.pallas import tpu as pltpu
from jax.experimental.pallas import tpu_sc as plsc

N = 4096
BM = 256
K10 = 10
K5 = 5
INF = float("inf")
LANES = 128
CHUNKS = N // LANES

SC_NC = 2
SC_NW = 32
CHUNK = N // SC_NW
GROUPS = CHUNK // 16


def _dist(a_blk, bT):
    mm = jax.lax.dot_general(a_blk, bT, (((1,), (0,)), ((), ())),
                             preferred_element_type=jnp.float32)
    asq = jnp.sum(a_blk * a_blk, axis=1, keepdims=True)
    bsq = jnp.sum(bT * bT, axis=0, keepdims=True)
    return -2.0 * mm + asq + bsq


def _topk_vals(d, k, bm):
    m1 = jnp.full((bm, LANES), INF, jnp.float32)
    m2 = jnp.full((bm, LANES), INF, jnp.float32)
    m3 = jnp.full((bm, LANES), INF, jnp.float32)
    m4 = jnp.full((bm, LANES), INF, jnp.float32)
    for c in range(CHUNKS):
        x = d[:, LANES * c:LANES * (c + 1)]
        t1 = jnp.minimum(m1, x)
        x = jnp.maximum(m1, x)
        m1 = t1
        t2 = jnp.minimum(m2, x)
        x = jnp.maximum(m2, x)
        m2 = t2
        t3 = jnp.minimum(m3, x)
        x = jnp.maximum(m3, x)
        m3 = t3
        m4 = jnp.minimum(m4, x)
    vals = []
    for _ in range(k):
        vt = jnp.min(m1, axis=1, keepdims=True)
        hit = m1 == vt
        m1 = jnp.where(hit, m2, m1)
        m2 = jnp.where(hit, m3, m2)
        m3 = jnp.where(hit, m4, m3)
        m4 = jnp.where(hit, INF, m4)
        vals.append(vt)
    return vals


def _self1_body(src_ref, dstT_ref, gath_full_ref, gath_blk_ref, curv_ref):
    d = _dist(src_ref[...], dstT_ref[...])
    vals = _topk_vals(d, K10, BM)
    onehot = (d <= vals[9]).astype(jnp.float32)
    gsum = jax.lax.dot_general(onehot, gath_full_ref[...],
                               (((1,), (0,)), ((), ())),
                               preferred_element_type=jnp.float32)
    curv_ref[...] = (gsum - 10.0 * gath_blk_ref[...]) / 9.0


def _self1_call(src, dstT, gath):
    return pl.pallas_call(
        _self1_body,
        grid=(N // BM,),
        in_specs=[
            pl.BlockSpec((BM, 3), lambda r: (r, 0)),
            pl.BlockSpec((3, N), lambda r: (0, 0)),
            pl.BlockSpec((N, 3), lambda r: (0, 0)),
            pl.BlockSpec((BM, 3), lambda r: (r, 0)),
        ],
        out_specs=pl.BlockSpec((BM, 3), lambda r: (r, 0)),
        out_shape=jax.ShapeDtypeStruct((N, 3), jnp.float32),
    )(src, dstT, gath, gath)


def _self2_body(src_ref, dstT_ref, gath_full_ref, gath_blk_ref,
                flowT_ref, flow_blk_ref, mc_ref, sm_ref):
    r = pl.program_id(0)
    d = _dist(src_ref[...], dstT_ref[...])
    vals = _topk_vals(d, K10, BM)

    m9 = d <= vals[8]
    dflow = _dist(flow_blk_ref[...], flowT_ref[...])
    nrm = jnp.sqrt(jnp.maximum(dflow, 0.0))
    sm_part = jnp.sum(jnp.where(m9, nrm, 0.0), keepdims=True)

    onehot = (d <= vals[9]).astype(jnp.float32)
    gsum = jax.lax.dot_general(onehot, gath_full_ref[...],
                               (((1,), (0,)), ((), ())),
                               preferred_element_type=jnp.float32)
    mc_ref[...] = (gsum - 10.0 * gath_blk_ref[...]) / 9.0

    @pl.when(r == 0)
    def _():
        sm_ref[...] = jnp.zeros((1, 1), jnp.float32)
    sm_ref[...] += sm_part


def _self2_call(src, dstT, gath, flowT, flow):
    return pl.pallas_call(
        _self2_body,
        grid=(N // BM,),
        in_specs=[
            pl.BlockSpec((BM, 3), lambda r: (r, 0)),
            pl.BlockSpec((3, N), lambda r: (0, 0)),
            pl.BlockSpec((N, 3), lambda r: (0, 0)),
            pl.BlockSpec((BM, 3), lambda r: (r, 0)),
            pl.BlockSpec((3, N), lambda r: (0, 0)),
            pl.BlockSpec((BM, 3), lambda r: (r, 0)),
        ],
        out_specs=[
            pl.BlockSpec((BM, 3), lambda r: (r, 0)),
            pl.BlockSpec((1, 1), lambda r: (0, 0)),
        ],
        out_shape=[
            jax.ShapeDtypeStruct((N, 3), jnp.float32),
            jax.ShapeDtypeStruct((1, 1), jnp.float32),
        ],
    )(src, dstT, gath, gath, flowT, flow)


def _cv_body(inter_ref, mc_ref, cv_ref):
    cdiff = inter_ref[...] - mc_ref[...]
    cv_ref[...] = jnp.sum(cdiff * cdiff, keepdims=True)


def _cv_call(inter, mc):
    return pl.pallas_call(
        _cv_body,
        out_shape=jax.ShapeDtypeStruct((1, 1), jnp.float32),
    )(inter, mc)


def _cross_body(src_ref, dstT_ref, dist2_ref, ch_ref, idx_ref, val_ref):
    r = pl.program_id(0)
    nr = pl.num_programs(0)
    d = _dist(src_ref[...], dstT_ref[...])

    colmin = jnp.min(d, axis=0, keepdims=True)
    vals = _topk_vals(d, K5, BM)
    d1_part = jnp.sum(vals[0], keepdims=True)

    iota = jax.lax.broadcasted_iota(jnp.int32, (BM, N), 1)
    lane16 = jax.lax.broadcasted_iota(jnp.int32, (BM, 16), 1)
    idxacc = jnp.zeros((BM, 16), jnp.int32)
    valacc = jnp.zeros((BM, 16), jnp.float32)
    for t in range(K5):
        sel = jnp.min(jnp.where(d == vals[t], iota, N), axis=1, keepdims=True)
        idxacc = jnp.where(lane16 == t, sel, idxacc)
        valacc = jnp.where(lane16 == t, vals[t], valacc)

    idx_ref[...] = idxacc
    val_ref[...] = valacc

    @pl.when(r == 0)
    def _():
        dist2_ref[...] = colmin
        ch_ref[...] = jnp.zeros((1, 1), jnp.float32)

    @pl.when(r > 0)
    def _():
        dist2_ref[...] = jnp.minimum(dist2_ref[...], colmin)

    ch_ref[...] += d1_part

    @pl.when(r == nr - 1)
    def _():
        ch_ref[...] += jnp.sum(dist2_ref[...], keepdims=True)


def _cross_call(src, dstT):
    return pl.pallas_call(
        _cross_body,
        grid=(N // BM,),
        in_specs=[
            pl.BlockSpec((BM, 3), lambda r: (r, 0)),
            pl.BlockSpec((3, N), lambda r: (0, 0)),
        ],
        out_specs=[
            pl.BlockSpec((1, N), lambda r: (0, 0)),
            pl.BlockSpec((1, 1), lambda r: (0, 0)),
            pl.BlockSpec((BM, 16), lambda r: (r, 0)),
            pl.BlockSpec((BM, 16), lambda r: (r, 0)),
        ],
        out_shape=[
            jax.ShapeDtypeStruct((1, N), jnp.float32),
            jax.ShapeDtypeStruct((1, 1), jnp.float32),
            jax.ShapeDtypeStruct((N, 16), jnp.int32),
            jax.ShapeDtypeStruct((N, 16), jnp.float32),
        ],
    )(src, dstT)


def _sc_interp_body(c2_hbm, idx_hbm, val_hbm, out_hbm,
                    c2_v, idx_v, val_v, out_v):
    wid = lax.axis_index("s") * SC_NC + lax.axis_index("c")
    pltpu.sync_copy(c2_hbm, c2_v)
    pltpu.sync_copy(idx_hbm.at[pl.ds(wid * (CHUNK * 16), CHUNK * 16)], idx_v)
    pltpu.sync_copy(val_hbm.at[pl.ds(wid * (CHUNK * 16), CHUNK * 16)], val_v)
    iota = lax.iota(jnp.int32, 16)
    for g in range(GROUPS):
        lane_pt = g * 16 + iota
        nacc = jnp.zeros((16,), jnp.float32)
        ax = jnp.zeros((16,), jnp.float32)
        ay = jnp.zeros((16,), jnp.float32)
        az = jnp.zeros((16,), jnp.float32)
        for t in range(K5):
            pos = lane_pt * 16 + t
            iv = plsc.load_gather(idx_v, [pos])
            dv = plsc.load_gather(val_v, [pos])
            w = 1.0 / (dv + 1e-8)
            nacc = nacc + w
            iv3 = iv * 3
            ax = ax + w * plsc.load_gather(c2_v, [iv3])
            ay = ay + w * plsc.load_gather(c2_v, [iv3 + 1])
            az = az + w * plsc.load_gather(c2_v, [iv3 + 2])
        opos = lane_pt * 3
        plsc.store_scatter(out_v, [opos], ax / nacc)
        plsc.store_scatter(out_v, [opos + 1], ay / nacc)
        plsc.store_scatter(out_v, [opos + 2], az / nacc)
    pltpu.sync_copy(out_v, out_hbm.at[pl.ds(wid * (CHUNK * 3), CHUNK * 3)])


def _sc_interp_call(c2_flat, idx_flat, val_flat):
    mesh = plsc.VectorSubcoreMesh(core_axis_name="c", subcore_axis_name="s")
    fn = functools.partial(
        pl.kernel,
        mesh=mesh,
        compiler_params=pltpu.CompilerParams(needs_layout_passes=False),
        out_type=jax.ShapeDtypeStruct((N * 3,), jnp.float32),
        scratch_types=[
            pltpu.VMEM((N * 3,), jnp.float32),
            pltpu.VMEM((CHUNK * 16,), jnp.int32),
            pltpu.VMEM((CHUNK * 16,), jnp.float32),
            pltpu.VMEM((CHUNK * 3,), jnp.float32),
        ],
    )(_sc_interp_body)
    return fn(c2_flat, idx_flat, val_flat)


def kernel(registration_pred, registration_gt, coords):
    flow = registration_pred[0]
    pc1 = coords
    pc2 = coords + registration_gt[0]
    warp = pc1 + flow

    pc1T = pc1.T
    pc2T = pc2.T
    flowT = flow.T

    c2 = _self1_call(pc2, pc2T, pc2)
    _dist2, ch, idxw2, valw2 = _cross_call(warp, pc2T)
    inter = _sc_interp_call(c2.reshape(-1), idxw2.reshape(-1),
                            valw2.reshape(-1)).reshape(N, 3)
    mc, sm = _self2_call(pc1, pc1T, warp, flowT, flow)
    cv = _cv_call(inter, mc)

    chamfer = ch[0, 0]
    curv = cv[0, 0]
    smooth = sm[0, 0] / 8.0

    alpha = 0.02
    total = alpha * chamfer + 0.3 * (alpha * curv) + alpha * smooth
    return jnp.reshape(total, (1,))

# --- scband reference (transcript-rebuilt; emitter-appended) ---
"""Pipeline reference for scband-point-pwc-65987877535945 (READ-ONLY COPY).

The authoritative reference and input builder live on the scoring server;
editing this copy changes nothing except your own understanding.
"""

import jax, jax.numpy as jnp
import numpy as np


def square_distance(src, dst):
    # src: [B, N, 3], dst: [B, M, 3]
    dist = -2.0 * jnp.matmul(src, jnp.transpose(dst, (0, 2, 1)))
    dist = dist + jnp.sum(src ** 2, axis=-1)[:, :, None]
    dist = dist + jnp.sum(dst ** 2, axis=-1)[:, None, :]
    return dist


def index_points_group(points, knn_idx):
    # points: [B, N, C], knn_idx: [B, N, K] -> [B, N, K, C]
    return jax.vmap(lambda p, idx: p[idx])(points, knn_idx)


def topk_smallest(x, k):
    neg_vals, idx = jax.lax.top_k(-x, k)
    return -neg_vals, idx


def computeChamfer(pc1, pc2):
    # pc1: [B, 3, N], pc2: [B, 3, M]
    pc1 = jnp.transpose(pc1, (0, 2, 1))
    pc2 = jnp.transpose(pc2, (0, 2, 1))
    sqrdist12 = square_distance(pc1, pc2)
    dist1 = jnp.min(sqrdist12, axis=-1)
    dist2 = jnp.min(sqrdist12, axis=1)
    return dist1, dist2


def computeSmooth(pc1, pred_flow):
    pc1 = jnp.transpose(pc1, (0, 2, 1))
    pred_flow = jnp.transpose(pred_flow, (0, 2, 1))
    sqrdist = square_distance(pc1, pc1)
    _, kidx = topk_smallest(sqrdist, 9)
    grouped_flow = index_points_group(pred_flow, kidx)
    diff_flow = jnp.sum(jnp.linalg.norm(grouped_flow - pred_flow[:, :, None, :], axis=3), axis=2) / 8.0
    return diff_flow


def curvature(pc):
    pc = jnp.transpose(pc, (0, 2, 1))
    sqrdist = square_distance(pc, pc)
    _, kidx = topk_smallest(sqrdist, 10)
    grouped_pc = index_points_group(pc, kidx)
    pc_curvature = jnp.sum(grouped_pc - pc[:, :, None, :], axis=2) / 9.0
    return pc_curvature


def curvatureWarp(pc, warped_pc):
    warped_pc = jnp.transpose(warped_pc, (0, 2, 1))
    pc = jnp.transpose(pc, (0, 2, 1))
    sqrdist = square_distance(pc, pc)
    _, kidx = topk_smallest(sqrdist, 10)
    grouped_pc = index_points_group(warped_pc, kidx)
    pc_curvature = jnp.sum(grouped_pc - warped_pc[:, :, None, :], axis=2) / 9.0
    return pc_curvature


def interpolateCurvature(pc1, pc2, pc2_curvature):
    B, _, N = pc1.shape
    pc1 = jnp.transpose(pc1, (0, 2, 1))
    pc2 = jnp.transpose(pc2, (0, 2, 1))
    sqrdist12 = square_distance(pc1, pc2)
    dist, knn_idx = topk_smallest(sqrdist12, 5)
    grouped_pc2_curvature = index_points_group(pc2_curvature, knn_idx)
    norm = jnp.sum(1.0 / (dist + 1e-08), axis=2, keepdims=True)
    weight = 1.0 / (dist + 1e-08) / norm
    inter_pc2_curvature = jnp.sum(weight.reshape(B, N, 5, 1) * grouped_pc2_curvature, axis=2)
    return inter_pc2_curvature


def multiScaleChamferSmoothCurvature(pc1, pc2, pred_flows):
    f_curvature = 0.3
    f_smoothness = 1.0
    f_chamfer = 1.0
    num_scale = pred_flows.shape[0]
    alpha = [0.02, 0.04, 0.08, 0.16]
    chamfer_loss = jnp.zeros(1)
    smoothness_loss = jnp.zeros(1)
    curvature_loss = jnp.zeros(1)
    for i in range(num_scale):
        cur_pc1 = jnp.transpose(pc1[i][None], (0, 2, 1))
        cur_pc2 = jnp.transpose(pc2[i][None], (0, 2, 1))
        cur_flow = jnp.transpose(pred_flows[i][None], (0, 2, 1))
        cur_pc2_curvature = curvature(cur_pc2)
        cur_pc1_warp = cur_pc1 + cur_flow
        dist1, dist2 = computeChamfer(cur_pc1_warp, cur_pc2)
        moved_pc1_curvature = curvatureWarp(cur_pc1, cur_pc1_warp)
        chamferLoss = jnp.mean(jnp.sum(dist1, axis=1)) + jnp.mean(jnp.sum(dist2, axis=1))
        smoothnessLoss = jnp.mean(jnp.sum(computeSmooth(cur_pc1, cur_flow), axis=1))
        inter_pc2_curvature = interpolateCurvature(cur_pc1_warp, cur_pc2, cur_pc2_curvature)
        curvatureLoss = jnp.mean(jnp.sum(jnp.sum((inter_pc2_curvature - moved_pc1_curvature) ** 2, axis=2), axis=1))
        chamfer_loss = chamfer_loss + alpha[i] * chamferLoss
        smoothness_loss = smoothness_loss + alpha[i] * smoothnessLoss
        curvature_loss = curvature_loss + alpha[i] * curvatureLoss
    total_loss = f_chamfer * chamfer_loss + f_curvature * curvature_loss + f_smoothness * smoothness_loss
    return total_loss, chamfer_loss, curvature_loss, smoothness_loss


def setup_inputs(seed: int = 0) -> dict:
    key = jax.random.key(seed)
    k1, k2, k3 = jax.random.split(key, 3)
    N = 4096
    registration_pred = jax.random.normal(k1, (1, N, 3), dtype=jnp.float32) * 0.1
    registration_gt = jax.random.normal(k2, (1, N, 3), dtype=jnp.float32) * 0.1
    coords = jax.random.normal(k3, (N, 3), dtype=jnp.float32)
    return {"registration_pred": registration_pred, "registration_gt": registration_gt, "coords": coords}


def reference(registration_pred, registration_gt, coords):
    pc1 = coords[None]
    pc2 = coords + registration_gt
    pred_flows = registration_pred
    total_loss, chamfer_loss, curvature_loss, smoothness_loss = multiScaleChamferSmoothCurvature(pc1, pc2, pred_flows)
    return total_loss

if __name__ == "__main__":
    import jax
    _d = setup_inputs()
    print(jax.jit(kernel)(*tuple(_d.values())))

</pallas_src>

<mosaic_0001>
#map = affine_map<(d0, d1) -> (0)>
module attributes {stable_mosaic.version = 14 : i64} {
  func.func @_sc_interp_body(%arg0: i32, %arg1: i32, %arg2: memref<12288xf32, #tpu.memory_space<hbm>>, %arg3: memref<65536xi32, #tpu.memory_space<hbm>>, %arg4: memref<65536xf32, #tpu.memory_space<hbm>>, %arg5: memref<12288xf32, #tpu.memory_space<hbm>>, %arg6: memref<12288xf32, #tpu.memory_space<vmem>>, %arg7: memref<2048xi32, #tpu.memory_space<vmem>>, %arg8: memref<2048xf32, #tpu.memory_space<vmem>>, %arg9: memref<384xf32, #tpu.memory_space<vmem>>) attributes {dimension_semantics = [#tpu.dimension_semantics<core_parallel>, #tpu.dimension_semantics<subcore_parallel>], iteration_bounds = array<i64: 2, 16>, scalar_prefetch = 0 : i64, scratch_operands = 4 : i64, tpu.core_type = #tpu.core_type<sc_vector_subcore>, window_params = [{transform_indices = #map}, {transform_indices = #map}, {transform_indices = #map}, {transform_indices = #map}]} {
    %mul3A = arith.constant 2 : i32
    %mul3A_0 = arith.muli %arg1, %mul3A : i32
    %add3A = arith.addi %mul3A_0, %arg0 : i32
    "tpu.region"() ({
      %run_scoped3A = tpu.sem_alloc : memref<!tpu.dma_semaphore, #tpu.memory_space<semaphore_mem>>
      tpu.enqueue_dma source(%arg2 : memref<12288xf32, #tpu.memory_space<hbm>>) target(%arg6 : memref<12288xf32, #tpu.memory_space<vmem>>) target_semaphore(%run_scoped3A : memref<!tpu.dma_semaphore, #tpu.memory_space<semaphore_mem>>)
      tpu.wait_dma2 semaphore(%run_scoped3A : memref<!tpu.dma_semaphore, #tpu.memory_space<semaphore_mem>>) src(%arg2 : memref<12288xf32, #tpu.memory_space<hbm>>) dst(%arg6 : memref<12288xf32, #tpu.memory_space<vmem>>)
      tpu.yield
    }) : () -> ()
    %mul3A_1 = arith.constant 2048 : i32
    %mul3A_2 = arith.muli %add3A, %mul3A_1 : i32
    "tpu.region"() ({
      %run_scoped3A = tpu.sem_alloc : memref<!tpu.dma_semaphore, #tpu.memory_space<semaphore_mem>>
      %dma_start3A = tpu.memref_slice %arg3[%mul3A_2] : memref<65536xi32, #tpu.memory_space<hbm>> -> memref<2048xi32, #tpu.memory_space<hbm>>
      %dma_start3A_1508 = tpu.memref_slice %arg3[%mul3A_2] : memref<65536xi32, #tpu.memory_space<hbm>> -> memref<2048xi32, #tpu.memory_space<hbm>>
      tpu.enqueue_dma source(%dma_start3A_1508 : memref<2048xi32, #tpu.memory_space<hbm>>) target(%arg7 : memref<2048xi32, #tpu.memory_space<vmem>>) target_semaphore(%run_scoped3A : memref<!tpu.dma_semaphore, #tpu.memory_space<semaphore_mem>>)
      %dma_wait3A = tpu.memref_slice %arg3[%mul3A_2] : memref<65536xi32, #tpu.memory_space<hbm>> -> memref<2048xi32, #tpu.memory_space<hbm>>
      %dma_wait3A_1509 = tpu.memref_slice %arg3[%mul3A_2] : memref<65536xi32, #tpu.memory_space<hbm>> -> memref<2048xi32, #tpu.memory_space<hbm>>
      tpu.wait_dma2 semaphore(%run_scoped3A : memref<!tpu.dma_semaphore, #tpu.memory_space<semaphore_mem>>) src(%dma_wait3A_1509 : memref<2048xi32, #tpu.memory_space<hbm>>) dst(%arg7 : memref<2048xi32, #tpu.memory_space<vmem>>)
      tpu.yield
    }) : () -> ()
    %mul3A_3 = arith.constant 2048 : i32
    %mul3A_4 = arith.muli %add3A, %mul3A_3 : i32
    "tpu.region"() ({
      %run_scoped3A = tpu.sem_alloc : memref<!tpu.dma_semaphore, #tpu.memory_space<semaphore_mem>>
      %dma_start3A = tpu.memref_slice %arg4[%mul3A_4] : memref<65536xf32, #tpu.memory_space<hbm>> -> memref<2048xf32, #tpu.memory_space<hbm>>
      %dma_start3A_1508 = tpu.memref_slice %arg4[%mul3A_4] : memref<65536xf32, #tpu.memory_space<hbm>> -> memref<2048xf32, #tpu.memory_space<hbm>>
      tpu.enqueue_dma source(%dma_start3A_1508 : memref<2048xf32, #tpu.memory_space<hbm>>) target(%arg8 : memref<2048xf32, #tpu.memory_space<vmem>>) target_semaphore(%run_scoped3A : memref<!tpu.dma_semaphore, #tpu.memory_space<semaphore_mem>>)
      %dma_wait3A = tpu.memref_slice %arg4[%mul3A_4] : memref<65536xf32, #tpu.memory_space<hbm>> -> memref<2048xf32, #tpu.memory_space<hbm>>
      %dma_wait3A_1509 = tpu.memref_slice %arg4[%mul3A_4] : memref<65536xf32, #tpu.memory_space<hbm>> -> memref<2048xf32, #tpu.memory_space<hbm>>
      tpu.wait_dma2 semaphore(%run_scoped3A : memref<!tpu.dma_semaphore, #tpu.memory_space<semaphore_mem>>) src(%dma_wait3A_1509 : memref<2048xf32, #tpu.memory_space<hbm>>) dst(%arg8 : memref<2048xf32, #tpu.memory_space<vmem>>)
      tpu.yield
    }) : () -> ()
    %iota3A = tpu.iota {dimensions = array<i32: 0>} : vector<16xi32>
    %add3A_5 = arith.constant 0 : i32
    %add3A_6 = vector.broadcast %add3A_5 : i32 to vector<16xi32>
    %add3A_7 = arith.addi %add3A_6, %iota3A : vector<16xi32>
    %broadcast_in_dim3A = arith.constant 0.000000e+00 : f32
    %broadcast_in_dim3A_8 = vector.broadcast %broadcast_in_dim3A : f32 to vector<16xf32>
    %broadcast_in_dim3A_9 = arith.constant 0.000000e+00 : f32
    %broadcast_in_dim3A_10 = vector.broadcast %broadcast_in_dim3A_9 : f32 to vector<16xf32>
    %broadcast_in_dim3A_11 = arith.constant 0.000000e+00 : f32
    %broadcast_in_dim3A_12 = vector.broadcast %broadcast_in_dim3A_11 : f32 to vector<16xf32>
    %broadcast_in_dim3A_13 = arith.constant 0.000000e+00 : f32
    %broadcast_in_dim3A_14 = vector.broadcast %broadcast_in_dim3A_13 : f32 to vector<16xf32>
    %mul3A_15 = arith.constant 16 : i32
    %mul3A_16 = vector.broadcast %mul3A_15 : i32 to vector<16xi32>
    %mul3A_17 = arith.muli %add3A_7, %mul3A_16 : vector<16xi32>
    %add3A_18 = arith.constant 0 : i32
    %add3A_19 = vector.broadcast %add3A_18 : i32 to vector<16xi32>
    %add3A_20 = arith.addi %mul3A_17, %add3A_19 : vector<16xi32>
    %gather3A = tpu.vector_load_idx %arg7[%add3A_20] : memref<2048xi32, #tpu.memory_space<vmem>>[vector<16xi32>], vector<16xi32>,
    %gather3A_21 = tpu.vector_load_idx %arg8[%add3A_20] : memref<2048xf32, #tpu.memory_space<vmem>>[vector<16xi32>], vector<16xf32>,
    %add3A_22 = arith.constant 9.99999993E-9 : f32
    %add3A_23 = vector.broadcast %add3A_22 : f32 to vector<16xf32>
    %add3A_24 = arith.addf %gather3A_21, %add3A_23 : vector<16xf32>
    %div3A = arith.constant 1.000000e+00 : f32
    %div3A_25 = vector.broadcast %div3A : f32 to vector<16xf32>
    %div3A_26 = arith.divf %div3A_25, %add3A_24 : vector<16xf32>
    %add3A_27 = arith.addf %broadcast_in_dim3A_8, %div3A_26 : vector<16xf32>
    %mul3A_28 = arith.constant 3 : i32
    %mul3A_29 = vector.broadcast %mul3A_28 : i32 to vector<16xi32>
    %mul3A_30 = arith.muli %gather3A, %mul3A_29 : vector<16xi32>
    %gather3A_31 = tpu.vector_load_idx %arg6[%mul3A_30] : memref<12288xf32, #tpu.memory_space<vmem>>[vector<16xi32>], vector<16xf32>,
    %mul3A_32 = arith.mulf %div3A_26, %gather3A_31 : vector<16xf32>
    %add3A_33 = arith.addf %broadcast_in_dim3A_10, %mul3A_32 : vector<16xf32>
    %add3A_34 = arith.constant 1 : i32
    %add3A_35 = vector.broadcast %add3A_34 : i32 to vector<16xi32>
    %add3A_36 = arith.addi %mul3A_30, %add3A_35 : vector<16xi32>
    %gather3A_37 = tpu.vector_load_idx %arg6[%add3A_36] : memref<12288xf32, #tpu.memory_space<vmem>>[vector<16xi32>], vector<16xf32>,
    %mul3A_38 = arith.mulf %div3A_26, %gather3A_37 : vector<16xf32>
    %add3A_39 = arith.addf %broadcast_in_dim3A_12, %mul3A_38 : vector<16xf32>
    %add3A_40 = arith.constant 2 : i32
    %add3A_41 = vector.broadcast %add3A_40 : i32 to vector<16xi32>
    %add3A_42 = arith.addi %mul3A_30, %add3A_41 : vector<16xi32>
    %gather3A_43 = tpu.vector_load_idx %arg6[%add3A_42] : memref<12288xf32, #tpu.memory_space<vmem>>[vector<16xi32>], vector<16xf32>,
    %mul3A_44 = arith.mulf %div3A_26, %gather3A_43 : vector<16xf32>
    %add3A_45 = arith.addf %broadcast_in_dim3A_14, %mul3A_44 : vector<16xf32>
    %mul3A_46 = arith.constant 16 : i32
    %mul3A_47 = vector.broadcast %mul3A_46 : i32 to vector<16xi32>
    %mul3A_48 = arith.muli %add3A_7, %mul3A_47 : vector<16xi32>
    %add3A_49 = arith.constant 1 : i32
    %add3A_50 = vector.broadcast %add3A_49 : i32 to vector<16xi32>
    %add3A_51 = arith.addi %mul3A_48, %add3A_50 : vector<16xi32>
    %gather3A_52 = tpu.vector_load_idx %arg7[%add3A_51] : memref<2048xi32, #tpu.memory_space<vmem>>[vector<16xi32>], vector<16xi32>,
    %gather3A_53 = tpu.vector_load_idx %arg8[%add3A_51] : memref<2048xf32, #tpu.memory_space<vmem>>[vector<16xi32>], vector<16xf32>,
    %add3A_54 = arith.constant 9.99999993E-9 : f32
    %add3A_55 = vector.broadcast %add3A_54 : f32 to vector<16xf32>
    %add3A_56 = arith.addf %gather3A_53, %add3A_55 : vector<16xf32>
    %div3A_57 = arith.constant 1.000000e+00 : f32
    %div3A_58 = vector.broadcast %div3A_57 : f32 to vector<16xf32>
    %div3A_59 = arith.divf %div3A_58, %add3A_56 : vector<16xf32>
    %add3A_60 = arith.addf %add3A_27, %div3A_59 : vector<16xf32>
    %mul3A_61 = arith.constant 3 : i32
    %mul3A_62 = vector.broadcast %mul3A_61 : i32 to vector<16xi32>
    %mul3A_63 = arith.muli %gather3A_52, %mul3A_62 : vector<16xi32>
    %gather3A_64 = tpu.vector_load_idx %arg6[%mul3A_63] : memref<12288xf32, #tpu.memory_space<vmem>>[vector<16xi32>], vector<16xf32>,
    %mul3A_65 = arith.mulf %div3A_59, %gather3A_64 : vector<16xf32>
    %add3A_66 = arith.addf %add3A_33, %mul3A_65 : vector<16xf32>
    %add3A_67 = arith.constant 1 : i32
    %add3A_68 = vector.broadcast %add3A_67 : i32 to vector<16xi32>
    %add3A_69 = arith.addi %mul3A_63, %add3A_68 : vector<16xi32>
    %gather3A_70 = tpu.vector_load_idx %arg6[%add3A_69] : memref<12288xf32, #tpu.memory_space<vmem>>[vector<16xi32>], vector<16xf32>,
    %mul3A_71 = arith.mulf %div3A_59, %gather3A_70 : vector<16xf32>
    %add3A_72 = arith.addf %add3A_39, %mul3A_71 : vector<16xf32>
    %add3A_73 = arith.constant 2 : i32
    %add3A_74 = vector.broadcast %add3A_73 : i32 to vector<16xi32>
    %add3A_75 = arith.addi %mul3A_63, %add3A_74 : vector<16xi32>
    %gather3A_76 = tpu.vector_load_idx %arg6[%add3A_75] : memref<12288xf32, #tpu.memory_space<vmem>>[vector<16xi32>], vector<16xf32>,
    %mul3A_77 = arith.mulf %div3A_59, %gather3A_76 : vector<16xf32>
    %add3A_78 = arith.addf %add3A_45, %mul3A_77 : vector<16xf32>
    %mul3A_79 = arith.constant 16 : i32
    %mul3A_80 = vector.broadcast %mul3A_79 : i32 to vector<16xi32>
    %mul3A_81 = arith.muli %add3A_7, %mul3A_80 : vector<16xi32>
    %add3A_82 = arith.constant 2 : i32
    %add3A_83 = vector.broadcast %add3A_82 : i32 to vector<16xi32>
    %add3A_84 = arith.addi %mul3A_81, %add3A_83 : vector<16xi32>
    %gather3A_85 = tpu.vector_load_idx %arg7[%add3A_84] : memref<2048xi32, #tpu.memory_space<vmem>>[vector<16xi32>], vector<16xi32>,
    %gather3A_86 = tpu.vector_load_idx %arg8[%add3A_84] : memref<2048xf32, #tpu.memory_space<vmem>>[vector<16xi32>], vector<16xf32>,
    %add3A_87 = arith.constant 9.99999993E-9 : f32
    %add3A_88 = vector.broadcast %add3A_87 : f32 to vector<16xf32>
    %add3A_89 = arith.addf %gather3A_86, %add3A_88 : vector<16xf32>
    %div3A_90 = arith.constant 1.000000e+00 : f32
    %div3A_91 = vector.broadcast %div3A_90 : f32 to vector<16xf32>
    %div3A_92 = arith.divf %div3A_91, %add3A_89 : vector<16xf32>
    %add3A_93 = arith.addf %add3A_60, %div3A_92 : vector<16xf32>
    %mul3A_94 = arith.constant 3 : i32
    %mul3A_95 = vector.broadcast %mul3A_94 : i32 to vector<16xi32>
    %mul3A_96 = arith.muli %gather3A_85, %mul3A_95 : vector<16xi32>
    %gather3A_97 = tpu.vector_load_idx %arg6[%mul3A_96] : memref<12288xf32, #tpu.memory_space<vmem>>[vector<16xi32>], vector<16xf32>,
    %mul3A_98 = arith.mulf %div3A_92, %gather3A_97 : vector<16xf32>
    %add3A_99 = arith.addf %add3A_66, %mul3A_98 : vector<16xf32>
    %add3A_100 = arith.constant 1 : i32
    %add3A_101 = vector.broadcast %add3A_100 : i32 to vector<16xi32>
    %add3A_102 = arith.addi %mul3A_96, %add3A_101 : vector<16xi32>
    %gather3A_103 = tpu.vector_load_idx %arg6[%add3A_102] : memref<12288xf32, #tpu.memory_space<vmem>>[vector<16xi32>], vector<16xf32>,
    %mul3A_104 = arith.mulf %div3A_92, %gather3A_103 : vector<16xf32>
    %add3A_105 = arith.addf %add3A_72, %mul3A_104 : vector<16xf32>
    %add3A_106 = arith.constant 2 : i32
    %add3A_107 = vector.broadcast %add3A_106 : i32 to vector<16xi32>
    %add3A_108 = arith.addi %mul3A_96, %add3A_107 : vector<16xi32>
    %gather3A_109 = tpu.vector_load_idx %arg6[%add3A_108] : memref<12288xf32, #tpu.memory_space<vmem>>[vector<16xi32>], vector<16xf32>,
    %mul3A_110 = arith.mulf %div3A_92, %gather3A_109 : vector<16xf32>
    %add3A_111 = arith.addf %add3A_78, %mul3A_110 : vector<16xf32>
    %mul3A_112 = arith.constant 16 : i32
    %mul3A_113 = vector.broadcast %mul3A_112 : i32 to vector<16xi32>
    %mul3A_114 = arith.muli %add3A_7, %mul3A_113 : vector<16xi32>
    %add3A_115 = arith.constant 3 : i32
    %add3A_116 = vector.broadcast %add3A_115 : i32 to vector<16xi32>
    %add3A_117 = arith.addi %mul3A_114, %add3A_116 : vector<16xi32>
    %gather3A_118 = tpu.vector_load_idx %arg7[%add3A_117] : memref<2048xi32, #tpu.memory_space<vmem>>[vector<16xi32>], vector<16xi32>,
    %gather3A_119 = tpu.vector_load_idx %arg8[%add3A_117] : memref<2048xf32, #tpu.memory_space<vmem>>[vector<16xi32>], vector<16xf32>,
    %add3A_120 = arith.constant 9.99999993E-9 : f32
    %add3A_121 = vector.broadcast %add3A_120 : f32 to vector<16xf32>
    %add3A_122 = arith.addf %gather3A_119, %add3A_121 : vector<16xf32>
    %div3A_123 = arith.constant 1.000000e+00 : f32
    %div3A_124 = vector.broadcast %div3A_123 : f32 to vector<16xf32>
    %div3A_125 = arith.divf %div3A_124, %add3A_122 : vector<16xf32>
    %add3A_126 = arith.addf %add3A_93, %div3A_125 : vector<16xf32>
    %mul3A_127 = arith.constant 3 : i32
    %mul3A_128 = vector.broadcast %mul3A_127 : i32 to vector<16xi32>
    %mul3A_129 = arith.muli %gather3A_118, %mul3A_128 : vector<16xi32>
    %gather3A_130 = tpu.vector_load_idx %arg6[%mul3A_129] : memref<12288xf32, #tpu.memory_space<vmem>>[vector<16xi32>], vector<16xf32>,
    %mul3A_131 = arith.mulf %div3A_125, %gather3A_130 : vector<16xf32>
    %add3A_132 = arith.addf %add3A_99, %mul3A_131 : vector<16xf32>
    %add3A_133 = arith.constant 1 : i32
    %add3A_134 = vector.broadcast %add3A_133 : i32 to vector<16xi32>
    %add3A_135 = arith.addi %mul3A_129, %add3A_134 : vector<16xi32>
    %gather3A_136 = tpu.vector_load_idx %arg6[%add3A_135] : memref<12288xf32, #tpu.memory_space<vmem>>[vector<16xi32>], vector<16xf32>,
    %mul3A_137 = arith.mulf %div3A_125, %gather3A_136 : vector<16xf32>
    %add3A_138 = arith.addf %add3A_105, %mul3A_137 : vector<16xf32>
    %add3A_139 = arith.constant 2 : i32
    %add3A_140 = vector.broadcast %add3A_139 : i32 to vector<16xi32>
    %add3A_141 = arith.addi %mul3A_129, %add3A_140 : vector<16xi32>
    %gather3A_142 = tpu.vector_load_idx %arg6[%add3A_141] : memref<12288xf32, #tpu.memory_space<vmem>>[vector<16xi32>], vector<16xf32>,
    %mul3A_143 = arith.mulf %div3A_125, %gather3A_142 : vector<16xf32>
    %add3A_144 = arith.addf %add3A_111, %mul3A_143 : vector<16xf32>
    %mul3A_145 = arith.constant 16 : i32
    %mul3A_146 = vector.broadcast %mul3A_145 : i32 to vector<16xi32>
    %mul3A_147 = arith.muli %add3A_7, %mul3A_146 : vector<16xi32>
    %add3A_148 = arith.constant 4 : i32
    %add3A_149 = vector.broadcast %add3A_148 : i32 to vector<16xi32>
    %add3A_150 = arith.addi %mul3A_147, %add3A_149 : vector<16xi32>
    %gather3A_151 = tpu.vector_load_idx %arg7[%add3A_150] : memref<2048xi32, #tpu.memory_space<vmem>>[vector<16xi32>], vector<16xi32>,
    %gather3A_152 = tpu.vector_load_idx %arg8[%add3A_150] : memref<2048xf32, #tpu.memory_space<vmem>>[vector<16xi32>], vector<16xf32>,
    %add3A_153 = arith.constant 9.99999993E-9 : f32
    %add3A_154 = vector.broadcast %add3A_153 : f32 to vector<16xf32>
    %add3A_155 = arith.addf %gather3A_152, %add3A_154 : vector<16xf32>
    %div3A_156 = arith.constant 1.000000e+00 : f32
    %div3A_157 = vector.broadcast %div3A_156 : f32 to vector<16xf32>
    %div3A_158 = arith.divf %div3A_157, %add3A_155 : vector<16xf32>
    %add3A_159 = arith.addf %add3A_126, %div3A_158 : vector<16xf32>
    %mul3A_160 = arith.constant 3 : i32
    %mul3A_161 = vector.broadcast %mul3A_160 : i32 to vector<16xi32>
    %mul3A_162 = arith.muli %gather3A_151, %mul3A_161 : vector<16xi32>
    %gather3A_163 = tpu.vector_load_idx %arg6[%mul3A_162] : memref<12288xf32, #tpu.memory_space<vmem>>[vector<16xi32>], vector<16xf32>,
    %mul3A_164 = arith.mulf %div3A_158, %gather3A_163 : vector<16xf32>
    %add3A_165 = arith.addf %add3A_132, %mul3A_164 : vector<16xf32>
    %add3A_166 = arith.constant 1 : i32
    %add3A_167 = vector.broadcast %add3A_166 : i32 to vector<16xi32>
    %add3A_168 = arith.addi %mul3A_162, %add3A_167 : vector<16xi32>
    %gather3A_169 = tpu.vector_load_idx %arg6[%add3A_168] : memref<12288xf32, #tpu.memory_space<vmem>>[vector<16xi32>], vector<16xf32>,
    %mul3A_170 = arith.mulf %div3A_158, %gather3A_169 : vector<16xf32>
    %add3A_171 = arith.addf %add3A_138, %mul3A_170 : vector<16xf32>
    %add3A_172 = arith.constant 2 : i32
    %add3A_173 = vector.broadcast %add3A_172 : i32 to vector<16xi32>
    %add3A_174 = arith.addi %mul3A_162, %add3A_173 : vector<16xi32>
    %gather3A_175 = tpu.vector_load_idx %arg6[%add3A_174] : memref<12288xf32, #tpu.memory_space<vmem>>[vector<16xi32>], vector<16xf32>,
    %mul3A_176 = arith.mulf %div3A_158, %gather3A_175 : vector<16xf32>
    %add3A_177 = arith.addf %add3A_144, %mul3A_176 : vector<16xf32>
    %mul3A_178 = arith.constant 3 : i32
    %mul3A_179 = vector.broadcast %mul3A_178 : i32 to vector<16xi32>
    %mul3A_180 = arith.muli %add3A_7, %mul3A_179 : vector<16xi32>
    %div3A_181 = arith.divf %add3A_165, %add3A_159 : vector<16xf32>
    tpu.vector_store_idx %arg9[%mul3A_180], %div3A_181 : memref<384xf32, #tpu.memory_space<vmem>>[vector<16xi32>], vector<16xf32>,
    %add3A_182 = arith.constant 1 : i32
    %add3A_183 = vector.broadcast %add3A_182 : i32 to vector<16xi32>
    %add3A_184 = arith.addi %mul3A_180, %add3A_183 : vector<16xi32>
    %div3A_185 = arith.divf %add3A_171, %add3A_159 : vector<16xf32>
    tpu.vector_store_idx %arg9[%add3A_184], %div3A_185 : memref<384xf32, #tpu.memory_space<vmem>>[vector<16xi32>], vector<16xf32>,
    %add3A_186 = arith.constant 2 : i32
    %add3A_187 = vector.broadcast %add3A_186 : i32 to vector<16xi32>
    %add3A_188 = arith.addi %mul3A_180, %add3A_187 : vector<16xi32>
    %div3A_189 = arith.divf %add3A_177, %add3A_159 : vector<16xf32>
    tpu.vector_store_idx %arg9[%add3A_188], %div3A_189 : memref<384xf32, #tpu.memory_space<vmem>>[vector<16xi32>], vector<16xf32>,
    %add3A_190 = arith.constant 16 : i32
    %add3A_191 = vector.broadcast %add3A_190 : i32 to vector<16xi32>
    %add3A_192 = arith.addi %add3A_191, %iota3A : vector<16xi32>
    %broadcast_in_dim3A_193 = arith.constant 0.000000e+00 : f32
    %broadcast_in_dim3A_194 = vector.broadcast %broadcast_in_dim3A_193 : f32 to vector<16xf32>
    %broadcast_in_dim3A_195 = arith.constant 0.000000e+00 : f32
    %broadcast_in_dim3A_196 = vector.broadcast %broadcast_in_dim3A_195 : f32 to vector<16xf32>
    %broadcast_in_dim3A_197 = arith.constant 0.000000e+00 : f32
    %broadcast_in_dim3A_198 = vector.broadcast %broadcast_in_dim3A_197 : f32 to vector<16xf32>
    %broadcast_in_dim3A_199 = arith.constant 0.000000e+00 : f32
    %broadcast_in_dim3A_200 = vector.broadcast %broadcast_in_dim3A_199 : f32 to vector<16xf32>
    %mul3A_201 = arith.constant 16 : i32
    %mul3A_202 = vector.broadcast %mul3A_201 : i32 to vector<16xi32>
    %mul3A_203 = arith.muli %add3A_192, %mul3A_202 : vector<16xi32>
    %add3A_204 = arith.constant 0 : i32
    %add3A_205 = vector.broadcast %add3A_204 : i32 to vector<16xi32>
    %add3A_206 = arith.addi %mul3A_203, %add3A_205 : vector<16xi32>
    %gather3A_207 = tpu.vector_load_idx %arg7[%add3A_206] : memref<2048xi32, #tpu.memory_space<vmem>>[vector<16xi32>], vector<16xi32>,
    %gather3A_208 = tpu.vector_load_idx %arg8[%add3A_206] : memref<2048xf32, #tpu.memory_space<vmem>>[vector<16xi32>], vector<16xf32>,
    %add3A_209 = arith.constant 9.99999993E-9 : f32
    %add3A_210 = vector.broadcast %add3A_209 : f32 to vector<16xf32>
    %add3A_211 = arith.addf %gather3A_208, %add3A_210 : vector<16xf32>
    %div3A_212 = arith.constant 1.000000e+00 : f32
    %div3A_213 = vector.broadcast %div3A_212 : f32 to vector<16xf32>
    %div3A_214 = arith.divf %div3A_213, %add3A_211 : vector<16xf32>
    %add3A_215 = arith.addf %broadcast_in_dim3A_194, %div3A_214 : vector<16xf32>
    %mul3A_216 = arith.constant 3 : i32
    %mul3A_217 = vector.broadcast %mul3A_216 : i32 to vector<16xi32>
    %mul3A_218 = arith.muli %gather3A_207, %mul3A_217 : vector<16xi32>
    %gather3A_219 = tpu.vector_load_idx %arg6[%mul3A_218] : memref<12288xf32, #tpu.memory_space<vmem>>[vector<16xi32>], vector<16xf32>,
    %mul3A_220 = arith.mulf %div3A_214, %gather3A_219 : vector<16xf32>
    %add3A_221 = arith.addf %broadcast_in_dim3A_196, %mul3A_220 : vector<16xf32>
    %add3A_222 = arith.constant 1 : i32
    %add3A_223 = vector.broadcast %add3A_222 : i32 to vector<16xi32>
    %add3A_224 = arith.addi %mul3A_218, %add3A_223 : vector<16xi32>
    %gather3A_225 = tpu.vector_load_idx %arg6[%add3A_224] : memref<12288xf32, #tpu.memory_space<vmem>>[vector<16xi32>], vector<16xf32>,
    %mul3A_226 = arith.mulf %div3A_214, %gather3A_225 : vector<16xf32>
    %add3A_227 = arith.addf %broadcast_in_dim3A_198, %mul3A_226 : vector<16xf32>
    %add3A_228 = arith.constant 2 : i32
    %add3A_229 = vector.broadcast %add3A_228 : i32 to vector<16xi32>
    %add3A_230 = arith.addi %mul3A_218, %add3A_229 : vector<16xi32>
    %gather3A_231 = tpu.vector_load_idx %arg6[%add3A_230] : memref<12288xf32, #tpu.memory_space<vmem>>[vector<16xi32>], vector<16xf32>,
    %mul3A_232 = arith.mulf %div3A_214, %gather3A_231 : vector<16xf32>
    %add3A_233 = arith.addf %broadcast_in_dim3A_200, %mul3A_232 : vector<16xf32>
    %mul3A_234 = arith.constant 16 : i32
    %mul3A_235 = vector.broadcast %mul3A_234 : i32 to vector<16xi32>
    %mul3A_236 = arith.muli %add3A_192, %mul3A_235 : vector<16xi32>
    %add3A_237 = arith.constant 1 : i32
    %add3A_238 = vector.broadcast %add3A_237 : i32 to vector<16xi32>
    %add3A_239 = arith.addi %mul3A_236, %add3A_238 : vector<16xi32>
    %gather3A_240 = tpu.vector_load_idx %arg7[%add3A_239] : memref<2048xi32, #tpu.memory_space<vmem>>[vector<16xi32>], vector<16xi32>,
    %gather3A_241 = tpu.vector_load_idx %arg8[%add3A_239] : memref<2048xf32, #tpu.memory_space<vmem>>[vector<16xi32>], vector<16xf32>,
    %add3A_242 = arith.constant 9.99999993E-9 : f32
    %add3A_243 = vector.broadcast %add3A_242 : f32 to vector<16xf32>
    %add3A_244 = arith.addf %gather3A_241, %add3A_243 : vector<16xf32>
    %div3A_245 = arith.constant 1.000000e+00 : f32
    %div3A_246 = vector.broadcast %div3A_245 : f32 to vector<16xf32>
    %div3A_247 = arith.divf %div3A_246, %add3A_244 : vector<16xf32>
    %add3A_248 = arith.addf %add3A_215, %div3A_247 : vector<16xf32>
    %mul3A_249 = arith.constant 3 : i32
    %mul3A_250 = vector.broadcast %mul3A_249 : i32 to vector<16xi32>
    %mul3A_251 = arith.muli %gather3A_240, %mul3A_250 : vector<16xi32>
    %gather3A_252 = tpu.vector_load_idx %arg6[%mul3A_251] : memref<12288xf32, #tpu.memory_space<vmem>>[vector<16xi32>], vector<16xf32>,
    %mul3A_253 = arith.mulf %div3A_247, %gather3A_252 : vector<16xf32>
    %add3A_254 = arith.addf %add3A_221, %mul3A_253 : vector<16xf32>
    %add3A_255 = arith.constant 1 : i32
    %add3A_256 = vector.broadcast %add3A_255 : i32 to vector<16xi32>
    %add3A_257 = arith.addi %mul3A_251, %add3A_256 : vector<16xi32>
    %gather3A_258 = tpu.vector_load_idx %arg6[%add3A_257] : memref<12288xf32, #tpu.memory_space<vmem>>[vector<16xi32>], vector<16xf32>,
    %mul3A_259 = arith.mulf %div3A_247, %gather3A_258 : vector<16xf32>
    %add3A_260 = arith.addf %add3A_227, %mul3A_259 : vector<16xf32>
    %add3A_261 = arith.constant 2 : i32
    %add3A_262 = vector.broadcast %add3A_261 : i32 to vector<16xi32>
    %add3A_263 = arith.addi %mul3A_251, %add3A_262 : vector<16xi32>
    %gather3A_264 = tpu.vector_load_idx %arg6[%add3A_263] : memref<12288xf32, #tpu.memory_space<vmem>>[vector<16xi32>], vector<16xf32>,
    %mul3A_265 = arith.mulf %div3A_247, %gather3A_264 : vector<16xf32>
    %add3A_266 = arith.addf %add3A_233, %mul3A_265 : vector<16xf32>
    %mul3A_267 = arith.constant 16 : i32
    %mul3A_268 = vector.broadcast %mul3A_267 : i32 to vector<16xi32>
    %mul3A_269 = arith.muli %add3A_192, %mul3A_268 : vector<16xi32>
    %add3A_270 = arith.constant 2 : i32
    %add3A_271 = vector.broadcast %add3A_270 : i32 to vector<16xi32>
    %add3A_272 = arith.addi %mul3A_269, %add3A_271 : vector<16xi32>
    %gather3A_273 = tpu.vector_load_idx %arg7[%add3A_272] : memref<2048xi32, #tpu.memory_space<vmem>>[vector<16xi32>], vector<16xi32>,
    %gather3A_274 = tpu.vector_load_idx %arg8[%add3A_272] : memref<2048xf32, #tpu.memory_space<vmem>>[vector<16xi32>], vector<16xf32>,
    %add3A_275 = arith.constant 9.99999993E-9 : f32
    %add3A_276 = vector.broadcast %add3A_275 : f32 to vector<16xf32>
    %add3A_277 = arith.addf %gather3A_274, %add3A_276 : vector<16xf32>
    %div3A_278 = arith.constant 1.000000e+00 : f32
    %div3A_279 = vector.broadcast %div3A_278 : f32 to vector<16xf32>
    %div3A_280 = arith.divf %div3A_279, %add3A_277 : vector<16xf32>
    %add3A_281 = arith.addf %add3A_248, %div3A_280 : vector<16xf32>
    %mul3A_282 = arith.constant 3 : i32
    %mul3A_283 = vector.broadcast %mul3A_282 : i32 to vector<16xi32>
    %mul3A_284 = arith.muli %gather3A_273, %mul3A_283 : vector<16xi32>
    %gather3A_285 = tpu.vector_load_idx %arg6[%mul3A_284] : memref<12288xf32, #tpu.memory_space<vmem>>[vector<16xi32>], vector<16xf32>,
    %mul3A_286 = arith.mulf %div3A_280, %gather3A_285 : vector<16xf32>
    %add3A_287 = arith.addf %add3A_254, %mul3A_286 : vector<16xf32>
    %add3A_288 = arith.constant 1 : i32
    %add3A_289 = vector.broadcast %add3A_288 : i32 to vector<16xi32>
    %add3A_290 = arith.addi %mul3A_284, %add3A_289 : vector<16xi32>
    %gather3A_291 = tpu.vector_load_idx %arg6[%add3A_290] : memref<12288xf32, #tpu.memory_space<vmem>>[vector<16xi32>], vector<16xf32>,
    %mul3A_292 = arith.mulf %div3A_280, %gather3A_291 : vector<16xf32>
    %add3A_293 = arith.addf %add3A_260, %mul3A_292 : vector<16xf32>
    %add3A_294 = arith.constant 2 : i32
    %add3A_295 = vector.broadcast %add3A_294 : i32 to vector<16xi32>
    %add3A_296 = arith.addi %mul3A_284, %add3A_295 : vector<16xi32>
    %gather3A_297 = tpu.vector_load_idx %arg6[%add3A_296] : memref<12288xf32, #tpu.memory_space<vmem>>[vector<16xi32>], vector<16xf32>,
    %mul3A_298 = arith.mulf %div3A_280, %gather3A_297 : vector<16xf32>
    %add3A_299 = arith.addf %add3A_266, %mul3A_298 : vector<16xf32>
    %mul3A_300 = arith.constant 16 : i32
    %mul3A_301 = vector.broadcast %mul3A_300 : i32 to vector<16xi32>
    %mul3A_302 = arith.muli %add3A_192, %mul3A_301 : vector<16xi32>
    %add3A_303 = arith.constant 3 : i32
    %add3A_304 = vector.broadcast %add3A_303 : i32 to vector<16xi32>
    %add3A_305 = arith.addi %mul3A_302, %add3A_304 : vector<16xi32>
    %gather3A_306 = tpu.vector_load_idx %arg7[%add3A_305] : memref<2048xi32, #tpu.memory_space<vmem>>[vector<16xi32>], vector<16xi32>,
    %gather3A_307 = tpu.vector_load_idx %arg8[%add3A_305] : memref<2048xf32, #tpu.memory_space<vmem>>[vector<16xi32>], vector<16xf32>,
    %add3A_308 = arith.constant 9.99999993E-9 : f32
    %add3A_309 = vector.broadcast %add3A_308 : f32 to vector<16xf32>
    %add3A_310 = arith.addf %gather3A_307, %add3A_309 : vector<16xf32>
    %div3A_311 = arith.constant 1.000000e+00 : f32
    %div3A_312 = vector.broadcast %div3A_311 : f32 to vector<16xf32>
    %div3A_313 = arith.divf %div3A_312, %add3A_310 : vector<16xf32>
    %add3A_314 = arith.addf %add3A_281, %div3A_313 : vector<16xf32>
    %mul3A_315 = arith.constant 3 : i32
    %mul3A_316 = vector.broadcast %mul3A_315 : i32 to vector<16xi32>
    %mul3A_317 = arith.muli %gather3A_306, %mul3A_316 : vector<16xi32>
    %gather3A_318 = tpu.vector_load_idx %arg6[%mul3A_317] : memref<12288xf32, #tpu.memory_space<vmem>>[vector<16xi32>], vector<16xf32>,
    %mul3A_319 = arith.mulf %div3A_313, %gather3A_318 : vector<16xf32>
    %add3A_320 = arith.addf %add3A_287, %mul3A_319 : vector<16xf32>
    %add3A_321 = arith.constant 1 : i32
    %add3A_322 = vector.broadcast %add3A_321 : i32 to vector<16xi32>
    %add3A_323 = arith.addi %mul3A_317, %add3A_322 : vector<16xi32>
    %gather3A_324 = tpu.vector_load_idx %arg6[%add3A_323] : memref<12288xf32, #tpu.memory_space<vmem>>[vector<16xi32>], vector<16xf32>,
    %mul3A_325 = arith.mulf %div3A_313, %gather3A_324 : vector<16xf32>
    %add3A_326 = arith.addf %add3A_293, %mul3A_325 : vector<16xf32>
    %add3A_327 = arith.constant 2 : i32
    %add3A_328 = vector.broadcast %add3A_327 : i32 to vector<16xi32>
    %add3A_329 = arith.addi %mul3A_317, %add3A_328 : vector<16xi32>
    %gather3A_330 = tpu.vector_load_idx %arg6[%add3A_329] : memref<12288xf32, #tpu.memory_space<vmem>>[vector<16xi32>], vector<16xf32>,
    %mul3A_331 = arith.mulf %div3A_313, %gather3A_330 : vector<16xf32>
    %add3A_332 = arith.addf %add3A_299, %mul3A_331 : vector<16xf32>
    %mul3A_333 = arith.constant 16 : i32
    %mul3A_334 = vector.broadcast %mul3A_333 : i32 to vector<16xi32>
    %mul3A_335 = arith.muli %add3A_192, %mul3A_334 : vector<16xi32>
    %add3A_336 = arith.constant 4 : i32
    %add3A_337 = vector.broadcast %add3A_336 : i32 to vector<16xi32>
    %add3A_338 = arith.addi %mul3A_335, %add3A_337 : vector<16xi32>
    %gather3A_339 = tpu.vector_load_idx %arg7[%add3A_338] : memref<2048xi32, #tpu.memory_space<vmem>>[vector<16xi32>], vector<16xi32>,
    %gather3A_340 = tpu.vector_load_idx %arg8[%add3A_338] : memref<2048xf32, #tpu.memory_space<vmem>>[vector<16xi32>], vector<16xf32>,
    %add3A_341 = arith.constant 9.99999993E-9 : f32
    %add3A_342 = vector.broadcast %add3A_341 : f32 to vector<16xf32>
    %add3A_343 = arith.addf %gather3A_340, %add3A_342 : vector<16xf32>
    %div3A_344 = arith.constant 1.000000e+00 : f32
    %div3A_345 = vector.broadcast %div3A_344 : f32 to vector<16xf32>
    %div3A_346 = arith.divf %div3A_345, %add3A_343 : vector<16xf32>
    %add3A_347 = arith.addf %add3A_314, %div3A_346 : vector<16xf32>
    %mul3A_348 = arith.constant 3 : i32
    %mul3A_349 = vector.broadcast %mul3A_348 : i32 to vector<16xi32>
    %mul3A_350 = arith.muli %gather3A_339, %mul3A_349 : vector<16xi32>
    %gather3A_351 = tpu.vector_load_idx %arg6[%mul3A_350] : memref<12288xf32, #tpu.memory_space<vmem>>[vector<16xi32>], vector<16xf32>,
    %mul3A_352 = arith.mulf %div3A_346, %gather3A_351 : vector<16xf32>
    %add3A_353 = arith.addf %add3A_320, %mul3A_352 : vector<16xf32>
    %add3A_354 = arith.constant 1 : i32
    %add3A_355 = vector.broadcast %add3A_354 : i32 to vector<16xi32>
    %add3A_356 = arith.addi %mul3A_350, %add3A_355 : vector<16xi32>
    %gather3A_357 = tpu.vector_load_idx %arg6[%add3A_356] : memref<12288xf32, #tpu.memory_space<vmem>>[vector<16xi32>], vector<16xf32>,
    %mul3A_358 = arith.mulf %div3A_346, %gather3A_357 : vector<16xf32>
    %add3A_359 = arith.addf %add3A_326, %mul3A_358 : vector<16xf32>
    %add3A_360 = arith.constant 2 : i32
    %add3A_361 = vector.broadcast %add3A_360 : i32 to vector<16xi32>
    %add3A_362 = arith.addi %mul3A_350, %add3A_361 : vector<16xi32>
    %gather3A_363 = tpu.vector_load_idx %arg6[%add3A_362] : memref<12288xf32, #tpu.memory_space<vmem>>[vector<16xi32>], vector<16xf32>,
    %mul3A_364 = arith.mulf %div3A_346, %gather3A_363 : vector<16xf32>
    %add3A_365 = arith.addf %add3A_332, %mul3A_364 : vector<16xf32>
    %mul3A_366 = arith.constant 3 : i32
    %mul3A_367 = vector.broadcast %mul3A_366 : i32 to vector<16xi32>
    %mul3A_368 = arith.muli %add3A_192, %mul3A_367 : vector<16xi32>
    %div3A_369 = arith.divf %add3A_353, %add3A_347 : vector<16xf32>
    tpu.vector_store_idx %arg9[%mul3A_368], %div3A_369 : memref<384xf32, #tpu.memory_space<vmem>>[vector<16xi32>], vector<16xf32>,
    %add3A_370 = arith.constant 1 : i32
    %add3A_371 = vector.broadcast %add3A_370 : i32 to vector<16xi32>
    %add3A_372 = arith.addi %mul3A_368, %add3A_371 : vector<16xi32>
    %div3A_373 = arith.divf %add3A_359, %add3A_347 : vector<16xf32>
    tpu.vector_store_idx %arg9[%add3A_372], %div3A_373 : memref<384xf32, #tpu.memory_space<vmem>>[vector<16xi32>], vector<16xf32>,
    %add3A_374 = arith.constant 2 : i32
    %add3A_375 = vector.broadcast %add3A_374 : i32 to vector<16xi32>
    %add3A_376 = arith.addi %mul3A_368, %add3A_375 : vector<16xi32>
    %div3A_377 = arith.divf %add3A_365, %add3A_347 : vector<16xf32>
    tpu.vector_store_idx %arg9[%add3A_376], %div3A_377 : memref<384xf32, #tpu.memory_space<vmem>>[vector<16xi32>], vector<16xf32>,
    %add3A_378 = arith.constant 32 : i32
    %add3A_379 = vector.broadcast %add3A_378 : i32 to vector<16xi32>
    %add3A_380 = arith.addi %add3A_379, %iota3A : vector<16xi32>
    %broadcast_in_dim3A_381 = arith.constant 0.000000e+00 : f32
    %broadcast_in_dim3A_382 = vector.broadcast %broadcast_in_dim3A_381 : f32 to vector<16xf32>
    %broadcast_in_dim3A_383 = arith.constant 0.000000e+00 : f32
    %broadcast_in_dim3A_384 = vector.broadcast %broadcast_in_dim3A_383 : f32 to vector<16xf32>
    %broadcast_in_dim3A_385 = arith.constant 0.000000e+00 : f32
    %broadcast_in_dim3A_386 = vector.broadcast %broadcast_in_dim3A_385 : f32 to vector<16xf32>
    %broadcast_in_dim3A_387 = arith.constant 0.000000e+00 : f32
    %broadcast_in_dim3A_388 = vector.broadcast %broadcast_in_dim3A_387 : f32 to vector<16xf32>
    %mul3A_389 = arith.constant 16 : i32
    %mul3A_390 = vector.broadcast %mul3A_389 : i32 to vector<16xi32>
    %mul3A_391 = arith.muli %add3A_380, %mul3A_390 : vector<16xi32>
    %add3A_392 = arith.constant 0 : i32
    %add3A_393 = vector.broadcast %add3A_392 : i32 to vector<16xi32>
    %add3A_394 = arith.addi %mul3A_391, %add3A_393 : vector<16xi32>
    %gather3A_395 = tpu.vector_load_idx %arg7[%add3A_394] : memref<2048xi32, #tpu.memory_space<vmem>>[vector<16xi32>], vector<16xi32>,
    %gather3A_396 = tpu.vector_load_idx %arg8[%add3A_394] : memref<2048xf32, #tpu.memory_space<vmem>>[vector<16xi32>], vector<16xf32>,
    %add3A_397 = arith.constant 9.99999993E-9 : f32
    %add3A_398 = vector.broadcast %add3A_397 : f32 to vector<16xf32>
    %add3A_399 = arith.addf %gather3A_396, %add3A_398 : vector<16xf32>
    %div3A_400 = arith.constant 1.000000e+00 : f32
    %div3A_401 = vector.broadcast %div3A_400 : f32 to vector<16xf32>
    %div3A_402 = arith.divf %div3A_401, %add3A_399 : vector<16xf32>
    %add3A_403 = arith.addf %broadcast_in_dim3A_382, %div3A_402 : vector<16xf32>
    %mul3A_404 = arith.constant 3 : i32
    %mul3A_405 = vector.broadcast %mul3A_404 : i32 to vector<16xi32>
    %mul3A_406 = arith.muli %gather3A_395, %mul3A_405 : vector<16xi32>
    %gather3A_407 = tpu.vector_load_idx %arg6[%mul3A_406] : memref<12288xf32, #tpu.memory_space<vmem>>[vector<16xi32>], vector<16xf32>,
    %mul3A_408 = arith.mulf %div3A_402, %gather3A_407 : vector<16xf32>
    %add3A_409 = arith.addf %broadcast_in_dim3A_384, %mul3A_408 : vector<16xf32>
    %add3A_410 = arith.constant 1 : i32
    %add3A_411 = vector.broadcast %add3A_410 : i32 to vector<16xi32>
    %add3A_412 = arith.addi %mul3A_406, %add3A_411 : vector<16xi32>
    %gather3A_413 = tpu.vector_load_idx %arg6[%add3A_412] : memref<12288xf32, #tpu.memory_space<vmem>>[vector<16xi32>], vector<16xf32>,
    %mul3A_414 = arith.mulf %div3A_402, %gather3A_413 : vector<16xf32>
    %add3A_415 = arith.addf %broadcast_in_dim3A_386, %mul3A_414 : vector<16xf32>
    %add3A_416 = arith.constant 2 : i32
    %add3A_417 = vector.broadcast %add3A_416 : i32 to vector<16xi32>
    %add3A_418 = arith.addi %mul3A_406, %add3A_417 : vector<16xi32>
    %gather3A_419 = tpu.vector_load_idx %arg6[%add3A_418] : memref<12288xf32, #tpu.memory_space<vmem>>[vector<16xi32>], vector<16xf32>,
    %mul3A_420 = arith.mulf %div3A_402, %gather3A_419 : vector<16xf32>
    %add3A_421 = arith.addf %broadcast_in_dim3A_388, %mul3A_420 : vector<16xf32>
    %mul3A_422 = arith.constant 16 : i32
    %mul3A_423 = vector.broadcast %mul3A_422 : i32 to vector<16xi32>
    %mul3A_424 = arith.muli %add3A_380, %mul3A_423 : vector<16xi32>
    %add3A_425 = arith.constant 1 : i32
    %add3A_426 = vector.broadcast %add3A_425 : i32 to vector<16xi32>
    %add3A_427 = arith.addi %mul3A_424, %add3A_426 : vector<16xi32>
    %gather3A_428 = tpu.vector_load_idx %arg7[%add3A_427] : memref<2048xi32, #tpu.memory_space<vmem>>[vector<16xi32>], vector<16xi32>,
    %gather3A_429 = tpu.vector_load_idx %arg8[%add3A_427] : memref<2048xf32, #tpu.memory_space<vmem>>[vector<16xi32>], vector<16xf32>,
    %add3A_430 = arith.constant 9.99999993E-9 : f32
    %add3A_431 = vector.broadcast %add3A_430 : f32 to vector<16xf32>
    %add3A_432 = arith.addf %gather3A_429, %add3A_431 : vector<16xf32>
    %div3A_433 = arith.constant 1.000000e+00 : f32
    %div3A_434 = vector.broadcast %div3A_433 : f32 to vector<16xf32>
    %div3A_435 = arith.divf %div3A_434, %add3A_432 : vector<16xf32>
    %add3A_436 = arith.addf %add3A_403, %div3A_435 : vector<16xf32>
    %mul3A_437 = arith.constant 3 : i32
    %mul3A_438 = vector.broadcast %mul3A_437 : i32 to vector<16xi32>
    %mul3A_439 = arith.muli %gather3A_428, %mul3A_438 : vector<16xi32>
    %gather3A_440 = tpu.vector_load_idx %arg6[%mul3A_439] : memref<12288xf32, #tpu.memory_space<vmem>>[vector<16xi32>], vector<16xf32>,
    %mul3A_441 = arith.mulf %div3A_435, %gather3A_440 : vector<16xf32>
    %add3A_442 = arith.addf %add3A_409, %mul3A_441 : vector<16xf32>
    %add3A_443 = arith.constant 1 : i32
    %add3A_444 = vector.broadcast %add3A_443 : i32 to vector<16xi32>
    %add3A_445 = arith.addi %mul3A_439, %add3A_444 : vector<16xi32>
    %gather3A_446 = tpu.vector_load_idx %arg6[%add3A_445] : memref<12288xf32, #tpu.memory_space<vmem>>[vector<16xi32>], vector<16xf32>,
    %mul3A_447 = arith.mulf %div3A_435, %gather3A_446 : vector<16xf32>
    %add3A_448 = arith.addf %add3A_415, %mul3A_447 : vector<16xf32>
    %add3A_449 = arith.constant 2 : i32
    %add3A_450 = vector.broadcast %add3A_449 : i32 to vector<16xi32>
    %add3A_451 = arith.addi %mul3A_439, %add3A_450 : vector<16xi32>
    %gather3A_452 = tpu.vector_load_idx %arg6[%add3A_451] : memref<12288xf32, #tpu.memory_space<vmem>>[vector<16xi32>], vector<16xf32>,
    %mul3A_453 = arith.mulf %div3A_435, %gather3A_452 : vector<16xf32>
    %add3A_454 = arith.addf %add3A_421, %mul3A_453 : vector<16xf32>
    %mul3A_455 = arith.constant 16 : i32
    %mul3A_456 = vector.broadcast %mul3A_455 : i32 to vector<16xi32>
    %mul3A_457 = arith.muli %add3A_380, %mul3A_456 : vector<16xi32>
    %add3A_458 = arith.constant 2 : i32
    %add3A_459 = vector.broadcast %add3A_458 : i32 to vector<16xi32>
    %add3A_460 = arith.addi %mul3A_457, %add3A_459 : vector<16xi32>
    %gather3A_461 = tpu.vector_load_idx %arg7[%add3A_460] : memref<2048xi32, #tpu.memory_space<vmem>>[vector<16xi32>], vector<16xi32>,
    %gather3A_462 = tpu.vector_load_idx %arg8[%add3A_460] : memref<2048xf32, #tpu.memory_space<vmem>>[vector<16xi32>], vector<16xf32>,
    %add3A_463 = arith.constant 9.99999993E-9 : f32
    %add3A_464 = vector.broadcast %add3A_463 : f32 to vector<16xf32>
    %add3A_465 = arith.addf %gather3A_462, %add3A_464 : vector<16xf32>
    %div3A_466 = arith.constant 1.000000e+00 : f32
    %div3A_467 = vector.broadcast %div3A_466 : f32 to vector<16xf32>
    %div3A_468 = arith.divf %div3A_467, %add3A_465 : vector<16xf32>
    %add3A_469 = arith.addf %add3A_436, %div3A_468 : vector<16xf32>
    %mul3A_470 = arith.constant 3 : i32
    %mul3A_471 = vector.broadcast %mul3A_470 : i32 to vector<16xi32>
    %mul3A_472 = arith.muli %gather3A_461, %mul3A_471 : vector<16xi32>
    %gather3A_473 = tpu.vector_load_idx %arg6[%mul3A_472] : memref<12288xf32, #tpu.memory_space<vmem>>[vector<16xi32>], vector<16xf32>,
    %mul3A_474 = arith.mulf %div3A_468, %gather3A_473 : vector<16xf32>
    %add3A_475 = arith.addf %add3A_442, %mul3A_474 : vector<16xf32>
    %add3A_476 = arith.constant 1 : i32
    %add3A_477 = vector.broadcast %add3A_476 : i32 to vector<16xi32>
    %add3A_478 = arith.addi %mul3A_472, %add3A_477 : vector<16xi32>
    %gather3A_479 = tpu.vector_load_idx %arg6[%add3A_478] : memref<12288xf32, #tpu.memory_space<vmem>>[vector<16xi32>], vector<16xf32>,
    %mul3A_480 = arith.mulf %div3A_468, %gather3A_479 : vector<16xf32>
    %add3A_481 = arith.addf %add3A_448, %mul3A_480 : vector<16xf32>
    %add3A_482 = arith.constant 2 : i32
    %add3A_483 = vector.broadcast %add3A_482 : i32 to vector<16xi32>
    %add3A_484 = arith.addi %mul3A_472, %add3A_483 : vector<16xi32>
    %gather3A_485 = tpu.vector_load_idx %arg6[%add3A_484] : memref<12288xf32, #tpu.memory_space<vmem>>[vector<16xi32>], vector<16xf32>,
    %mul3A_486 = arith.mulf %div3A_468, %gather3A_485 : vector<16xf32>
    %add3A_487 = arith.addf %add3A_454, %mul3A_486 : vector<16xf32>
    %mul3A_488 = arith.constant 16 : i32
    %mul3A_489 = vector.broadcast %mul3A_488 : i32 to vector<16xi32>
    %mul3A_490 = arith.muli %add3A_380, %mul3A_489 : vector<16xi32>
    %add3A_491 = arith.constant 3 : i32
    %add3A_492 = vector.broadcast %add3A_491 : i32 to vector<16xi32>
    %add3A_493 = arith.addi %mul3A_490, %add3A_492 : vector<16xi32>
    %gather3A_494 = tpu.vector_load_idx %arg7[%add3A_493] : memref<2048xi32, #tpu.memory_space<vmem>>[vector<16xi32>], vector<16xi32>,
    %gather3A_495 = tpu.vector_load_idx %arg8[%add3A_493] : memref<2048xf32, #tpu.memory_space<vmem>>[vector<16xi32>], vector<16xf32>,
    %add3A_496 = arith.constant 9.99999993E-9 : f32
    %add3A_497 = vector.broadcast %add3A_496 : f32 to vector<16xf32>
    %add3A_498 = arith.addf %gather3A_495, %add3A_497 : vector<16xf32>
    %div3A_499 = arith.constant 1.000000e+00 : f32
    %div3A_500 = vector.broadcast %div3A_499 : f32 to vector<16xf32>
    %div3A_501 = arith.divf %div3A_500, %add3A_498 : vector<16xf32>
    %add3A_502 = arith.addf %add3A_469, %div3A_501 : vector<16xf32>
    %mul3A_503 = arith.constant 3 : i32
    %mul3A_504 = vector.broadcast %mul3A_503 : i32 to vector<16xi32>
    %mul3A_505 = arith.muli %gather3A_494, %mul3A_504 : vector<16xi32>
    %gather3A_506 = tpu.vector_load_idx %arg6[%mul3A_505] : memref<12288xf32, #tpu.memory_space<vmem>>[vector<16xi32>], vector<16xf32>,
    %mul3A_507 = arith.mulf %div3A_501, %gather3A_506 : vector<16xf32>
    %add3A_508 = arith.addf %add3A_475, %mul3A_507 : vector<16xf32>
    %add3A_509 = arith.constant 1 : i32
    %add3A_510 = vector.broadcast %add3A_509 : i32 to vector<16xi32>
    %add3A_511 = arith.addi %mul3A_505, %add3A_510 : vector<16xi32>
    %gather3A_512 = tpu.vector_load_idx %arg6[%add3A_511] : memref<12288xf32, #tpu.memory_space<vmem>>[vector<16xi32>], vector<16xf32>,
    %mul3A_513 = arith.mulf %div3A_501, %gather3A_512 : vector<16xf32>
    %add3A_514 = arith.addf %add3A_481, %mul3A_513 : vector<16xf32>
    %add3A_515 = arith.constant 2 : i32
    %add3A_516 = vector.broadcast %add3A_515 : i32 to vector<16xi32>
    %add3A_517 = arith.addi %mul3A_505, %add3A_516 : vector<16xi32>
    %gather3A_518 = tpu.vector_load_idx %arg6[%add3A_517] : memref<12288xf32, #tpu.memory_space<vmem>>[vector<16xi32>], vector<16xf32>,
    %mul3A_519 = arith.mulf %div3A_501, %gather3A_518 : vector<16xf32>
    %add3A_520 = arith.addf %add3A_487, %mul3A_519 : vector<16xf32>
    %mul3A_521 = arith.constant 16 : i32
    %mul3A_522 = vector.broadcast %mul3A_521 : i32 to vector<16xi32>
    %mul3A_523 = arith.muli %add3A_380, %mul3A_522 : vector<16xi32>
    %add3A_524 = arith.constant 4 : i32
    %add3A_525 = vector.broadcast %add3A_524 : i32 to vector<16xi32>
    %add3A_526 = arith.addi %mul3A_523, %add3A_525 : vector<16xi32>
    %gather3A_527 = tpu.vector_load_idx %arg7[%add3A_526] : memref<2048xi32, #tpu.memory_space<vmem>>[vector<16xi32>], vector<16xi32>,
    %gather3A_528 = tpu.vector_load_idx %arg8[%add3A_526] : memref<2048xf32, #tpu.memory_space<vmem>>[vector<16xi32>], vector<16xf32>,
    %add3A_529 = arith.constant 9.99999993E-9 : f32
    %add3A_530 = vector.broadcast %add3A_529 : f32 to vector<16xf32>
    %add3A_531 = arith.addf %gather3A_528, %add3A_530 : vector<16xf32>
    %div3A_532 = arith.constant 1.000000e+00 : f32
    %div3A_533 = vector.broadcast %div3A_532 : f32 to vector<16xf32>
    %div3A_534 = arith.divf %div3A_533, %add3A_531 : vector<16xf32>
    %add3A_535 = arith.addf %add3A_502, %div3A_534 : vector<16xf32>
    %mul3A_536 = arith.constant 3 : i32
    %mul3A_537 = vector.broadcast %mul3A_536 : i32 to vector<16xi32>
    %mul3A_538 = arith.muli %gather3A_527, %mul3A_537 : vector<16xi32>
    %gather3A_539 = tpu.vector_load_idx %arg6[%mul3A_538] : memref<12288xf32, #tpu.memory_space<vmem>>[vector<16xi32>], vector<16xf32>,
    %mul3A_540 = arith.mulf %div3A_534, %gather3A_539 : vector<16xf32>
    %add3A_541 = arith.addf %add3A_508, %mul3A_540 : vector<16xf32>
    %add3A_542 = arith.constant 1 : i32
    %add3A_543 = vector.broadcast %add3A_542 : i32 to vector<16xi32>
    %add3A_544 = arith.addi %mul3A_538, %add3A_543 : vector<16xi32>
    %gather3A_545 = tpu.vector_load_idx %arg6[%add3A_544] : memref<12288xf32, #tpu.memory_space<vmem>>[vector<16xi32>], vector<16xf32>,
    %mul3A_546 = arith.mulf %div3A_534, %gather3A_545 : vector<16xf32>
    %add3A_547 = arith.addf %add3A_514, %mul3A_546 : vector<16xf32>
    %add3A_548 = arith.constant 2 : i32
    %add3A_549 = vector.broadcast %add3A_548 : i32 to vector<16xi32>
    %add3A_550 = arith.addi %mul3A_538, %add3A_549 : vector<16xi32>
    %gather3A_551 = tpu.vector_load_idx %arg6[%add3A_550] : memref<12288xf32, #tpu.memory_space<vmem>>[vector<16xi32>], vector<16xf32>,
    %mul3A_552 = arith.mulf %div3A_534, %gather3A_551 : vector<16xf32>
    %add3A_553 = arith.addf %add3A_520, %mul3A_552 : vector<16xf32>
    %mul3A_554 = arith.constant 3 : i32
    %mul3A_555 = vector.broadcast %mul3A_554 : i32 to vector<16xi32>
    %mul3A_556 = arith.muli %add3A_380, %mul3A_555 : vector<16xi32>
    %div3A_557 = arith.divf %add3A_541, %add3A_535 : vector<16xf32>
    tpu.vector_store_idx %arg9[%mul3A_556], %div3A_557 : memref<384xf32, #tpu.memory_space<vmem>>[vector<16xi32>], vector<16xf32>,
    %add3A_558 = arith.constant 1 : i32
    %add3A_559 = vector.broadcast %add3A_558 : i32 to vector<16xi32>
    %add3A_560 = arith.addi %mul3A_556, %add3A_559 : vector<16xi32>
    %div3A_561 = arith.divf %add3A_547, %add3A_535 : vector<16xf32>
    tpu.vector_store_idx %arg9[%add3A_560], %div3A_561 : memref<384xf32, #tpu.memory_space<vmem>>[vector<16xi32>], vector<16xf32>,
    %add3A_562 = arith.constant 2 : i32
    %add3A_563 = vector.broadcast %add3A_562 : i32 to vector<16xi32>
    %add3A_564 = arith.addi %mul3A_556, %add3A_563 : vector<16xi32>
    %div3A_565 = arith.divf %add3A_553, %add3A_535 : vector<16xf32>
    tpu.vector_store_idx %arg9[%add3A_564], %div3A_565 : memref<384xf32, #tpu.memory_space<vmem>>[vector<16xi32>], vector<16xf32>,
    %add3A_566 = arith.constant 48 : i32
    %add3A_567 = vector.broadcast %add3A_566 : i32 to vector<16xi32>
    %add3A_568 = arith.addi %add3A_567, %iota3A : vector<16xi32>
    %broadcast_in_dim3A_569 = arith.constant 0.000000e+00 : f32
    %broadcast_in_dim3A_570 = vector.broadcast %broadcast_in_dim3A_569 : f32 to vector<16xf32>
    %broadcast_in_dim3A_571 = arith.constant 0.000000e+00 : f32
    %broadcast_in_dim3A_572 = vector.broadcast %broadcast_in_dim3A_571 : f32 to vector<16xf32>
    %broadcast_in_dim3A_573 = arith.constant 0.000000e+00 : f32
    %broadcast_in_dim3A_574 = vector.broadcast %broadcast_in_dim3A_573 : f32 to vector<16xf32>
    %broadcast_in_dim3A_575 = arith.constant 0.000000e+00 : f32
    %broadcast_in_dim3A_576 = vector.broadcast %broadcast_in_dim3A_575 : f32 to vector<16xf32>
    %mul3A_577 = arith.constant 16 : i32
    %mul3A_578 = vector.broadcast %mul3A_577 : i32 to vector<16xi32>
    %mul3A_579 = arith.muli %add3A_568, %mul3A_578 : vector<16xi32>
    %add3A_580 = arith.constant 0 : i32
    %add3A_581 = vector.broadcast %add3A_580 : i32 to vector<16xi32>
    %add3A_582 = arith.addi %mul3A_579, %add3A_581 : vector<16xi32>
    %gather3A_583 = tpu.vector_load_idx %arg7[%add3A_582] : memref<2048xi32, #tpu.memory_space<vmem>>[vector<16xi32>], vector<16xi32>,
    %gather3A_584 = tpu.vector_load_idx %arg8[%add3A_582] : memref<2048xf32, #tpu.memory_space<vmem>>[vector<16xi32>], vector<16xf32>,
    %add3A_585 = arith.constant 9.99999993E-9 : f32
    %add3A_586 = vector.broadcast %add3A_585 : f32 to vector<16xf32>
    %add3A_587 = arith.addf %gather3A_584, %add3A_586 : vector<16xf32>
    %div3A_588 = arith.constant 1.000000e+00 : f32
    %div3A_589 = vector.broadcast %div3A_588 : f32 to vector<16xf32>
    %div3A_590 = arith.divf %div3A_589, %add3A_587 : vector<16xf32>
    %add3A_591 = arith.addf %broadcast_in_dim3A_570, %div3A_590 : vector<16xf32>
    %mul3A_592 = arith.constant 3 : i32
    %mul3A_593 = vector.broadcast %mul3A_592 : i32 to vector<16xi32>
    %mul3A_594 = arith.muli %gather3A_583, %mul3A_593 : vector<16xi32>
    %gather3A_595 = tpu.vector_load_idx %arg6[%mul3A_594] : memref<12288xf32, #tpu.memory_space<vmem>>[vector<16xi32>], vector<16xf32>,
    %mul3A_596 = arith.mulf %div3A_590, %gather3A_595 : vector<16xf32>
    %add3A_597 = arith.addf %broadcast_in_dim3A_572, %mul3A_596 : vector<16xf32>
    %add3A_598 = arith.constant 1 : i32
    %add3A_599 = vector.broadcast %add3A_598 : i32 to vector<16xi32>
    %add3A_600 = arith.addi %mul3A_594, %add3A_599 : vector<16xi32>
    %gather3A_601 = tpu.vector_load_idx %arg6[%add3A_600] : memref<12288xf32, #tpu.memory_space<vmem>>[vector<16xi32>], vector<16xf32>,
    %mul3A_602 = arith.mulf %div3A_590, %gather3A_601 : vector<16xf32>
    %add3A_603 = arith.addf %broadcast_in_dim3A_574, %mul3A_602 : vector<16xf32>
    %add3A_604 = arith.constant 2 : i32
    %add3A_605 = vector.broadcast %add3A_604 : i32 to vector<16xi32>
    %add3A_606 = arith.addi %mul3A_594, %add3A_605 : vector<16xi32>
    %gather3A_607 = tpu.vector_load_idx %arg6[%add3A_606] : memref<12288xf32, #tpu.memory_space<vmem>>[vector<16xi32>], vector<16xf32>,
    %mul3A_608 = arith.mulf %div3A_590, %gather3A_607 : vector<16xf32>
    %add3A_609 = arith.addf %broadcast_in_dim3A_576, %mul3A_608 : vector<16xf32>
    %mul3A_610 = arith.constant 16 : i32
    %mul3A_611 = vector.broadcast %mul3A_610 : i32 to vector<16xi32>
    %mul3A_612 = arith.muli %add3A_568, %mul3A_611 : vector<16xi32>
    %add3A_613 = arith.constant 1 : i32
    %add3A_614 = vector.broadcast %add3A_613 : i32 to vector<16xi32>
    %add3A_615 = arith.addi %mul3A_612, %add3A_614 : vector<16xi32>
    %gather3A_616 = tpu.vector_load_idx %arg7[%add3A_615] : memref<2048xi32, #tpu.memory_space<vmem>>[vector<16xi32>], vector<16xi32>,
    %gather3A_617 = tpu.vector_load_idx %arg8[%add3A_615] : memref<2048xf32, #tpu.memory_space<vmem>>[vector<16xi32>], vector<16xf32>,
    %add3A_618 = arith.constant 9.99999993E-9 : f32
    %add3A_619 = vector.broadcast %add3A_618 : f32 to vector<16xf32>
    %add3A_620 = arith.addf %gather3A_617, %add3A_619 : vector<16xf32>
    %div3A_621 = arith.constant 1.000000e+00 : f32
    %div3A_622 = vector.broadcast %div3A_621 : f32 to vector<16xf32>
    %div3A_623 = arith.divf %div3A_622, %add3A_620 : vector<16xf32>
    %add3A_624 = arith.addf %add3A_591, %div3A_623 : vector<16xf32>
    %mul3A_625 = arith.constant 3 : i32
    %mul3A_626 = vector.broadcast %mul3A_625 : i32 to vector<16xi32>
    %mul3A_627 = arith.muli %gather3A_616, %mul3A_626 : vector<16xi32>
    %gather3A_628 = tpu.vector_load_idx %arg6[%mul3A_627] : memref<12288xf32, #tpu.memory_space<vmem>>[vector<16xi32>], vector<16xf32>,
    %mul3A_629 = arith.mulf %div3A_623, %gather3A_628 : vector<16xf32>
    %add3A_630 = arith.addf %add3A_597, %mul3A_629 : vector<16xf32>
    %add3A_631 = arith.constant 1 : i32
    %add3A_632 = vector.broadcast %add3A_631 : i32 to vector<16xi32>
    %add3A_633 = arith.addi %mul3A_627, %add3A_632 : vector<16xi32>
    %gather3A_634 = tpu.vector_load_idx %arg6[%add3A_633] : memref<12288xf32, #tpu.memory_space<vmem>>[vector<16xi32>], vector<16xf32>,
    %mul3A_635 = arith.mulf %div3A_623, %gather3A_634 : vector<16xf32>
    %add3A_636 = arith.addf %add3A_603, %mul3A_635 : vector<16xf32>
    %add3A_637 = arith.constant 2 : i32
    %add3A_638 = vector.broadcast %add3A_637 : i32 to vector<16xi32>
    %add3A_639 = arith.addi %mul3A_627, %add3A_638 : vector<16xi32>
    %gather3A_640 = tpu.vector_load_idx %arg6[%add3A_639] : memref<12288xf32, #tpu.memory_space<vmem>>[vector<16xi32>], vector<16xf32>,
    %mul3A_641 = arith.mulf %div3A_623, %gather3A_640 : vector<16xf32>
    %add3A_642 = arith.addf %add3A_609, %mul3A_641 : vector<16xf32>
    %mul3A_643 = arith.constant 16 : i32
    %mul3A_644 = vector.broadcast %mul3A_643 : i32 to vector<16xi32>
    %mul3A_645 = arith.muli %add3A_568, %mul3A_644 : vector<16xi32>
    %add3A_646 = arith.constant 2 : i32
    %add3A_647 = vector.broadcast %add3A_646 : i32 to vector<16xi32>
    %add3A_648 = arith.addi %mul3A_645, %add3A_647 : vector<16xi32>
    %gather3A_649 = tpu.vector_load_idx %arg7[%add3A_648] : memref<2048xi32, #tpu.memory_space<vmem>>[vector<16xi32>], vector<16xi32>,
    %gather3A_650 = tpu.vector_load_idx %arg8[%add3A_648] : memref<2048xf32, #tpu.memory_space<vmem>>[vector<16xi32>], vector<16xf32>,
    %add3A_651 = arith.constant 9.99999993E-9 : f32
    %add3A_652 = vector.broadcast %add3A_651 : f32 to vector<16xf32>
    %add3A_653 = arith.addf %gather3A_650, %add3A_652 : vector<16xf32>
    %div3A_654 = arith.constant 1.000000e+00 : f32
    %div3A_655 = vector.broadcast %div3A_654 : f32 to vector<16xf32>
    %div3A_656 = arith.divf %div3A_655, %add3A_653 : vector<16xf32>
    %add3A_657 = arith.addf %add3A_624, %div3A_656 : vector<16xf32>
    %mul3A_658 = arith.constant 3 : i32
    %mul3A_659 = vector.broadcast %mul3A_658 : i32 to vector<16xi32>
    %mul3A_660 = arith.muli %gather3A_649, %mul3A_659 : vector<16xi32>
    %gather3A_661 = tpu.vector_load_idx %arg6[%mul3A_660] : memref<12288xf32, #tpu.memory_space<vmem>>[vector<16xi32>], vector<16xf32>,
    %mul3A_662 = arith.mulf %div3A_656, %gather3A_661 : vector<16xf32>
    %add3A_663 = arith.addf %add3A_630, %mul3A_662 : vector<16xf32>
    %add3A_664 = arith.constant 1 : i32
    %add3A_665 = vector.broadcast %add3A_664 : i32 to vector<16xi32>
    %add3A_666 = arith.addi %mul3A_660, %add3A_665 : vector<16xi32>
    %gather3A_667 = tpu.vector_load_idx %arg6[%add3A_666] : memref<12288xf32, #tpu.memory_space<vmem>>[vector<16xi32>], vector<16xf32>,
    %mul3A_668 = arith.mulf %div3A_656, %gather3A_667 : vector<16xf32>
    %add3A_669 = arith.addf %add3A_636, %mul3A_668 : vector<16xf32>
    %add3A_670 = arith.constant 2 : i32
    %add3A_671 = vector.broadcast %add3A_670 : i32 to vector<16xi32>
    %add3A_672 = arith.addi %mul3A_660, %add3A_671 : vector<16xi32>
    %gather3A_673 = tpu.vector_load_idx %arg6[%add3A_672] : memref<12288xf32, #tpu.memory_space<vmem>>[vector<16xi32>], vector<16xf32>,
    %mul3A_674 = arith.mulf %div3A_656, %gather3A_673 : vector<16xf32>
    %add3A_675 = arith.addf %add3A_642, %mul3A_674 : vector<16xf32>
    %mul3A_676 = arith.constant 16 : i32
    %mul3A_677 = vector.broadcast %mul3A_676 : i32 to vector<16xi32>
    %mul3A_678 = arith.muli %add3A_568, %mul3A_677 : vector<16xi32>
    %add3A_679 = arith.constant 3 : i32
    %add3A_680 = vector.broadcast %add3A_679 : i32 to vector<16xi32>
    %add3A_681 = arith.addi %mul3A_678, %add3A_680 : vector<16xi32>
    %gather3A_682 = tpu.vector_load_idx %arg7[%add3A_681] : memref<2048xi32, #tpu.memory_space<vmem>>[vector<16xi32>], vector<16xi32>,
    %gather3A_683 = tpu.vector_load_idx %arg8[%add3A_681] : memref<2048xf32, #tpu.memory_space<vmem>>[vector<16xi32>], vector<16xf32>,
    %add3A_684 = arith.constant 9.99999993E-9 : f32
    %add3A_685 = vector.broadcast %add3A_684 : f32 to vector<16xf32>
    %add3A_686 = arith.addf %gather3A_683, %add3A_685 : vector<16xf32>
    %div3A_687 = arith.constant 1.000000e+00 : f32
    %div3A_688 = vector.broadcast %div3A_687 : f32 to vector<16xf32>
    %div3A_689 = arith.divf %div3A_688, %add3A_686 : vector<16xf32>
    %add3A_690 = arith.addf %add3A_657, %div3A_689 : vector<16xf32>
    %mul3A_691 = arith.constant 3 : i32
    %mul3A_692 = vector.broadcast %mul3A_691 : i32 to vector<16xi32>
    %mul3A_693 = arith.muli %gather3A_682, %mul3A_692 : vector<16xi32>
    %gather3A_694 = tpu.vector_load_idx %arg6[%mul3A_693] : memref<12288xf32, #tpu.memory_space<vmem>>[vector<16xi32>], vector<16xf32>,
    %mul3A_695 = arith.mulf %div3A_689, %gather3A_694 : vector<16xf32>
    %add3A_696 = arith.addf %add3A_663, %mul3A_695 : vector<16xf32>
    %add3A_697 = arith.constant 1 : i32
    %add3A_698 = vector.broadcast %add3A_697 : i32 to vector<16xi32>
    %add3A_699 = arith.addi %mul3A_693, %add3A_698 : vector<16xi32>
    %gather3A_700 = tpu.vector_load_idx %arg6[%add3A_699] : memref<12288xf32, #tpu.memory_space<vmem>>[vector<16xi32>], vector<16xf32>,
    %mul3A_701 = arith.mulf %div3A_689, %gather3A_700 : vector<16xf32>
    %add3A_702 = arith.addf %add3A_669, %mul3A_701 : vector<16xf32>
    %add3A_703 = arith.constant 2 : i32
    %add3A_704 = vector.broadcast %add3A_703 : i32 to vector<16xi32>
    %add3A_705 = arith.addi %mul3A_693, %add3A_704 : vector<16xi32>
    %gather3A_706 = tpu.vector_load_idx %arg6[%add3A_705] : memref<12288xf32, #tpu.memory_space<vmem>>[vector<16xi32>], vector<16xf32>,
    %mul3A_707 = arith.mulf %div3A_689, %gather3A_706 : vector<16xf32>
    %add3A_708 = arith.addf %add3A_675, %mul3A_707 : vector<16xf32>
    %mul3A_709 = arith.constant 16 : i32
    %mul3A_710 = vector.broadcast %mul3A_709 : i32 to vector<16xi32>
    %mul3A_711 = arith.muli %add3A_568, %mul3A_710 : vector<16xi32>
    %add3A_712 = arith.constant 4 : i32
    %add3A_713 = vector.broadcast %add3A_712 : i32 to vector<16xi32>
    %add3A_714 = arith.addi %mul3A_711, %add3A_713 : vector<16xi32>
    %gather3A_715 = tpu.vector_load_idx %arg7[%add3A_714] : memref<2048xi32, #tpu.memory_space<vmem>>[vector<16xi32>], vector<16xi32>,
    %gather3A_716 = tpu.vector_load_idx %arg8[%add3A_714] : memref<2048xf32, #tpu.memory_space<vmem>>[vector<16xi32>], vector<16xf32>,
    %add3A_717 = arith.constant 9.99999993E-9 : f32
    %add3A_718 = vector.broadcast %add3A_717 : f32 to vector<16xf32>
    %add3A_719 = arith.addf %gather3A_716, %add3A_718 : vector<16xf32>
    %div3A_720 = arith.constant 1.000000e+00 : f32
    %div3A_721 = vector.broadcast %div3A_720 : f32 to vector<16xf32>
    %div3A_722 = arith.divf %div3A_721, %add3A_719 : vector<16xf32>
    %add3A_723 = arith.addf %add3A_690, %div3A_722 : vector<16xf32>
    %mul3A_724 = arith.constant 3 : i32
    %mul3A_725 = vector.broadcast %mul3A_724 : i32 to vector<16xi32>
    %mul3A_726 = arith.muli %gather3A_715, %mul3A_725 : vector<16xi32>
    %gather3A_727 = tpu.vector_load_idx %arg6[%mul3A_726] : memref<12288xf32, #tpu.memory_space<vmem>>[vector<16xi32>], vector<16xf32>,
    %mul3A_728 = arith.mulf %div3A_722, %gather3A_727 : vector<16xf32>
    %add3A_729 = arith.addf %add3A_696, %mul3A_728 : vector<16xf32>
    %add3A_730 = arith.constant 1 : i32
    %add3A_731 = vector.broadcast %add3A_730 : i32 to vector<16xi32>
    %add3A_732 = arith.addi %mul3A_726, %add3A_731 : vector<16xi32>
    %gather3A_733 = tpu.vector_load_idx %arg6[%add3A_732] : memref<12288xf32, #tpu.memory_space<vmem>>[vector<16xi32>], vector<16xf32>,
    %mul3A_734 = arith.mulf %div3A_722, %gather3A_733 : vector<16xf32>
    %add3A_735 = arith.addf %add3A_702, %mul3A_734 : vector<16xf32>
    %add3A_736 = arith.constant 2 : i32
    %add3A_737 = vector.broadcast %add3A_736 : i32 to vector<16xi32>
    %add3A_738 = arith.addi %mul3A_726, %add3A_737 : vector<16xi32>
    %gather3A_739 = tpu.vector_load_idx %arg6[%add3A_738] : memref<12288xf32, #tpu.memory_space<vmem>>[vector<16xi32>], vector<16xf32>,
    %mul3A_740 = arith.mulf %div3A_722, %gather3A_739 : vector<16xf32>
    %add3A_741 = arith.addf %add3A_708, %mul3A_740 : vector<16xf32>
    %mul3A_742 = arith.constant 3 : i32
    %mul3A_743 = vector.broadcast %mul3A_742 : i32 to vector<16xi32>
    %mul3A_744 = arith.muli %add3A_568, %mul3A_743 : vector<16xi32>
    %div3A_745 = arith.divf %add3A_729, %add3A_723 : vector<16xf32>
    tpu.vector_store_idx %arg9[%mul3A_744], %div3A_745 : memref<384xf32, #tpu.memory_space<vmem>>[vector<16xi32>], vector<16xf32>,
    %add3A_746 = arith.constant 1 : i32
    %add3A_747 = vector.broadcast %add3A_746 : i32 to vector<16xi32>
    %add3A_748 = arith.addi %mul3A_744, %add3A_747 : vector<16xi32>
    %div3A_749 = arith.divf %add3A_735, %add3A_723 : vector<16xf32>
    tpu.vector_store_idx %arg9[%add3A_748], %div3A_749 : memref<384xf32, #tpu.memory_space<vmem>>[vector<16xi32>], vector<16xf32>,
    %add3A_750 = arith.constant 2 : i32
    %add3A_751 = vector.broadcast %add3A_750 : i32 to vector<16xi32>
    %add3A_752 = arith.addi %mul3A_744, %add3A_751 : vector<16xi32>
    %div3A_753 = arith.divf %add3A_741, %add3A_723 : vector<16xf32>
    tpu.vector_store_idx %arg9[%add3A_752], %div3A_753 : memref<384xf32, #tpu.memory_space<vmem>>[vector<16xi32>], vector<16xf32>,
    %add3A_754 = arith.constant 64 : i32
    %add3A_755 = vector.broadcast %add3A_754 : i32 to vector<16xi32>
    %add3A_756 = arith.addi %add3A_755, %iota3A : vector<16xi32>
    %broadcast_in_dim3A_757 = arith.constant 0.000000e+00 : f32
    %broadcast_in_dim3A_758 = vector.broadcast %broadcast_in_dim3A_757 : f32 to vector<16xf32>
    %broadcast_in_dim3A_759 = arith.constant 0.000000e+00 : f32
    %broadcast_in_dim3A_760 = vector.broadcast %broadcast_in_dim3A_759 : f32 to vector<16xf32>
    %broadcast_in_dim3A_761 = arith.constant 0.000000e+00 : f32
    %broadcast_in_dim3A_762 = vector.broadcast %broadcast_in_dim3A_761 : f32 to vector<16xf32>
    %broadcast_in_dim3A_763 = arith.constant 0.000000e+00 : f32
    %broadcast_in_dim3A_764 = vector.broadcast %broadcast_in_dim3A_763 : f32 to vector<16xf32>
    %mul3A_765 = arith.constant 16 : i32
    %mul3A_766 = vector.broadcast %mul3A_765 : i32 to vector<16xi32>
    %mul3A_767 = arith.muli %add3A_756, %mul3A_766 : vector<16xi32>
    %add3A_768 = arith.constant 0 : i32
    %add3A_769 = vector.broadcast %add3A_768 : i32 to vector<16xi32>
    %add3A_770 = arith.addi %mul3A_767, %add3A_769 : vector<16xi32>
    %gather3A_771 = tpu.vector_load_idx %arg7[%add3A_770] : memref<2048xi32, #tpu.memory_space<vmem>>[vector<16xi32>], vector<16xi32>,
    %gather3A_772 = tpu.vector_load_idx %arg8[%add3A_770] : memref<2048xf32, #tpu.memory_space<vmem>>[vector<16xi32>], vector<16xf32>,
    %add3A_773 = arith.constant 9.99999993E-9 : f32
    %add3A_774 = vector.broadcast %add3A_773 : f32 to vector<16xf32>
    %add3A_775 = arith.addf %gather3A_772, %add3A_774 : vector<16xf32>
    %div3A_776 = arith.constant 1.000000e+00 : f32
    %div3A_777 = vector.broadcast %div3A_776 : f32 to vector<16xf32>
    %div3A_778 = arith.divf %div3A_777, %add3A_775 : vector<16xf32>
    %add3A_779 = arith.addf %broadcast_in_dim3A_758, %div3A_778 : vector<16xf32>
    %mul3A_780 = arith.constant 3 : i32
    %mul3A_781 = vector.broadcast %mul3A_780 : i32 to vector<16xi32>
    %mul3A_782 = arith.muli %gather3A_771, %mul3A_781 : vector<16xi32>
    %gather3A_783 = tpu.vector_load_idx %arg6[%mul3A_782] : memref<12288xf32, #tpu.memory_space<vmem>>[vector<16xi32>], vector<16xf32>,
    %mul3A_784 = arith.mulf %div3A_778, %gather3A_783 : vector<16xf32>
    %add3A_785 = arith.addf %broadcast_in_dim3A_760, %mul3A_784 : vector<16xf32>
    %add3A_786 = arith.constant 1 : i32
    %add3A_787 = vector.broadcast %add3A_786 : i32 to vector<16xi32>
    %add3A_788 = arith.addi %mul3A_782, %add3A_787 : vector<16xi32>
    %gather3A_789 = tpu.vector_load_idx %arg6[%add3A_788] : memref<12288xf32, #tpu.memory_space<vmem>>[vector<16xi32>], vector<16xf32>,
    %mul3A_790 = arith.mulf %div3A_778, %gather3A_789 : vector<16xf32>
    %add3A_791 = arith.addf %broadcast_in_dim3A_762, %mul3A_790 : vector<16xf32>
    %add3A_792 = arith.constant 2 : i32
    %add3A_793 = vector.broadcast %add3A_792 : i32 to vector<16xi32>
    %add3A_794 = arith.addi %mul3A_782, %add3A_793 : vector<16xi32>
    %gather3A_795 = tpu.vector_load_idx %arg6[%add3A_794] : memref<12288xf32, #tpu.memory_space<vmem>>[vector<16xi32>], vector<16xf32>,
    %mul3A_796 = arith.mulf %div3A_778, %gather3A_795 : vector<16xf32>
    %add3A_797 = arith.addf %broadcast_in_dim3A_764, %mul3A_796 : vector<16xf32>
    %mul3A_798 = arith.constant 16 : i32
    %mul3A_799 = vector.broadcast %mul3A_798 : i32 to vector<16xi32>
    %mul3A_800 = arith.muli %add3A_756, %mul3A_799 : vector<16xi32>
    %add3A_801 = arith.constant 1 : i32
    %add3A_802 = vector.broadcast %add3A_801 : i32 to vector<16xi32>
    %add3A_803 = arith.addi %mul3A_800, %add3A_802 : vector<16xi32>
    %gather3A_804 = tpu.vector_load_idx %arg7[%add3A_803] : memref<2048xi32, #tpu.memory_space<vmem>>[vector<16xi32>], vector<16xi32>,
    %gather3A_805 = tpu.vector_load_idx %arg8[%add3A_803] : memref<2048xf32, #tpu.memory_space<vmem>>[vector<16xi32>], vector<16xf32>,
    %add3A_806 = arith.constant 9.99999993E-9 : f32
    %add3A_807 = vector.broadcast %add3A_806 : f32 to vector<16xf32>
    %add3A_808 = arith.addf %gather3A_805, %add3A_807 : vector<16xf32>
    %div3A_809 = arith.constant 1.000000e+00 : f32
    %div3A_810 = vector.broadcast %div3A_809 : f32 to vector<16xf32>
    %div3A_811 = arith.divf %div3A_810, %add3A_808 : vector<16xf32>
    %add3A_812 = arith.addf %add3A_779, %div3A_811 : vector<16xf32>
    %mul3A_813 = arith.constant 3 : i32
    %mul3A_814 = vector.broadcast %mul3A_813 : i32 to vector<16xi32>
    %mul3A_815 = arith.muli %gather3A_804, %mul3A_814 : vector<16xi32>
    %gather3A_816 = tpu.vector_load_idx %arg6[%mul3A_815] : memref<12288xf32, #tpu.memory_space<vmem>>[vector<16xi32>], vector<16xf32>,
    %mul3A_817 = arith.mulf %div3A_811, %gather3A_816 : vector<16xf32>
    %add3A_818 = arith.addf %add3A_785, %mul3A_817 : vector<16xf32>
    %add3A_819 = arith.constant 1 : i32
    %add3A_820 = vector.broadcast %add3A_819 : i32 to vector<16xi32>
    %add3A_821 = arith.addi %mul3A_815, %add3A_820 : vector<16xi32>
    %gather3A_822 = tpu.vector_load_idx %arg6[%add3A_821] : memref<12288xf32, #tpu.memory_space<vmem>>[vector<16xi32>], vector<16xf32>,
    %mul3A_823 = arith.mulf %div3A_811, %gather3A_822 : vector<16xf32>
    %add3A_824 = arith.addf %add3A_791, %mul3A_823 : vector<16xf32>
    %add3A_825 = arith.constant 2 : i32
    %add3A_826 = vector.broadcast %add3A_825 : i32 to vector<16xi32>
    %add3A_827 = arith.addi %mul3A_815, %add3A_826 : vector<16xi32>
    %gather3A_828 = tpu.vector_load_idx %arg6[%add3A_827] : memref<12288xf32, #tpu.memory_space<vmem>>[vector<16xi32>], vector<16xf32>,
    %mul3A_829 = arith.mulf %div3A_811, %gather3A_828 : vector<16xf32>
    %add3A_830 = arith.addf %add3A_797, %mul3A_829 : vector<16xf32>
    %mul3A_831 = arith.constant 16 : i32
    %mul3A_832 = vector.broadcast %mul3A_831 : i32 to vector<16xi32>
    %mul3A_833 = arith.muli %add3A_756, %mul3A_832 : vector<16xi32>
    %add3A_834 = arith.constant 2 : i32
    %add3A_835 = vector.broadcast %add3A_834 : i32 to vector<16xi32>
    %add3A_836 = arith.addi %mul3A_833, %add3A_835 : vector<16xi32>
    %gather3A_837 = tpu.vector_load_idx %arg7[%add3A_836] : memref<2048xi32, #tpu.memory_space<vmem>>[vector<16xi32>], vector<16xi32>,
    %gather3A_838 = tpu.vector_load_idx %arg8[%add3A_836] : memref<2048xf32, #tpu.memory_space<vmem>>[vector<16xi32>], vector<16xf32>,
    %add3A_839 = arith.constant 9.99999993E-9 : f32
    %add3A_840 = vector.broadcast %add3A_839 : f32 to vector<16xf32>
    %add3A_841 = arith.addf %gather3A_838, %add3A_840 : vector<16xf32>
    %div3A_842 = arith.constant 1.000000e+00 : f32
    %div3A_843 = vector.broadcast %div3A_842 : f32 to vector<16xf32>
    %div3A_844 = arith.divf %div3A_843, %add3A_841 : vector<16xf32>
    %add3A_845 = arith.addf %add3A_812, %div3A_844 : vector<16xf32>
    %mul3A_846 = arith.constant 3 : i32
    %mul3A_847 = vector.broadcast %mul3A_846 : i32 to vector<16xi32>
    %mul3A_848 = arith.muli %gather3A_837, %mul3A_847 : vector<16xi32>
    %gather3A_849 = tpu.vector_load_idx %arg6[%mul3A_848] : memref<12288xf32, #tpu.memory_space<vmem>>[vector<16xi32>], vector<16xf32>,
    %mul3A_850 = arith.mulf %div3A_844, %gather3A_849 : vector<16xf32>
    %add3A_851 = arith.addf %add3A_818, %mul3A_850 : vector<16xf32>
    %add3A_852 = arith.constant 1 : i32
    %add3A_853 = vector.broadcast %add3A_852 : i32 to vector<16xi32>
    %add3A_854 = arith.addi %mul3A_848, %add3A_853 : vector<16xi32>
    %gather3A_855 = tpu.vector_load_idx %arg6[%add3A_854] : memref<12288xf32, #tpu.memory_space<vmem>>[vector<16xi32>], vector<16xf32>,
    %mul3A_856 = arith.mulf %div3A_844, %gather3A_855 : vector<16xf32>
    %add3A_857 = arith.addf %add3A_824, %mul3A_856 : vector<16xf32>
    %add3A_858 = arith.constant 2 : i32
    %add3A_859 = vector.broadcast %add3A_858 : i32 to vector<16xi32>
    %add3A_860 = arith.addi %mul3A_848, %add3A_859 : vector<16xi32>
    %gather3A_861 = tpu.vector_load_idx %arg6[%add3A_860] : memref<12288xf32, #tpu.memory_space<vmem>>[vector<16xi32>], vector<16xf32>,
    %mul3A_862 = arith.mulf %div3A_844, %gather3A_861 : vector<16xf32>
    %add3A_863 = arith.addf %add3A_830, %mul3A_862 : vector<16xf32>
    %mul3A_864 = arith.constant 16 : i32
    %mul3A_865 = vector.broadcast %mul3A_864 : i32 to vector<16xi32>
    %mul3A_866 = arith.muli %add3A_756, %mul3A_865 : vector<16xi32>
    %add3A_867 = arith.constant 3 : i32
    %add3A_868 = vector.broadcast %add3A_867 : i32 to vector<16xi32>
    %add3A_869 = arith.addi %mul3A_866, %add3A_868 : vector<16xi32>
    %gather3A_870 = tpu.vector_load_idx %arg7[%add3A_869] : memref<2048xi32, #tpu.memory_space<vmem>>[vector<16xi32>], vector<16xi32>,
    %gather3A_871 = tpu.vector_load_idx %arg8[%add3A_869] : memref<2048xf32, #tpu.memory_space<vmem>>[vector<16xi32>], vector<16xf32>,
    %add3A_872 = arith.constant 9.99999993E-9 : f32
    %add3A_873 = vector.broadcast %add3A_872 : f32 to vector<16xf32>
    %add3A_874 = arith.addf %gather3A_871, %add3A_873 : vector<16xf32>
    %div3A_875 = arith.constant 1.000000e+00 : f32
    %div3A_876 = vector.broadcast %div3A_875 : f32 to vector<16xf32>
    %div3A_877 = arith.divf %div3A_876, %add3A_874 : vector<16xf32>
    %add3A_878 = arith.addf %add3A_845, %div3A_877 : vector<16xf32>
    %mul3A_879 = arith.constant 3 : i32
    %mul3A_880 = vector.broadcast %mul3A_879 : i32 to vector<16xi32>
    %mul3A_881 = arith.muli %gather3A_870, %mul3A_880 : vector<16xi32>
    %gather3A_882 = tpu.vector_load_idx %arg6[%mul3A_881] : memref<12288xf32, #tpu.memory_space<vmem>>[vector<16xi32>], vector<16xf32>,
    %mul3A_883 = arith.mulf %div3A_877, %gather3A_882 : vector<16xf32>
    %add3A_884 = arith.addf %add3A_851, %mul3A_883 : vector<16xf32>
    %add3A_885 = arith.constant 1 : i32
    %add3A_886 = vector.broadcast %add3A_885 : i32 to vector<16xi32>
    %add3A_887 = arith.addi %mul3A_881, %add3A_886 : vector<16xi32>
    %gather3A_888 = tpu.vector_load_idx %arg6[%add3A_887] : memref<12288xf32, #tpu.memory_space<vmem>>[vector<16xi32>], vector<16xf32>,
    %mul3A_889 = arith.mulf %div3A_877, %gather3A_888 : vector<16xf32>
    %add3A_890 = arith.addf %add3A_857, %mul3A_889 : vector<16xf32>
    %add3A_891 = arith.constant 2 : i32
    %add3A_892 = vector.broadcast %add3A_891 : i32 to vector<16xi32>
    %add3A_893 = arith.addi %mul3A_881, %add3A_892 : vector<16xi32>
    %gather3A_894 = tpu.vector_load_idx %arg6[%add3A_893] : memref<12288xf32, #tpu.memory_space<vmem>>[vector<16xi32>], vector<16xf32>,
    %mul3A_895 = arith.mulf %div3A_877, %gather3A_894 : vector<16xf32>
    %add3A_896 = arith.addf %add3A_863, %mul3A_895 : vector<16xf32>
    %mul3A_897 = arith.constant 16 : i32
    %mul3A_898 = vector.broadcast %mul3A_897 : i32 to vector<16xi32>
    %mul3A_899 = arith.muli %add3A_756, %mul3A_898 : vector<16xi32>
    %add3A_900 = arith.constant 4 : i32
    %add3A_901 = vector.broadcast %add3A_900 : i32 to vector<16xi32>
    %add3A_902 = arith.addi %mul3A_899, %add3A_901 : vector<16xi32>
    %gather3A_903 = tpu.vector_load_idx %arg7[%add3A_902] : memref<2048xi32, #tpu.memory_space<vmem>>[vector<16xi32>], vector<16xi32>,
    %gather3A_904 = tpu.vector_load_idx %arg8[%add3A_902] : memref<2048xf32, #tpu.memory_space<vmem>>[vector<16xi32>], vector<16xf32>,
    %add3A_905 = arith.constant 9.99999993E-9 : f32
    %add3A_906 = vector.broadcast %add3A_905 : f32 to vector<16xf32>
    %add3A_907 = arith.addf %gather3A_904, %add3A_906 : vector<16xf32>
    %div3A_908 = arith.constant 1.000000e+00 : f32
    %div3A_909 = vector.broadcast %div3A_908 : f32 to vector<16xf32>
    %div3A_910 = arith.divf %div3A_909, %add3A_907 : vector<16xf32>
    %add3A_911 = arith.addf %add3A_878, %div3A_910 : vector<16xf32>
    %mul3A_912 = arith.constant 3 : i32
    %mul3A_913 = vector.broadcast %mul3A_912 : i32 to vector<16xi32>
    %mul3A_914 = arith.muli %gather3A_903, %mul3A_913 : vector<16xi32>
    %gather3A_915 = tpu.vector_load_idx %arg6[%mul3A_914] : memref<12288xf32, #tpu.memory_space<vmem>>[vector<16xi32>], vector<16xf32>,
    %mul3A_916 = arith.mulf %div3A_910, %gather3A_915 : vector<16xf32>
    %add3A_917 = arith.addf %add3A_884, %mul3A_916 : vector<16xf32>
    %add3A_918 = arith.constant 1 : i32
    %add3A_919 = vector.broadcast %add3A_918 : i32 to vector<16xi32>
    %add3A_920 = arith.addi %mul3A_914, %add3A_919 : vector<16xi32>
    %gather3A_921 = tpu.vector_load_idx %arg6[%add3A_920] : memref<12288xf32, #tpu.memory_space<vmem>>[vector<16xi32>], vector<16xf32>,
    %mul3A_922 = arith.mulf %div3A_910, %gather3A_921 : vector<16xf32>
    %add3A_923 = arith.addf %add3A_890, %mul3A_922 : vector<16xf32>
    %add3A_924 = arith.constant 2 : i32
    %add3A_925 = vector.broadcast %add3A_924 : i32 to vector<16xi32>
    %add3A_926 = arith.addi %mul3A_914, %add3A_925 : vector<16xi32>
    %gather3A_927 = tpu.vector_load_idx %arg6[%add3A_926] : memref<12288xf32, #tpu.memory_space<vmem>>[vector<16xi32>], vector<16xf32>,
    %mul3A_928 = arith.mulf %div3A_910, %gather3A_927 : vector<16xf32>
    %add3A_929 = arith.addf %add3A_896, %mul3A_928 : vector<16xf32>
    %mul3A_930 = arith.constant 3 : i32
    %mul3A_931 = vector.broadcast %mul3A_930 : i32 to vector<16xi32>
    %mul3A_932 = arith.muli %add3A_756, %mul3A_931 : vector<16xi32>
    %div3A_933 = arith.divf %add3A_917, %add3A_911 : vector<16xf32>
    tpu.vector_store_idx %arg9[%mul3A_932], %div3A_933 : memref<384xf32, #tpu.memory_space<vmem>>[vector<16xi32>], vector<16xf32>,
    %add3A_934 = arith.constant 1 : i32
    %add3A_935 = vector.broadcast %add3A_934 : i32 to vector<16xi32>
    %add3A_936 = arith.addi %mul3A_932, %add3A_935 : vector<16xi32>
    %div3A_937 = arith.divf %add3A_923, %add3A_911 : vector<16xf32>
    tpu.vector_store_idx %arg9[%add3A_936], %div3A_937 : memref<384xf32, #tpu.memory_space<vmem>>[vector<16xi32>], vector<16xf32>,
    %add3A_938 = arith.constant 2 : i32
    %add3A_939 = vector.broadcast %add3A_938 : i32 to vector<16xi32>
    %add3A_940 = arith.addi %mul3A_932, %add3A_939 : vector<16xi32>
    %div3A_941 = arith.divf %add3A_929, %add3A_911 : vector<16xf32>
    tpu.vector_store_idx %arg9[%add3A_940], %div3A_941 : memref<384xf32, #tpu.memory_space<vmem>>[vector<16xi32>], vector<16xf32>,
    %add3A_942 = arith.constant 80 : i32
    %add3A_943 = vector.broadcast %add3A_942 : i32 to vector<16xi32>
    %add3A_944 = arith.addi %add3A_943, %iota3A : vector<16xi32>
    %broadcast_in_dim3A_945 = arith.constant 0.000000e+00 : f32
    %broadcast_in_dim3A_946 = vector.broadcast %broadcast_in_dim3A_945 : f32 to vector<16xf32>
    %broadcast_in_dim3A_947 = arith.constant 0.000000e+00 : f32
    %broadcast_in_dim3A_948 = vector.broadcast %broadcast_in_dim3A_947 : f32 to vector<16xf32>
    %broadcast_in_dim3A_949 = arith.constant 0.000000e+00 : f32
    %broadcast_in_dim3A_950 = vector.broadcast %broadcast_in_dim3A_949 : f32 to vector<16xf32>
    %broadcast_in_dim3A_951 = arith.constant 0.000000e+00 : f32
    %broadcast_in_dim3A_952 = vector.broadcast %broadcast_in_dim3A_951 : f32 to vector<16xf32>
    %mul3A_953 = arith.constant 16 : i32
    %mul3A_954 = vector.broadcast %mul3A_953 : i32 to vector<16xi32>
    %mul3A_955 = arith.muli %add3A_944, %mul3A_954 : vector<16xi32>
    %add3A_956 = arith.constant 0 : i32
    %add3A_957 = vector.broadcast %add3A_956 : i32 to vector<16xi32>
    %add3A_958 = arith.addi %mul3A_955, %add3A_957 : vector<16xi32>
    %gather3A_959 = tpu.vector_load_idx %arg7[%add3A_958] : memref<2048xi32, #tpu.memory_space<vmem>>[vector<16xi32>], vector<16xi32>,
    %gather3A_960 = tpu.vector_load_idx %arg8[%add3A_958] : memref<2048xf32, #tpu.memory_space<vmem>>[vector<16xi32>], vector<16xf32>,
    %add3A_961 = arith.constant 9.99999993E-9 : f32
    %add3A_962 = vector.broadcast %add3A_961 : f32 to vector<16xf32>
    %add3A_963 = arith.addf %gather3A_960, %add3A_962 : vector<16xf32>
    %div3A_964 = arith.constant 1.000000e+00 : f32
    %div3A_965 = vector.broadcast %div3A_964 : f32 to vector<16xf32>
    %div3A_966 = arith.divf %div3A_965, %add3A_963 : vector<16xf32>
    %add3A_967 = arith.addf %broadcast_in_dim3A_946, %div3A_966 : vector<16xf32>
    %mul3A_968 = arith.constant 3 : i32
    %mul3A_969 = vector.broadcast %mul3A_968 : i32 to vector<16xi32>
    %mul3A_970 = arith.muli %gather3A_959, %mul3A_969 : vector<16xi32>
    %gather3A_971 = tpu.vector_load_idx %arg6[%mul3A_970] : memref<12288xf32, #tpu.memory_space<vmem>>[vector<16xi32>], vector<16xf32>,
    %mul3A_972 = arith.mulf %div3A_966, %gather3A_971 : vector<16xf32>
    %add3A_973 = arith.addf %broadcast_in_dim3A_948, %mul3A_972 : vector<16xf32>
    %add3A_974 = arith.constant 1 : i32
    %add3A_975 = vector.broadcast %add3A_974 : i32 to vector<16xi32>
    %add3A_976 = arith.addi %mul3A_970, %add3A_975 : vector<16xi32>
    %gather3A_977 = tpu.vector_load_idx %arg6[%add3A_976] : memref<12288xf32, #tpu.memory_space<vmem>>[vector<16xi32>], vector<16xf32>,
    %mul3A_978 = arith.mulf %div3A_966, %gather3A_977 : vector<16xf32>
    %add3A_979 = arith.addf %broadcast_in_dim3A_950, %mul3A_978 : vector<16xf32>
    %add3A_980 = arith.constant 2 : i32
    %add3A_981 = vector.broadcast %add3A_980 : i32 to vector<16xi32>
    %add3A_982 = arith.addi %mul3A_970, %add3A_981 : vector<16xi32>
    %gather3A_983 = tpu.vector_load_idx %arg6[%add3A_982] : memref<12288xf32, #tpu.memory_space<vmem>>[vector<16xi32>], vector<16xf32>,
    %mul3A_984 = arith.mulf %div3A_966, %gather3A_983 : vector<16xf32>
    %add3A_985 = arith.addf %broadcast_in_dim3A_952, %mul3A_984 : vector<16xf32>
    %mul3A_986 = arith.constant 16 : i32
    %mul3A_987 = vector.broadcast %mul3A_986 : i32 to vector<16xi32>
    %mul3A_988 = arith.muli %add3A_944, %mul3A_987 : vector<16xi32>
    %add3A_989 = arith.constant 1 : i32
    %add3A_990 = vector.broadcast %add3A_989 : i32 to vector<16xi32>
    %add3A_991 = arith.addi %mul3A_988, %add3A_990 : vector<16xi32>
    %gather3A_992 = tpu.vector_load_idx %arg7[%add3A_991] : memref<2048xi32, #tpu.memory_space<vmem>>[vector<16xi32>], vector<16xi32>,
    %gather3A_993 = tpu.vector_load_idx %arg8[%add3A_991] : memref<2048xf32, #tpu.memory_space<vmem>>[vector<16xi32>], vector<16xf32>,
    %add3A_994 = arith.constant 9.99999993E-9 : f32
    %add3A_995 = vector.broadcast %add3A_994 : f32 to vector<16xf32>
    %add3A_996 = arith.addf %gather3A_993, %add3A_995 : vector<16xf32>
    %div3A_997 = arith.constant 1.000000e+00 : f32
    %div3A_998 = vector.broadcast %div3A_997 : f32 to vector<16xf32>
    %div3A_999 = arith.divf %div3A_998, %add3A_996 : vector<16xf32>
    %add3A_1000 = arith.addf %add3A_967, %div3A_999 : vector<16xf32>
    %mul3A_1001 = arith.constant 3 : i32
    %mul3A_1002 = vector.broadcast %mul3A_1001 : i32 to vector<16xi32>
    %mul3A_1003 = arith.muli %gather3A_992, %mul3A_1002 : vector<16xi32>
    %gather3A_1004 = tpu.vector_load_idx %arg6[%mul3A_1003] : memref<12288xf32, #tpu.memory_space<vmem>>[vector<16xi32>], vector<16xf32>,
    %mul3A_1005 = arith.mulf %div3A_999, %gather3A_1004 : vector<16xf32>
    %add3A_1006 = arith.addf %add3A_973, %mul3A_1005 : vector<16xf32>
    %add3A_1007 = arith.constant 1 : i32
    %add3A_1008 = vector.broadcast %add3A_1007 : i32 to vector<16xi32>
    %add3A_1009 = arith.addi %mul3A_1003, %add3A_1008 : vector<16xi32>
    %gather3A_1010 = tpu.vector_load_idx %arg6[%add3A_1009] : memref<12288xf32, #tpu.memory_space<vmem>>[vector<16xi32>], vector<16xf32>,
    %mul3A_1011 = arith.mulf %div3A_999, %gather3A_1010 : vector<16xf32>
    %add3A_1012 = arith.addf %add3A_979, %mul3A_1011 : vector<16xf32>
    %add3A_1013 = arith.constant 2 : i32
    %add3A_1014 = vector.broadcast %add3A_1013 : i32 to vector<16xi32>
    %add3A_1015 = arith.addi %mul3A_1003, %add3A_1014 : vector<16xi32>
    %gather3A_1016 = tpu.vector_load_idx %arg6[%add3A_1015] : memref<12288xf32, #tpu.memory_space<vmem>>[vector<16xi32>], vector<16xf32>,
    %mul3A_1017 = arith.mulf %div3A_999, %gather3A_1016 : vector<16xf32>
    %add3A_1018 = arith.addf %add3A_985, %mul3A_1017 : vector<16xf32>
    %mul3A_1019 = arith.constant 16 : i32
    %mul3A_1020 = vector.broadcast %mul3A_1019 : i32 to vector<16xi32>
    %mul3A_1021 = arith.muli %add3A_944, %mul3A_1020 : vector<16xi32>
    %add3A_1022 = arith.constant 2 : i32
    %add3A_1023 = vector.broadcast %add3A_1022 : i32 to vector<16xi32>
    %add3A_1024 = arith.addi %mul3A_1021, %add3A_1023 : vector<16xi32>
    %gather3A_1025 = tpu.vector_load_idx %arg7[%add3A_1024] : memref<2048xi32, #tpu.memory_space<vmem>>[vector<16xi32>], vector<16xi32>,
    %gather3A_1026 = tpu.vector_load_idx %arg8[%add3A_1024] : memref<2048xf32, #tpu.memory_space<vmem>>[vector<16xi32>], vector<16xf32>,
    %add3A_1027 = arith.constant 9.99999993E-9 : f32
    %add3A_1028 = vector.broadcast %add3A_1027 : f32 to vector<16xf32>
    %add3A_1029 = arith.addf %gather3A_1026, %add3A_1028 : vector<16xf32>
    %div3A_1030 = arith.constant 1.000000e+00 : f32
    %div3A_1031 = vector.broadcast %div3A_1030 : f32 to vector<16xf32>
    %div3A_1032 = arith.divf %div3A_1031, %add3A_1029 : vector<16xf32>
    %add3A_1033 = arith.addf %add3A_1000, %div3A_1032 : vector<16xf32>
    %mul3A_1034 = arith.constant 3 : i32
    %mul3A_1035 = vector.broadcast %mul3A_1034 : i32 to vector<16xi32>
    %mul3A_1036 = arith.muli %gather3A_1025, %mul3A_1035 : vector<16xi32>
    %gather3A_1037 = tpu.vector_load_idx %arg6[%mul3A_1036] : memref<12288xf32, #tpu.memory_space<vmem>>[vector<16xi32>], vector<16xf32>,
    %mul3A_1038 = arith.mulf %div3A_1032, %gather3A_1037 : vector<16xf32>
    %add3A_1039 = arith.addf %add3A_1006, %mul3A_1038 : vector<16xf32>
    %add3A_1040 = arith.constant 1 : i32
    %add3A_1041 = vector.broadcast %add3A_1040 : i32 to vector<16xi32>
    %add3A_1042 = arith.addi %mul3A_1036, %add3A_1041 : vector<16xi32>
    %gather3A_1043 = tpu.vector_load_idx %arg6[%add3A_1042] : memref<12288xf32, #tpu.memory_space<vmem>>[vector<16xi32>], vector<16xf32>,
    %mul3A_1044 = arith.mulf %div3A_1032, %gather3A_1043 : vector<16xf32>
    %add3A_1045 = arith.addf %add3A_1012, %mul3A_1044 : vector<16xf32>
    %add3A_1046 = arith.constant 2 : i32
    %add3A_1047 = vector.broadcast %add3A_1046 : i32 to vector<16xi32>
    %add3A_1048 = arith.addi %mul3A_1036, %add3A_1047 : vector<16xi32>
    %gather3A_1049 = tpu.vector_load_idx %arg6[%add3A_1048] : memref<12288xf32, #tpu.memory_space<vmem>>[vector<16xi32>], vector<16xf32>,
    %mul3A_1050 = arith.mulf %div3A_1032, %gather3A_1049 : vector<16xf32>
    %add3A_1051 = arith.addf %add3A_1018, %mul3A_1050 : vector<16xf32>
    %mul3A_1052 = arith.constant 16 : i32
    %mul3A_1053 = vector.broadcast %mul3A_1052 : i32 to vector<16xi32>
    %mul3A_1054 = arith.muli %add3A_944, %mul3A_1053 : vector<16xi32>
    %add3A_1055 = arith.constant 3 : i32
    %add3A_1056 = vector.broadcast %add3A_1055 : i32 to vector<16xi32>
    %add3A_1057 = arith.addi %mul3A_1054, %add3A_1056 : vector<16xi32>
    %gather3A_1058 = tpu.vector_load_idx %arg7[%add3A_1057] : memref<2048xi32, #tpu.memory_space<vmem>>[vector<16xi32>], vector<16xi32>,
    %gather3A_1059 = tpu.vector_load_idx %arg8[%add3A_1057] : memref<2048xf32, #tpu.memory_space<vmem>>[vector<16xi32>], vector<16xf32>,
    %add3A_1060 = arith.constant 9.99999993E-9 : f32
    %add3A_1061 = vector.broadcast %add3A_1060 : f32 to vector<16xf32>
    %add3A_1062 = arith.addf %gather3A_1059, %add3A_1061 : vector<16xf32>
    %div3A_1063 = arith.constant 1.000000e+00 : f32
    %div3A_1064 = vector.broadcast %div3A_1063 : f32 to vector<16xf32>
    %div3A_1065 = arith.divf %div3A_1064, %add3A_1062 : vector<16xf32>
    %add3A_1066 = arith.addf %add3A_1033, %div3A_1065 : vector<16xf32>
    %mul3A_1067 = arith.constant 3 : i32
    %mul3A_1068 = vector.broadcast %mul3A_1067 : i32 to vector<16xi32>
    %mul3A_1069 = arith.muli %gather3A_1058, %mul3A_1068 : vector<16xi32>
    %gather3A_1070 = tpu.vector_load_idx %arg6[%mul3A_1069] : memref<12288xf32, #tpu.memory_space<vmem>>[vector<16xi32>], vector<16xf32>,
    %mul3A_1071 = arith.mulf %div3A_1065, %gather3A_1070 : vector<16xf32>
    %add3A_1072 = arith.addf %add3A_1039, %mul3A_1071 : vector<16xf32>
    %add3A_1073 = arith.constant 1 : i32
    %add3A_1074 = vector.broadcast %add3A_1073 : i32 to vector<16xi32>
    %add3A_1075 = arith.addi %mul3A_1069, %add3A_1074 : vector<16xi32>
    %gather3A_1076 = tpu.vector_load_idx %arg6[%add3A_1075] : memref<12288xf32, #tpu.memory_space<vmem>>[vector<16xi32>], vector<16xf32>,
    %mul3A_1077 = arith.mulf %div3A_1065, %gather3A_1076 : vector<16xf32>
    %add3A_1078 = arith.addf %add3A_1045, %mul3A_1077 : vector<16xf32>
    %add3A_1079 = arith.constant 2 : i32
    %add3A_1080 = vector.broadcast %add3A_1079 : i32 to vector<16xi32>
    %add3A_1081 = arith.addi %mul3A_1069, %add3A_1080 : vector<16xi32>
    %gather3A_1082 = tpu.vector_load_idx %arg6[%add3A_1081] : memref<12288xf32, #tpu.memory_space<vmem>>[vector<16xi32>], vector<16xf32>,
    %mul3A_1083 = arith.mulf %div3A_1065, %gather3A_1082 : vector<16xf32>
    %add3A_1084 = arith.addf %add3A_1051, %mul3A_1083 : vector<16xf32>
    %mul3A_1085 = arith.constant 16 : i32
    %mul3A_1086 = vector.broadcast %mul3A_1085 : i32 to vector<16xi32>
    %mul3A_1087 = arith.muli %add3A_944, %mul3A_1086 : vector<16xi32>
    %add3A_1088 = arith.constant 4 : i32
    %add3A_1089 = vector.broadcast %add3A_1088 : i32 to vector<16xi32>
    %add3A_1090 = arith.addi %mul3A_1087, %add3A_1089 : vector<16xi32>
    %gather3A_1091 = tpu.vector_load_idx %arg7[%add3A_1090] : memref<2048xi32, #tpu.memory_space<vmem>>[vector<16xi32>], vector<16xi32>,
    %gather3A_1092 = tpu.vector_load_idx %arg8[%add3A_1090] : memref<2048xf32, #tpu.memory_space<vmem>>[vector<16xi32>], vector<16xf32>,
    %add3A_1093 = arith.constant 9.99999993E-9 : f32
    %add3A_1094 = vector.broadcast %add3A_1093 : f32 to vector<16xf32>
    %add3A_1095 = arith.addf %gather3A_1092, %add3A_1094 : vector<16xf32>
    %div3A_1096 = arith.constant 1.000000e+00 : f32
    %div3A_1097 = vector.broadcast %div3A_1096 : f32 to vector<16xf32>
    %div3A_1098 = arith.divf %div3A_1097, %add3A_1095 : vector<16xf32>
    %add3A_1099 = arith.addf %add3A_1066, %div3A_1098 : vector<16xf32>
    %mul3A_1100 = arith.constant 3 : i32
    %mul3A_1101 = vector.broadcast %mul3A_1100 : i32 to vector<16xi32>
    %mul3A_1102 = arith.muli %gather3A_1091, %mul3A_1101 : vector<16xi32>
    %gather3A_1103 = tpu.vector_load_idx %arg6[%mul3A_1102] : memref<12288xf32, #tpu.memory_space<vmem>>[vector<16xi32>], vector<16xf32>,
    %mul3A_1104 = arith.mulf %div3A_1098, %gather3A_1103 : vector<16xf32>
    %add3A_1105 = arith.addf %add3A_1072, %mul3A_1104 : vector<16xf32>
    %add3A_1106 = arith.constant 1 : i32
    %add3A_1107 = vector.broadcast %add3A_1106 : i32 to vector<16xi32>
    %add3A_1108 = arith.addi %mul3A_1102, %add3A_1107 : vector<16xi32>
    %gather3A_1109 = tpu.vector_load_idx %arg6[%add3A_1108] : memref<12288xf32, #tpu.memory_space<vmem>>[vector<16xi32>], vector<16xf32>,
    %mul3A_1110 = arith.mulf %div3A_1098, %gather3A_1109 : vector<16xf32>
    %add3A_1111 = arith.addf %add3A_1078, %mul3A_1110 : vector<16xf32>
    %add3A_1112 = arith.constant 2 : i32
    %add3A_1113 = vector.broadcast %add3A_1112 : i32 to vector<16xi32>
    %add3A_1114 = arith.addi %mul3A_1102, %add3A_1113 : vector<16xi32>
    %gather3A_1115 = tpu.vector_load_idx %arg6[%add3A_1114] : memref<12288xf32, #tpu.memory_space<vmem>>[vector<16xi32>], vector<16xf32>,
    %mul3A_1116 = arith.mulf %div3A_1098, %gather3A_1115 : vector<16xf32>
    %add3A_1117 = arith.addf %add3A_1084, %mul3A_1116 : vector<16xf32>
    %mul3A_1118 = arith.constant 3 : i32
    %mul3A_1119 = vector.broadcast %mul3A_1118 : i32 to vector<16xi32>
    %mul3A_1120 = arith.muli %add3A_944, %mul3A_1119 : vector<16xi32>
    %div3A_1121 = arith.divf %add3A_1105, %add3A_1099 : vector<16xf32>
    tpu.vector_store_idx %arg9[%mul3A_1120], %div3A_1121 : memref<384xf32, #tpu.memory_space<vmem>>[vector<16xi32>], vector<16xf32>,
    %add3A_1122 = arith.constant 1 : i32
    %add3A_1123 = vector.broadcast %add3A_1122 : i32 to vector<16xi32>
    %add3A_1124 = arith.addi %mul3A_1120, %add3A_1123 : vector<16xi32>
    %div3A_1125 = arith.divf %add3A_1111, %add3A_1099 : vector<16xf32>
    tpu.vector_store_idx %arg9[%add3A_1124], %div3A_1125 : memref<384xf32, #tpu.memory_space<vmem>>[vector<16xi32>], vector<16xf32>,
    %add3A_1126 = arith.constant 2 : i32
    %add3A_1127 = vector.broadcast %add3A_1126 : i32 to vector<16xi32>
    %add3A_1128 = arith.addi %mul3A_1120, %add3A_1127 : vector<16xi32>
    %div3A_1129 = arith.divf %add3A_1117, %add3A_1099 : vector<16xf32>
    tpu.vector_store_idx %arg9[%add3A_1128], %div3A_1129 : memref<384xf32, #tpu.memory_space<vmem>>[vector<16xi32>], vector<16xf32>,
    %add3A_1130 = arith.constant 96 : i32
    %add3A_1131 = vector.broadcast %add3A_1130 : i32 to vector<16xi32>
    %add3A_1132 = arith.addi %add3A_1131, %iota3A : vector<16xi32>
    %broadcast_in_dim3A_1133 = arith.constant 0.000000e+00 : f32
    %broadcast_in_dim3A_1134 = vector.broadcast %broadcast_in_dim3A_1133 : f32 to vector<16xf32>
    %broadcast_in_dim3A_1135 = arith.constant 0.000000e+00 : f32
    %broadcast_in_dim3A_1136 = vector.broadcast %broadcast_in_dim3A_1135 : f32 to vector<16xf32>
    %broadcast_in_dim3A_1137 = arith.constant 0.000000e+00 : f32
    %broadcast_in_dim3A_1138 = vector.broadcast %broadcast_in_dim3A_1137 : f32 to vector<16xf32>
    %broadcast_in_dim3A_1139 = arith.constant 0.000000e+00 : f32
    %broadcast_in_dim3A_1140 = vector.broadcast %broadcast_in_dim3A_1139 : f32 to vector<16xf32>
    %mul3A_1141 = arith.constant 16 : i32
    %mul3A_1142 = vector.broadcast %mul3A_1141 : i32 to vector<16xi32>
    %mul3A_1143 = arith.muli %add3A_1132, %mul3A_1142 : vector<16xi32>
    %add3A_1144 = arith.constant 0 : i32
    %add3A_1145 = vector.broadcast %add3A_1144 : i32 to vector<16xi32>
    %add3A_1146 = arith.addi %mul3A_1143, %add3A_1145 : vector<16xi32>
    %gather3A_1147 = tpu.vector_load_idx %arg7[%add3A_1146] : memref<2048xi32, #tpu.memory_space<vmem>>[vector<16xi32>], vector<16xi32>,
    %gather3A_1148 = tpu.vector_load_idx %arg8[%add3A_1146] : memref<2048xf32, #tpu.memory_space<vmem>>[vector<16xi32>], vector<16xf32>,
    %add3A_1149 = arith.constant 9.99999993E-9 : f32
    %add3A_1150 = vector.broadcast %add3A_1149 : f32 to vector<16xf32>
    %add3A_1151 = arith.addf %gather3A_1148, %add3A_1150 : vector<16xf32>
    %div3A_1152 = arith.constant 1.000000e+00 : f32
    %div3A_1153 = vector.broadcast %div3A_1152 : f32 to vector<16xf32>
    %div3A_1154 = arith.divf %div3A_1153, %add3A_1151 : vector<16xf32>
    %add3A_1155 = arith.addf %broadcast_in_dim3A_1134, %div3A_1154 : vector<16xf32>
    %mul3A_1156 = arith.constant 3 : i32
    %mul3A_1157 = vector.broadcast %mul3A_1156 : i32 to vector<16xi32>
    %mul3A_1158 = arith.muli %gather3A_1147, %mul3A_1157 : vector<16xi32>
    %gather3A_1159 = tpu.vector_load_idx %arg6[%mul3A_1158] : memref<12288xf32, #tpu.memory_space<vmem>>[vector<16xi32>], vector<16xf32>,
    %mul3A_1160 = arith.mulf %div3A_1154, %gather3A_1159 : vector<16xf32>
    %add3A_1161 = arith.addf %broadcast_in_dim3A_1136, %mul3A_1160 : vector<16xf32>
    %add3A_1162 = arith.constant 1 : i32
    %add3A_1163 = vector.broadcast %add3A_1162 : i32 to vector<16xi32>
    %add3A_1164 = arith.addi %mul3A_1158, %add3A_1163 : vector<16xi32>
    %gather3A_1165 = tpu.vector_load_idx %arg6[%add3A_1164] : memref<12288xf32, #tpu.memory_space<vmem>>[vector<16xi32>], vector<16xf32>,
    %mul3A_1166 = arith.mulf %div3A_1154, %gather3A_1165 : vector<16xf32>
    %add3A_1167 = arith.addf %broadcast_in_dim3A_1138, %mul3A_1166 : vector<16xf32>
    %add3A_1168 = arith.constant 2 : i32
    %add3A_1169 = vector.broadcast %add3A_1168 : i32 to vector<16xi32>
    %add3A_1170 = arith.addi %mul3A_1158, %add3A_1169 : vector<16xi32>
    %gather3A_1171 = tpu.vector_load_idx %arg6[%add3A_1170] : memref<12288xf32, #tpu.memory_space<vmem>>[vector<16xi32>], vector<16xf32>,
    %mul3A_1172 = arith.mulf %div3A_1154, %gather3A_1171 : vector<16xf32>
    %add3A_1173 = arith.addf %broadcast_in_dim3A_1140, %mul3A_1172 : vector<16xf32>
    %mul3A_1174 = arith.constant 16 : i32
    %mul3A_1175 = vector.broadcast %mul3A_1174 : i32 to vector<16xi32>
    %mul3A_1176 = arith.muli %add3A_1132, %mul3A_1175 : vector<16xi32>
    %add3A_1177 = arith.constant 1 : i32
    %add3A_1178 = vector.broadcast %add3A_1177 : i32 to vector<16xi32>
    %add3A_1179 = arith.addi %mul3A_1176, %add3A_1178 : vector<16xi32>
    %gather3A_1180 = tpu.vector_load_idx %arg7[%add3A_1179] : memref<2048xi32, #tpu.memory_space<vmem>>[vector<16xi32>], vector<16xi32>,
    %gather3A_1181 = tpu.vector_load_idx %arg8[%add3A_1179] : memref<2048xf32, #tpu.memory_space<vmem>>[vector<16xi32>], vector<16xf32>,
    %add3A_1182 = arith.constant 9.99999993E-9 : f32
    %add3A_1183 = vector.broadcast %add3A_1182 : f32 to vector<16xf32>
    %add3A_1184 = arith.addf %gather3A_1181, %add3A_1183 : vector<16xf32>
    %div3A_1185 = arith.constant 1.000000e+00 : f32
    %div3A_1186 = vector.broadcast %div3A_1185 : f32 to vector<16xf32>
    %div3A_1187 = arith.divf %div3A_1186, %add3A_1184 : vector<16xf32>
    %add3A_1188 = arith.addf %add3A_1155, %div3A_1187 : vector<16xf32>
    %mul3A_1189 = arith.constant 3 : i32
    %mul3A_1190 = vector.broadcast %mul3A_1189 : i32 to vector<16xi32>
    %mul3A_1191 = arith.muli %gather3A_1180, %mul3A_1190 : vector<16xi32>
    %gather3A_1192 = tpu.vector_load_idx %arg6[%mul3A_1191] : memref<12288xf32, #tpu.memory_space<vmem>>[vector<16xi32>], vector<16xf32>,
    %mul3A_1193 = arith.mulf %div3A_1187, %gather3A_1192 : vector<16xf32>
    %add3A_1194 = arith.addf %add3A_1161, %mul3A_1193 : vector<16xf32>
    %add3A_1195 = arith.constant 1 : i32
    %add3A_1196 = vector.broadcast %add3A_1195 : i32 to vector<16xi32>
    %add3A_1197 = arith.addi %mul3A_1191, %add3A_1196 : vector<16xi32>
    %gather3A_1198 = tpu.vector_load_idx %arg6[%add3A_1197] : memref<12288xf32, #tpu.memory_space<vmem>>[vector<16xi32>], vector<16xf32>,
    %mul3A_1199 = arith.mulf %div3A_1187, %gather3A_1198 : vector<16xf32>
    %add3A_1200 = arith.addf %add3A_1167, %mul3A_1199 : vector<16xf32>
    %add3A_1201 = arith.constant 2 : i32
    %add3A_1202 = vector.broadcast %add3A_1201 : i32 to vector<16xi32>
    %add3A_1203 = arith.addi %mul3A_1191, %add3A_1202 : vector<16xi32>
    %gather3A_1204 = tpu.vector_load_idx %arg6[%add3A_1203] : memref<12288xf32, #tpu.memory_space<vmem>>[vector<16xi32>], vector<16xf32>,
    %mul3A_1205 = arith.mulf %div3A_1187, %gather3A_1204 : vector<16xf32>
    %add3A_1206 = arith.addf %add3A_1173, %mul3A_1205 : vector<16xf32>
    %mul3A_1207 = arith.constant 16 : i32
    %mul3A_1208 = vector.broadcast %mul3A_1207 : i32 to vector<16xi32>
    %mul3A_1209 = arith.muli %add3A_1132, %mul3A_1208 : vector<16xi32>
    %add3A_1210 = arith.constant 2 : i32
    %add3A_1211 = vector.broadcast %add3A_1210 : i32 to vector<16xi32>
    %add3A_1212 = arith.addi %mul3A_1209, %add3A_1211 : vector<16xi32>
    %gather3A_1213 = tpu.vector_load_idx %arg7[%add3A_1212] : memref<2048xi32, #tpu.memory_space<vmem>>[vector<16xi32>], vector<16xi32>,
    %gather3A_1214 = tpu.vector_load_idx %arg8[%add3A_1212] : memref<2048xf32, #tpu.memory_space<vmem>>[vector<16xi32>], vector<16xf32>,
    %add3A_1215 = arith.constant 9.99999993E-9 : f32
    %add3A_1216 = vector.broadcast %add3A_1215 : f32 to vector<16xf32>
    %add3A_1217 = arith.addf %gather3A_1214, %add3A_1216 : vector<16xf32>
    %div3A_1218 = arith.constant 1.000000e+00 : f32
    %div3A_1219 = vector.broadcast %div3A_1218 : f32 to vector<16xf32>
    %div3A_1220 = arith.divf %div3A_1219, %add3A_1217 : vector<16xf32>
    %add3A_1221 = arith.addf %add3A_1188, %div3A_1220 : vector<16xf32>
    %mul3A_1222 = arith.constant 3 : i32
    %mul3A_1223 = vector.broadcast %mul3A_1222 : i32 to vector<16xi32>
    %mul3A_1224 = arith.muli %gather3A_1213, %mul3A_1223 : vector<16xi32>
    %gather3A_1225 = tpu.vector_load_idx %arg6[%mul3A_1224] : memref<12288xf32, #tpu.memory_space<vmem>>[vector<16xi32>], vector<16xf32>,
    %mul3A_1226 = arith.mulf %div3A_1220, %gather3A_1225 : vector<16xf32>
    %add3A_1227 = arith.addf %add3A_1194, %mul3A_1226 : vector<16xf32>
    %add3A_1228 = arith.constant 1 : i32
    %add3A_1229 = vector.broadcast %add3A_1228 : i32 to vector<16xi32>
    %add3A_1230 = arith.addi %mul3A_1224, %add3A_1229 : vector<16xi32>
    %gather3A_1231 = tpu.vector_load_idx %arg6[%add3A_1230] : memref<12288xf32, #tpu.memory_space<vmem>>[vector<16xi32>], vector<16xf32>,
    %mul3A_1232 = arith.mulf %div3A_1220, %gather3A_1231 : vector<16xf32>
    %add3A_1233 = arith.addf %add3A_1200, %mul3A_1232 : vector<16xf32>
    %add3A_1234 = arith.constant 2 : i32
    %add3A_1235 = vector.broadcast %add3A_1234 : i32 to vector<16xi32>
    %add3A_1236 = arith.addi %mul3A_1224, %add3A_1235 : vector<16xi32>
    %gather3A_1237 = tpu.vector_load_idx %arg6[%add3A_1236] : memref<12288xf32, #tpu.memory_space<vmem>>[vector<16xi32>], vector<16xf32>,
    %mul3A_1238 = arith.mulf %div3A_1220, %gather3A_1237 : vector<16xf32>
    %add3A_1239 = arith.addf %add3A_1206, %mul3A_1238 : vector<16xf32>
    %mul3A_1240 = arith.constant 16 : i32
    %mul3A_1241 = vector.broadcast %mul3A_1240 : i32 to vector<16xi32>
    %mul3A_1242 = arith.muli %add3A_1132, %mul3A_1241 : vector<16xi32>
    %add3A_1243 = arith.constant 3 : i32
    %add3A_1244 = vector.broadcast %add3A_1243 : i32 to vector<16xi32>
    %add3A_1245 = arith.addi %mul3A_1242, %add3A_1244 : vector<16xi32>
    %gather3A_1246 = tpu.vector_load_idx %arg7[%add3A_1245] : memref<2048xi32, #tpu.memory_space<vmem>>[vector<16xi32>], vector<16xi32>,
    %gather3A_1247 = tpu.vector_load_idx %arg8[%add3A_1245] : memref<2048xf32, #tpu.memory_space<vmem>>[vector<16xi32>], vector<16xf32>,
    %add3A_1248 = arith.constant 9.99999993E-9 : f32
    %add3A_1249 = vector.broadcast %add3A_1248 : f32 to vector<16xf32>
    %add3A_1250 = arith.addf %gather3A_1247, %add3A_1249 : vector<16xf32>
    %div3A_1251 = arith.constant 1.000000e+00 : f32
    %div3A_1252 = vector.broadcast %div3A_1251 : f32 to vector<16xf32>
    %div3A_1253 = arith.divf %div3A_1252, %add3A_1250 : vector<16xf32>
    %add3A_1254 = arith.addf %add3A_1221, %div3A_1253 : vector<16xf32>
    %mul3A_1255 = arith.constant 3 : i32
    %mul3A_1256 = vector.broadcast %mul3A_1255 : i32 to vector<16xi32>
    %mul3A_1257 = arith.muli %gather3A_1246, %mul3A_1256 : vector<16xi32>
    %gather3A_1258 = tpu.vector_load_idx %arg6[%mul3A_1257] : memref<12288xf32, #tpu.memory_space<vmem>>[vector<16xi32>], vector<16xf32>,
    %mul3A_1259 = arith.mulf %div3A_1253, %gather3A_1258 : vector<16xf32>
    %add3A_1260 = arith.addf %add3A_1227, %mul3A_1259 : vector<16xf32>
    %add3A_1261 = arith.constant 1 : i32
    %add3A_1262 = vector.broadcast %add3A_1261 : i32 to vector<16xi32>
    %add3A_1263 = arith.addi %mul3A_1257, %add3A_1262 : vector<16xi32>
    %gather3A_1264 = tpu.vector_load_idx %arg6[%add3A_1263] : memref<12288xf32, #tpu.memory_space<vmem>>[vector<16xi32>], vector<16xf32>,
    %mul3A_1265 = arith.mulf %div3A_1253, %gather3A_1264 : vector<16xf32>
    %add3A_1266 = arith.addf %add3A_1233, %mul3A_1265 : vector<16xf32>
    %add3A_1267 = arith.constant 2 : i32
    %add3A_1268 = vector.broadcast %add3A_1267 : i32 to vector<16xi32>
    %add3A_1269 = arith.addi %mul3A_1257, %add3A_1268 : vector<16xi32>
    %gather3A_1270 = tpu.vector_load_idx %arg6[%add3A_1269] : memref<12288xf32, #tpu.memory_space<vmem>>[vector<16xi32>], vector<16xf32>,
    %mul3A_1271 = arith.mulf %div3A_1253, %gather3A_1270 : vector<16xf32>
    %add3A_1272 = arith.addf %add3A_1239, %mul3A_1271 : vector<16xf32>
    %mul3A_1273 = arith.constant 16 : i32
    %mul3A_1274 = vector.broadcast %mul3A_1273 : i32 to vector<16xi32>
    %mul3A_1275 = arith.muli %add3A_1132, %mul3A_1274 : vector<16xi32>
    %add3A_1276 = arith.constant 4 : i32
    %add3A_1277 = vector.broadcast %add3A_1276 : i32 to vector<16xi32>
    %add3A_1278 = arith.addi %mul3A_1275, %add3A_1277 : vector<16xi32>
    %gather3A_1279 = tpu.vector_load_idx %arg7[%add3A_1278] : memref<2048xi32, #tpu.memory_space<vmem>>[vector<16xi32>], vector<16xi32>,
    %gather3A_1280 = tpu.vector_load_idx %arg8[%add3A_1278] : memref<2048xf32, #tpu.memory_space<vmem>>[vector<16xi32>], vector<16xf32>,
    %add3A_1281 = arith.constant 9.99999993E-9 : f32
    %add3A_1282 = vector.broadcast %add3A_1281 : f32 to vector<16xf32>
    %add3A_1283 = arith.addf %gather3A_1280, %add3A_1282 : vector<16xf32>
    %div3A_1284 = arith.constant 1.000000e+00 : f32
    %div3A_1285 = vector.broadcast %div3A_1284 : f32 to vector<16xf32>
    %div3A_1286 = arith.divf %div3A_1285, %add3A_1283 : vector<16xf32>
    %add3A_1287 = arith.addf %add3A_1254, %div3A_1286 : vector<16xf32>
    %mul3A_1288 = arith.constant 3 : i32
    %mul3A_1289 = vector.broadcast %mul3A_1288 : i32 to vector<16xi32>
    %mul3A_1290 = arith.muli %gather3A_1279, %mul3A_1289 : vector<16xi32>
    %gather3A_1291 = tpu.vector_load_idx %arg6[%mul3A_1290] : memref<12288xf32, #tpu.memory_space<vmem>>[vector<16xi32>], vector<16xf32>,
    %mul3A_1292 = arith.mulf %div3A_1286, %gather3A_1291 : vector<16xf32>
    %add3A_1293 = arith.addf %add3A_1260, %mul3A_1292 : vector<16xf32>
    %add3A_1294 = arith.constant 1 : i32
    %add3A_1295 = vector.broadcast %add3A_1294 : i32 to vector<16xi32>
    %add3A_1296 = arith.addi %mul3A_1290, %add3A_1295 : vector<16xi32>
    %gather3A_1297 = tpu.vector_load_idx %arg6[%add3A_1296] : memref<12288xf32, #tpu.memory_space<vmem>>[vector<16xi32>], vector<16xf32>,
    %mul3A_1298 = arith.mulf %div3A_1286, %gather3A_1297 : vector<16xf32>
    %add3A_1299 = arith.addf %add3A_1266, %mul3A_1298 : vector<16xf32>
    %add3A_1300 = arith.constant 2 : i32
    %add3A_1301 = vector.broadcast %add3A_1300 : i32 to vector<16xi32>
    %add3A_1302 = arith.addi %mul3A_1290, %add3A_1301 : vector<16xi32>
    %gather3A_1303 = tpu.vector_load_idx %arg6[%add3A_1302] : memref<12288xf32, #tpu.memory_space<vmem>>[vector<16xi32>], vector<16xf32>,
    %mul3A_1304 = arith.mulf %div3A_1286, %gather3A_1303 : vector<16xf32>
    %add3A_1305 = arith.addf %add3A_1272, %mul3A_1304 : vector<16xf32>
    %mul3A_1306 = arith.constant 3 : i32
    %mul3A_1307 = vector.broadcast %mul3A_1306 : i32 to vector<16xi32>
    %mul3A_1308 = arith.muli %add3A_1132, %mul3A_1307 : vector<16xi32>
    %div3A_1309 = arith.divf %add3A_1293, %add3A_1287 : vector<16xf32>
    tpu.vector_store_idx %arg9[%mul3A_1308], %div3A_1309 : memref<384xf32, #tpu.memory_space<vmem>>[vector<16xi32>], vector<16xf32>,
    %add3A_1310 = arith.constant 1 : i32
    %add3A_1311 = vector.broadcast %add3A_1310 : i32 to vector<16xi32>
    %add3A_1312 = arith.addi %mul3A_1308, %add3A_1311 : vector<16xi32>
    %div3A_1313 = arith.divf %add3A_1299, %add3A_1287 : vector<16xf32>
    tpu.vector_store_idx %arg9[%add3A_1312], %div3A_1313 : memref<384xf32, #tpu.memory_space<vmem>>[vector<16xi32>], vector<16xf32>,
    %add3A_1314 = arith.constant 2 : i32
    %add3A_1315 = vector.broadcast %add3A_1314 : i32 to vector<16xi32>
    %add3A_1316 = arith.addi %mul3A_1308, %add3A_1315 : vector<16xi32>
    %div3A_1317 = arith.divf %add3A_1305, %add3A_1287 : vector<16xf32>
    tpu.vector_store_idx %arg9[%add3A_1316], %div3A_1317 : memref<384xf32, #tpu.memory_space<vmem>>[vector<16xi32>], vector<16xf32>,
    %add3A_1318 = arith.constant 112 : i32
    %add3A_1319 = vector.broadcast %add3A_1318 : i32 to vector<16xi32>
    %add3A_1320 = arith.addi %add3A_1319, %iota3A : vector<16xi32>
    %broadcast_in_dim3A_1321 = arith.constant 0.000000e+00 : f32
    %broadcast_in_dim3A_1322 = vector.broadcast %broadcast_in_dim3A_1321 : f32 to vector<16xf32>
    %broadcast_in_dim3A_1323 = arith.constant 0.000000e+00 : f32
    %broadcast_in_dim3A_1324 = vector.broadcast %broadcast_in_dim3A_1323 : f32 to vector<16xf32>
    %broadcast_in_dim3A_1325 = arith.constant 0.000000e+00 : f32
    %broadcast_in_dim3A_1326 = vector.broadcast %broadcast_in_dim3A_1325 : f32 to vector<16xf32>
    %broadcast_in_dim3A_1327 = arith.constant 0.000000e+00 : f32
    %broadcast_in_dim3A_1328 = vector.broadcast %broadcast_in_dim3A_1327 : f32 to vector<16xf32>
    %mul3A_1329 = arith.constant 16 : i32
    %mul3A_1330 = vector.broadcast %mul3A_1329 : i32 to vector<16xi32>
    %mul3A_1331 = arith.muli %add3A_1320, %mul3A_1330 : vector<16xi32>
    %add3A_1332 = arith.constant 0 : i32
    %add3A_1333 = vector.broadcast %add3A_1332 : i32 to vector<16xi32>
    %add3A_1334 = arith.addi %mul3A_1331, %add3A_1333 : vector<16xi32>
    %gather3A_1335 = tpu.vector_load_idx %arg7[%add3A_1334] : memref<2048xi32, #tpu.memory_space<vmem>>[vector<16xi32>], vector<16xi32>,
    %gather3A_1336 = tpu.vector_load_idx %arg8[%add3A_1334] : memref<2048xf32, #tpu.memory_space<vmem>>[vector<16xi32>], vector<16xf32>,
    %add3A_1337 = arith.constant 9.99999993E-9 : f32
    %add3A_1338 = vector.broadcast %add3A_1337 : f32 to vector<16xf32>
    %add3A_1339 = arith.addf %gather3A_1336, %add3A_1338 : vector<16xf32>
    %div3A_1340 = arith.constant 1.000000e+00 : f32
    %div3A_1341 = vector.broadcast %div3A_1340 : f32 to vector<16xf32>
    %div3A_1342 = arith.divf %div3A_1341, %add3A_1339 : vector<16xf32>
    %add3A_1343 = arith.addf %broadcast_in_dim3A_1322, %div3A_1342 : vector<16xf32>
    %mul3A_1344 = arith.constant 3 : i32
    %mul3A_1345 = vector.broadcast %mul3A_1344 : i32 to vector<16xi32>
    %mul3A_1346 = arith.muli %gather3A_1335, %mul3A_1345 : vector<16xi32>
    %gather3A_1347 = tpu.vector_load_idx %arg6[%mul3A_1346] : memref<12288xf32, #tpu.memory_space<vmem>>[vector<16xi32>], vector<16xf32>,
    %mul3A_1348 = arith.mulf %div3A_1342, %gather3A_1347 : vector<16xf32>
    %add3A_1349 = arith.addf %broadcast_in_dim3A_1324, %mul3A_1348 : vector<16xf32>
    %add3A_1350 = arith.constant 1 : i32
    %add3A_1351 = vector.broadcast %add3A_1350 : i32 to vector<16xi32>
    %add3A_1352 = arith.addi %mul3A_1346, %add3A_1351 : vector<16xi32>
    %gather3A_1353 = tpu.vector_load_idx %arg6[%add3A_1352] : memref<12288xf32, #tpu.memory_space<vmem>>[vector<16xi32>], vector<16xf32>,
    %mul3A_1354 = arith.mulf %div3A_1342, %gather3A_1353 : vector<16xf32>
    %add3A_1355 = arith.addf %broadcast_in_dim3A_1326, %mul3A_1354 : vector<16xf32>
    %add3A_1356 = arith.constant 2 : i32
    %add3A_1357 = vector.broadcast %add3A_1356 : i32 to vector<16xi32>
    %add3A_1358 = arith.addi %mul3A_1346, %add3A_1357 : vector<16xi32>
    %gather3A_1359 = tpu.vector_load_idx %arg6[%add3A_1358] : memref<12288xf32, #tpu.memory_space<vmem>>[vector<16xi32>], vector<16xf32>,
    %mul3A_1360 = arith.mulf %div3A_1342, %gather3A_1359 : vector<16xf32>
    %add3A_1361 = arith.addf %broadcast_in_dim3A_1328, %mul3A_1360 : vector<16xf32>
    %mul3A_1362 = arith.constant 16 : i32
    %mul3A_1363 = vector.broadcast %mul3A_1362 : i32 to vector<16xi32>
    %mul3A_1364 = arith.muli %add3A_1320, %mul3A_1363 : vector<16xi32>
    %add3A_1365 = arith.constant 1 : i32
    %add3A_1366 = vector.broadcast %add3A_1365 : i32 to vector<16xi32>
    %add3A_1367 = arith.addi %mul3A_1364, %add3A_1366 : vector<16xi32>
    %gather3A_1368 = tpu.vector_load_idx %arg7[%add3A_1367] : memref<2048xi32, #tpu.memory_space<vmem>>[vector<16xi32>], vector<16xi32>,
    %gather3A_1369 = tpu.vector_load_idx %arg8[%add3A_1367] : memref<2048xf32, #tpu.memory_space<vmem>>[vector<16xi32>], vector<16xf32>,
    %add3A_1370 = arith.constant 9.99999993E-9 : f32
    %add3A_1371 = vector.broadcast %add3A_1370 : f32 to vector<16xf32>
    %add3A_1372 = arith.addf %gather3A_1369, %add3A_1371 : vector<16xf32>
    %div3A_1373 = arith.constant 1.000000e+00 : f32
    %div3A_1374 = vector.broadcast %div3A_1373 : f32 to vector<16xf32>
    %div3A_1375 = arith.divf %div3A_1374, %add3A_1372 : vector<16xf32>
    %add3A_1376 = arith.addf %add3A_1343, %div3A_1375 : vector<16xf32>
    %mul3A_1377 = arith.constant 3 : i32
    %mul3A_1378 = vector.broadcast %mul3A_1377 : i32 to vector<16xi32>
    %mul3A_1379 = arith.muli %gather3A_1368, %mul3A_1378 : vector<16xi32>
    %gather3A_1380 = tpu.vector_load_idx %arg6[%mul3A_1379] : memref<12288xf32, #tpu.memory_space<vmem>>[vector<16xi32>], vector<16xf32>,
    %mul3A_1381 = arith.mulf %div3A_1375, %gather3A_1380 : vector<16xf32>
    %add3A_1382 = arith.addf %add3A_1349, %mul3A_1381 : vector<16xf32>
    %add3A_1383 = arith.constant 1 : i32
    %add3A_1384 = vector.broadcast %add3A_1383 : i32 to vector<16xi32>
    %add3A_1385 = arith.addi %mul3A_1379, %add3A_1384 : vector<16xi32>
    %gather3A_1386 = tpu.vector_load_idx %arg6[%add3A_1385] : memref<12288xf32, #tpu.memory_space<vmem>>[vector<16xi32>], vector<16xf32>,
    %mul3A_1387 = arith.mulf %div3A_1375, %gather3A_1386 : vector<16xf32>
    %add3A_1388 = arith.addf %add3A_1355, %mul3A_1387 : vector<16xf32>
    %add3A_1389 = arith.constant 2 : i32
    %add3A_1390 = vector.broadcast %add3A_1389 : i32 to vector<16xi32>
    %add3A_1391 = arith.addi %mul3A_1379, %add3A_1390 : vector<16xi32>
    %gather3A_1392 = tpu.vector_load_idx %arg6[%add3A_1391] : memref<12288xf32, #tpu.memory_space<vmem>>[vector<16xi32>], vector<16xf32>,
    %mul3A_1393 = arith.mulf %div3A_1375, %gather3A_1392 : vector<16xf32>
    %add3A_1394 = arith.addf %add3A_1361, %mul3A_1393 : vector<16xf32>
    %mul3A_1395 = arith.constant 16 : i32
    %mul3A_1396 = vector.broadcast %mul3A_1395 : i32 to vector<16xi32>
    %mul3A_1397 = arith.muli %add3A_1320, %mul3A_1396 : vector<16xi32>
    %add3A_1398 = arith.constant 2 : i32
    %add3A_1399 = vector.broadcast %add3A_1398 : i32 to vector<16xi32>
    %add3A_1400 = arith.addi %mul3A_1397, %add3A_1399 : vector<16xi32>
    %gather3A_1401 = tpu.vector_load_idx %arg7[%add3A_1400] : memref<2048xi32, #tpu.memory_space<vmem>>[vector<16xi32>], vector<16xi32>,
    %gather3A_1402 = tpu.vector_load_idx %arg8[%add3A_1400] : memref<2048xf32, #tpu.memory_space<vmem>>[vector<16xi32>], vector<16xf32>,
    %add3A_1403 = arith.constant 9.99999993E-9 : f32
    %add3A_1404 = vector.broadcast %add3A_1403 : f32 to vector<16xf32>
    %add3A_1405 = arith.addf %gather3A_1402, %add3A_1404 : vector<16xf32>
    %div3A_1406 = arith.constant 1.000000e+00 : f32
    %div3A_1407 = vector.broadcast %div3A_1406 : f32 to vector<16xf32>
    %div3A_1408 = arith.divf %div3A_1407, %add3A_1405 : vector<16xf32>
    %add3A_1409 = arith.addf %add3A_1376, %div3A_1408 : vector<16xf32>
    %mul3A_1410 = arith.constant 3 : i32
    %mul3A_1411 = vector.broadcast %mul3A_1410 : i32 to vector<16xi32>
    %mul3A_1412 = arith.muli %gather3A_1401, %mul3A_1411 : vector<16xi32>
    %gather3A_1413 = tpu.vector_load_idx %arg6[%mul3A_1412] : memref<12288xf32, #tpu.memory_space<vmem>>[vector<16xi32>], vector<16xf32>,
    %mul3A_1414 = arith.mulf %div3A_1408, %gather3A_1413 : vector<16xf32>
    %add3A_1415 = arith.addf %add3A_1382, %mul3A_1414 : vector<16xf32>
    %add3A_1416 = arith.constant 1 : i32
    %add3A_1417 = vector.broadcast %add3A_1416 : i32 to vector<16xi32>
    %add3A_1418 = arith.addi %mul3A_1412, %add3A_1417 : vector<16xi32>
    %gather3A_1419 = tpu.vector_load_idx %arg6[%add3A_1418] : memref<12288xf32, #tpu.memory_space<vmem>>[vector<16xi32>], vector<16xf32>,
    %mul3A_1420 = arith.mulf %div3A_1408, %gather3A_1419 : vector<16xf32>
    %add3A_1421 = arith.addf %add3A_1388, %mul3A_1420 : vector<16xf32>
    %add3A_1422 = arith.constant 2 : i32
    %add3A_1423 = vector.broadcast %add3A_1422 : i32 to vector<16xi32>
    %add3A_1424 = arith.addi %mul3A_1412, %add3A_1423 : vector<16xi32>
    %gather3A_1425 = tpu.vector_load_idx %arg6[%add3A_1424] : memref<12288xf32, #tpu.memory_space<vmem>>[vector<16xi32>], vector<16xf32>,
    %mul3A_1426 = arith.mulf %div3A_1408, %gather3A_1425 : vector<16xf32>
    %add3A_1427 = arith.addf %add3A_1394, %mul3A_1426 : vector<16xf32>
    %mul3A_1428 = arith.constant 16 : i32
    %mul3A_1429 = vector.broadcast %mul3A_1428 : i32 to vector<16xi32>
    %mul3A_1430 = arith.muli %add3A_1320, %mul3A_1429 : vector<16xi32>
    %add3A_1431 = arith.constant 3 : i32
    %add3A_1432 = vector.broadcast %add3A_1431 : i32 to vector<16xi32>
    %add3A_1433 = arith.addi %mul3A_1430, %add3A_1432 : vector<16xi32>
    %gather3A_1434 = tpu.vector_load_idx %arg7[%add3A_1433] : memref<2048xi32, #tpu.memory_space<vmem>>[vector<16xi32>], vector<16xi32>,
    %gather3A_1435 = tpu.vector_load_idx %arg8[%add3A_1433] : memref<2048xf32, #tpu.memory_space<vmem>>[vector<16xi32>], vector<16xf32>,
    %add3A_1436 = arith.constant 9.99999993E-9 : f32
    %add3A_1437 = vector.broadcast %add3A_1436 : f32 to vector<16xf32>
    %add3A_1438 = arith.addf %gather3A_1435, %add3A_1437 : vector<16xf32>
    %div3A_1439 = arith.constant 1.000000e+00 : f32
    %div3A_1440 = vector.broadcast %div3A_1439 : f32 to vector<16xf32>
    %div3A_1441 = arith.divf %div3A_1440, %add3A_1438 : vector<16xf32>
    %add3A_1442 = arith.addf %add3A_1409, %div3A_1441 : vector<16xf32>
    %mul3A_1443 = arith.constant 3 : i32
    %mul3A_1444 = vector.broadcast %mul3A_1443 : i32 to vector<16xi32>
    %mul3A_1445 = arith.muli %gather3A_1434, %mul3A_1444 : vector<16xi32>
    %gather3A_1446 = tpu.vector_load_idx %arg6[%mul3A_1445] : memref<12288xf32, #tpu.memory_space<vmem>>[vector<16xi32>], vector<16xf32>,
    %mul3A_1447 = arith.mulf %div3A_1441, %gather3A_1446 : vector<16xf32>
    %add3A_1448 = arith.addf %add3A_1415, %mul3A_1447 : vector<16xf32>
    %add3A_1449 = arith.constant 1 : i32
    %add3A_1450 = vector.broadcast %add3A_1449 : i32 to vector<16xi32>
    %add3A_1451 = arith.addi %mul3A_1445, %add3A_1450 : vector<16xi32>
    %gather3A_1452 = tpu.vector_load_idx %arg6[%add3A_1451] : memref<12288xf32, #tpu.memory_space<vmem>>[vector<16xi32>], vector<16xf32>,
    %mul3A_1453 = arith.mulf %div3A_1441, %gather3A_1452 : vector<16xf32>
    %add3A_1454 = arith.addf %add3A_1421, %mul3A_1453 : vector<16xf32>
    %add3A_1455 = arith.constant 2 : i32
    %add3A_1456 = vector.broadcast %add3A_1455 : i32 to vector<16xi32>
    %add3A_1457 = arith.addi %mul3A_1445, %add3A_1456 : vector<16xi32>
    %gather3A_1458 = tpu.vector_load_idx %arg6[%add3A_1457] : memref<12288xf32, #tpu.memory_space<vmem>>[vector<16xi32>], vector<16xf32>,
    %mul3A_1459 = arith.mulf %div3A_1441, %gather3A_1458 : vector<16xf32>
    %add3A_1460 = arith.addf %add3A_1427, %mul3A_1459 : vector<16xf32>
    %mul3A_1461 = arith.constant 16 : i32
    %mul3A_1462 = vector.broadcast %mul3A_1461 : i32 to vector<16xi32>
    %mul3A_1463 = arith.muli %add3A_1320, %mul3A_1462 : vector<16xi32>
    %add3A_1464 = arith.constant 4 : i32
    %add3A_1465 = vector.broadcast %add3A_1464 : i32 to vector<16xi32>
    %add3A_1466 = arith.addi %mul3A_1463, %add3A_1465 : vector<16xi32>
    %gather3A_1467 = tpu.vector_load_idx %arg7[%add3A_1466] : memref<2048xi32, #tpu.memory_space<vmem>>[vector<16xi32>], vector<16xi32>,
    %gather3A_1468 = tpu.vector_load_idx %arg8[%add3A_1466] : memref<2048xf32, #tpu.memory_space<vmem>>[vector<16xi32>], vector<16xf32>,
    %add3A_1469 = arith.constant 9.99999993E-9 : f32
    %add3A_1470 = vector.broadcast %add3A_1469 : f32 to vector<16xf32>
    %add3A_1471 = arith.addf %gather3A_1468, %add3A_1470 : vector<16xf32>
    %div3A_1472 = arith.constant 1.000000e+00 : f32
    %div3A_1473 = vector.broadcast %div3A_1472 : f32 to vector<16xf32>
    %div3A_1474 = arith.divf %div3A_1473, %add3A_1471 : vector<16xf32>
    %add3A_1475 = arith.addf %add3A_1442, %div3A_1474 : vector<16xf32>
    %mul3A_1476 = arith.constant 3 : i32
    %mul3A_1477 = vector.broadcast %mul3A_1476 : i32 to vector<16xi32>
    %mul3A_1478 = arith.muli %gather3A_1467, %mul3A_1477 : vector<16xi32>
    %gather3A_1479 = tpu.vector_load_idx %arg6[%mul3A_1478] : memref<12288xf32, #tpu.memory_space<vmem>>[vector<16xi32>], vector<16xf32>,
    %mul3A_1480 = arith.mulf %div3A_1474, %gather3A_1479 : vector<16xf32>
    %add3A_1481 = arith.addf %add3A_1448, %mul3A_1480 : vector<16xf32>
    %add3A_1482 = arith.constant 1 : i32
    %add3A_1483 = vector.broadcast %add3A_1482 : i32 to vector<16xi32>
    %add3A_1484 = arith.addi %mul3A_1478, %add3A_1483 : vector<16xi32>
    %gather3A_1485 = tpu.vector_load_idx %arg6[%add3A_1484] : memref<12288xf32, #tpu.memory_space<vmem>>[vector<16xi32>], vector<16xf32>,
    %mul3A_1486 = arith.mulf %div3A_1474, %gather3A_1485 : vector<16xf32>
    %add3A_1487 = arith.addf %add3A_1454, %mul3A_1486 : vector<16xf32>
    %add3A_1488 = arith.constant 2 : i32
    %add3A_1489 = vector.broadcast %add3A_1488 : i32 to vector<16xi32>
    %add3A_1490 = arith.addi %mul3A_1478, %add3A_1489 : vector<16xi32>
    %gather3A_1491 = tpu.vector_load_idx %arg6[%add3A_1490] : memref<12288xf32, #tpu.memory_space<vmem>>[vector<16xi32>], vector<16xf32>,
    %mul3A_1492 = arith.mulf %div3A_1474, %gather3A_1491 : vector<16xf32>
    %add3A_1493 = arith.addf %add3A_1460, %mul3A_1492 : vector<16xf32>
    %mul3A_1494 = arith.constant 3 : i32
    %mul3A_1495 = vector.broadcast %mul3A_1494 : i32 to vector<16xi32>
    %mul3A_1496 = arith.muli %add3A_1320, %mul3A_1495 : vector<16xi32>
    %div3A_1497 = arith.divf %add3A_1481, %add3A_1475 : vector<16xf32>
    tpu.vector_store_idx %arg9[%mul3A_1496], %div3A_1497 : memref<384xf32, #tpu.memory_space<vmem>>[vector<16xi32>], vector<16xf32>,
    %add3A_1498 = arith.constant 1 : i32
    %add3A_1499 = vector.broadcast %add3A_1498 : i32 to vector<16xi32>
    %add3A_1500 = arith.addi %mul3A_1496, %add3A_1499 : vector<16xi32>
    %div3A_1501 = arith.divf %add3A_1487, %add3A_1475 : vector<16xf32>
    tpu.vector_store_idx %arg9[%add3A_1500], %div3A_1501 : memref<384xf32, #tpu.memory_space<vmem>>[vector<16xi32>], vector<16xf32>,
    %add3A_1502 = arith.constant 2 : i32
    %add3A_1503 = vector.broadcast %add3A_1502 : i32 to vector<16xi32>
    %add3A_1504 = arith.addi %mul3A_1496, %add3A_1503 : vector<16xi32>
    %div3A_1505 = arith.divf %add3A_1493, %add3A_1475 : vector<16xf32>
    tpu.vector_store_idx %arg9[%add3A_1504], %div3A_1505 : memref<384xf32, #tpu.memory_space<vmem>>[vector<16xi32>], vector<16xf32>,
    %mul3A_1506 = arith.constant 384 : i32
    %mul3A_1507 = arith.muli %add3A, %mul3A_1506 : i32
    "tpu.region"() ({
      %run_scoped3A = tpu.sem_alloc : memref<!tpu.dma_semaphore, #tpu.memory_space<semaphore_mem>>
      %dma_start3A = tpu.memref_slice %arg5[%mul3A_1507] : memref<12288xf32, #tpu.memory_space<hbm>> -> memref<384xf32, #tpu.memory_space<hbm>>
      %dma_start3A_1508 = tpu.memref_slice %arg5[%mul3A_1507] : memref<12288xf32, #tpu.memory_space<hbm>> -> memref<384xf32, #tpu.memory_space<hbm>>
      tpu.enqueue_dma source(%arg9 : memref<384xf32, #tpu.memory_space<vmem>>) target(%dma_start3A_1508 : memref<384xf32, #tpu.memory_space<hbm>>) target_semaphore(%run_scoped3A : memref<!tpu.dma_semaphore, #tpu.memory_space<semaphore_mem>>)
      %dma_wait3A = tpu.memref_slice %arg5[%mul3A_1507] : memref<12288xf32, #tpu.memory_space<hbm>> -> memref<384xf32, #tpu.memory_space<hbm>>
      %dma_wait3A_1509 = tpu.memref_slice %arg5[%mul3A_1507] : memref<12288xf32, #tpu.memory_space<hbm>> -> memref<384xf32, #tpu.memory_space<hbm>>
      tpu.wait_dma2 semaphore(%run_scoped3A : memref<!tpu.dma_semaphore, #tpu.memory_space<semaphore_mem>>) src(%arg9 : memref<384xf32, #tpu.memory_space<vmem>>) dst(%dma_wait3A_1509 : memref<384xf32, #tpu.memory_space<hbm>>)
      tpu.yield
    }) : () -> ()
    return
  }
}

module attributes {stable_mosaic.version = 14 : i64} {
  func.func @_self1_body(%arg0: i32, %arg1: memref<256x3xf32, #tpu.memory_space<vmem>>, %arg2: memref<3x4096xf32, #tpu.memory_space<vmem>>, %arg3: memref<4096x3xf32, #tpu.memory_space<vmem>>, %arg4: memref<256x3xf32, #tpu.memory_space<vmem>>, %arg5: memref<256x3xf32, #tpu.memory_space<vmem>>) attributes {dimension_semantics = [#tpu.dimension_semantics<arbitrary>], iteration_bounds = array<i64: 16>, scalar_prefetch = 0 : i64, scratch_operands = 0 : i64, tpu.core_type = #tpu.core_type<tc>, window_params = [{transform_indices = @transform_0, window_bounds = array<i64: 256, 3>}, {pipeline_mode = #tpu.pipeline_mode<synchronous>, transform_indices = @transform_1, window_bounds = array<i64: 3, 4096>}, {pipeline_mode = #tpu.pipeline_mode<synchronous>, transform_indices = @transform_2, window_bounds = array<i64: 4096, 3>}, {transform_indices = @transform_3, window_bounds = array<i64: 256, 3>}, {transform_indices = @transform_4, window_bounds = array<i64: 256, 3>}]} {
    %get3A = arith.constant 0 : index
    %get3A_0 = arith.constant 0 : index
    %get3A_1 = vector.load %arg1[%get3A, %get3A_0] : memref<256x3xf32, #tpu.memory_space<vmem>>, vector<256x3xf32>
    %get3A_2 = arith.constant 0 : index
    %get3A_3 = arith.constant 0 : index
    %get3A_4 = vector.load %arg2[%get3A_2, %get3A_3] : memref<3x4096xf32, #tpu.memory_space<vmem>>, vector<3x4096xf32>
    %dot_general3A = arith.constant dense<0.000000e+00> : vector<256x4096xf32>
    %dot_general3A_5 = tpu.matmul %get3A_1, %get3A_4, %dot_general3A {dimension_numbers = #tpu.dot_dimension_numbers<[1], [0], [0], [1], [0, 0, 1, 1], [], []>, transpose_lhs_hint = false} : vector<256x3xf32>, vector<3x4096xf32>, vector<256x4096xf32> -> vector<256x4096xf32>
    %mul3A = arith.mulf %get3A_1, %get3A_1 : vector<256x3xf32>
    %reduce_sum3A = arith.constant dense<0.000000e+00> : vector<256xf32>
    %reduce_sum3A_6 = vector.multi_reduction <add>, %mul3A, %reduce_sum3A [1] : vector<256x3xf32> to vector<256xf32>
    %broadcast_in_dim3A = vector.shape_cast %reduce_sum3A_6 : vector<256xf32> to vector<256x1xf32>
    %mul3A_7 = arith.mulf %get3A_4, %get3A_4 : vector<3x4096xf32>
    %reduce_sum3A_8 = arith.constant dense<0.000000e+00> : vector<4096xf32>
    %reduce_sum3A_9 = vector.multi_reduction <add>, %mul3A_7, %reduce_sum3A_8 [0] : vector<3x4096xf32> to vector<4096xf32>
    %broadcast_in_dim3A_10 = vector.shape_cast %reduce_sum3A_9 : vector<4096xf32> to vector<1x4096xf32>
    %mul3A_11 = arith.constant -2.000000e+00 : f32
    %mul3A_12 = vector.broadcast %mul3A_11 : f32 to vector<256x4096xf32>
    %mul3A_13 = arith.mulf %mul3A_12, %dot_general3A_5 : vector<256x4096xf32>
    %add3A = vector.broadcast %broadcast_in_dim3A : vector<256x1xf32> to vector<256x4096xf32>
    %add3A_14 = arith.addf %mul3A_13, %add3A : vector<256x4096xf32>
    %add3A_15 = vector.broadcast %broadcast_in_dim3A_10 : vector<1x4096xf32> to vector<256x4096xf32>
    %add3A_16 = arith.addf %add3A_14, %add3A_15 : vector<256x4096xf32>
    %broadcast_in_dim3A_17 = arith.constant 0x7F800000 : f32
    %broadcast_in_dim3A_18 = vector.broadcast %broadcast_in_dim3A_17 : f32 to vector<256x128xf32>
    %broadcast_in_dim3A_19 = arith.constant 0x7F800000 : f32
    %broadcast_in_dim3A_20 = vector.broadcast %broadcast_in_dim3A_19 : f32 to vector<256x128xf32>
    %broadcast_in_dim3A_21 = arith.constant 0x7F800000 : f32
    %broadcast_in_dim3A_22 = vector.broadcast %broadcast_in_dim3A_21 : f32 to vector<256x128xf32>
    %broadcast_in_dim3A_23 = arith.constant 0x7F800000 : f32
    %broadcast_in_dim3A_24 = vector.broadcast %broadcast_in_dim3A_23 : f32 to vector<256x128xf32>
    %slice3A = vector.extract_strided_slice %add3A_16 {offsets = [0, 0], sizes = [256, 128], strides = [1, 1]} : vector<256x4096xf32> to vector<256x128xf32>
    %min3A = arith.minimumf %broadcast_in_dim3A_18, %slice3A : vector<256x128xf32>
    %max3A = arith.maximumf %broadcast_in_dim3A_18, %slice3A : vector<256x128xf32>
    %min3A_25 = arith.minimumf %broadcast_in_dim3A_20, %max3A : vector<256x128xf32>
    %max3A_26 = arith.maximumf %broadcast_in_dim3A_20, %max3A : vector<256x128xf32>
    %min3A_27 = arith.minimumf %broadcast_in_dim3A_22, %max3A_26 : vector<256x128xf32>
    %max3A_28 = arith.maximumf %broadcast_in_dim3A_22, %max3A_26 : vector<256x128xf32>
    %min3A_29 = arith.minimumf %broadcast_in_dim3A_24, %max3A_28 : vector<256x128xf32>
    %slice3A_30 = vector.extract_strided_slice %add3A_16 {offsets = [0, 128], sizes = [256, 128], strides = [1, 1]} : vector<256x4096xf32> to vector<256x128xf32>
    %min3A_31 = arith.minimumf %min3A, %slice3A_30 : vector<256x128xf32>
    %max3A_32 = arith.maximumf %min3A, %slice3A_30 : vector<256x128xf32>
    %min3A_33 = arith.minimumf %min3A_25, %max3A_32 : vector<256x128xf32>
    %max3A_34 = arith.maximumf %min3A_25, %max3A_32 : vector<256x128xf32>
    %min3A_35 = arith.minimumf %min3A_27, %max3A_34 : vector<256x128xf32>
    %max3A_36 = arith.maximumf %min3A_27, %max3A_34 : vector<256x128xf32>
    %min3A_37 = arith.minimumf %min3A_29, %max3A_36 : vector<256x128xf32>
    %slice3A_38 = vector.extract_strided_slice %add3A_16 {offsets = [0, 256], sizes = [256, 128], strides = [1, 1]} : vector<256x4096xf32> to vector<256x128xf32>
    %min3A_39 = arith.minimumf %min3A_31, %slice3A_38 : vector<256x128xf32>
    %max3A_40 = arith.maximumf %min3A_31, %slice3A_38 : vector<256x128xf32>
    %min3A_41 = arith.minimumf %min3A_33, %max3A_40 : vector<256x128xf32>
    %max3A_42 = arith.maximumf %min3A_33, %max3A_40 : vector<256x128xf32>
    %min3A_43 = arith.minimumf %min3A_35, %max3A_42 : vector<256x128xf32>
    %max3A_44 = arith.maximumf %min3A_35, %max3A_42 : vector<256x128xf32>
    %min3A_45 = arith.minimumf %min3A_37, %max3A_44 : vector<256x128xf32>
    %slice3A_46 = vector.extract_strided_slice %add3A_16 {offsets = [0, 384], sizes = [256, 128], strides = [1, 1]} : vector<256x4096xf32> to vector<256x128xf32>
    %min3A_47 = arith.minimumf %min3A_39, %slice3A_46 : vector<256x128xf32>
    %max3A_48 = arith.maximumf %min3A_39, %slice3A_46 : vector<256x128xf32>
    %min3A_49 = arith.minimumf %min3A_41, %max3A_48 : vector<256x128xf32>
    %max3A_50 = arith.maximumf %min3A_41, %max3A_48 : vector<256x128xf32>
    %min3A_51 = arith.minimumf %min3A_43, %max3A_50 : vector<256x128xf32>
    %max3A_52 = arith.maximumf %min3A_43, %max3A_50 : vector<256x128xf32>
    %min3A_53 = arith.minimumf %min3A_45, %max3A_52 : vector<256x128xf32>
    %slice3A_54 = vector.extract_strided_slice %add3A_16 {offsets = [0, 512], sizes = [256, 128], strides = [1, 1]} : vector<256x4096xf32> to vector<256x128xf32>
    %min3A_55 = arith.minimumf %min3A_47, %slice3A_54 : vector<256x128xf32>
    %max3A_56 = arith.maximumf %min3A_47, %slice3A_54 : vector<256x128xf32>
    %min3A_57 = arith.minimumf %min3A_49, %max3A_56 : vector<256x128xf32>
    %max3A_58 = arith.maximumf %min3A_49, %max3A_56 : vector<256x128xf32>
    %min3A_59 = arith.minimumf %min3A_51, %max3A_58 : vector<256x128xf32>
    %max3A_60 = arith.maximumf %min3A_51, %max3A_58 : vector<256x128xf32>
    %min3A_61 = arith.minimumf %min3A_53, %max3A_60 : vector<256x128xf32>
    %slice3A_62 = vector.extract_strided_slice %add3A_16 {offsets = [0, 640], sizes = [256, 128], strides = [1, 1]} : vector<256x4096xf32> to vector<256x128xf32>
    %min3A_63 = arith.minimumf %min3A_55, %slice3A_62 : vector<256x128xf32>
    %max3A_64 = arith.maximumf %min3A_55, %slice3A_62 : vector<256x128xf32>
    %min3A_65 = arith.minimumf %min3A_57, %max3A_64 : vector<256x128xf32>
    %max3A_66 = arith.maximumf %min3A_57, %max3A_64 : vector<256x128xf32>
    %min3A_67 = arith.minimumf %min3A_59, %max3A_66 : vector<256x128xf32>
    %max3A_68 = arith.maximumf %min3A_59, %max3A_66 : vector<256x128xf32>
    %min3A_69 = arith.minimumf %min3A_61, %max3A_68 : vector<256x128xf32>
    %slice3A_70 = vector.extract_strided_slice %add3A_16 {offsets = [0, 768], sizes = [256, 128], strides = [1, 1]} : vector<256x4096xf32> to vector<256x128xf32>
    %min3A_71 = arith.minimumf %min3A_63, %slice3A_70 : vector<256x128xf32>
    %max3A_72 = arith.maximumf %min3A_63, %slice3A_70 : vector<256x128xf32>
    %min3A_73 = arith.minimumf %min3A_65, %max3A_72 : vector<256x128xf32>
    %max3A_74 = arith.maximumf %min3A_65, %max3A_72 : vector<256x128xf32>
    %min3A_75 = arith.minimumf %min3A_67, %max3A_74 : vector<256x128xf32>
    %max3A_76 = arith.maximumf %min3A_67, %max3A_74 : vector<256x128xf32>
    %min3A_77 = arith.minimumf %min3A_69, %max3A_76 : vector<256x128xf32>
    %slice3A_78 = vector.extract_strided_slice %add3A_16 {offsets = [0, 896], sizes = [256, 128], strides = [1, 1]} : vector<256x4096xf32> to vector<256x128xf32>
    %min3A_79 = arith.minimumf %min3A_71, %slice3A_78 : vector<256x128xf32>
    %max3A_80 = arith.maximumf %min3A_71, %slice3A_78 : vector<256x128xf32>
    %min3A_81 = arith.minimumf %min3A_73, %max3A_80 : vector<256x128xf32>
    %max3A_82 = arith.maximumf %min3A_73, %max3A_80 : vector<256x128xf32>
    %min3A_83 = arith.minimumf %min3A_75, %max3A_82 : vector<256x128xf32>
    %max3A_84 = arith.maximumf %min3A_75, %max3A_82 : vector<256x128xf32>
    %min3A_85 = arith.minimumf %min3A_77, %max3A_84 : vector<256x128xf32>
    %slice3A_86 = vector.extract_strided_slice %add3A_16 {offsets = [0, 1024], sizes = [256, 128], strides = [1, 1]} : vector<256x4096xf32> to vector<256x128xf32>
    %min3A_87 = arith.minimumf %min3A_79, %slice3A_86 : vector<256x128xf32>
    %max3A_88 = arith.maximumf %min3A_79, %slice3A_86 : vector<256x128xf32>
    %min3A_89 = arith.minimumf %min3A_81, %max3A_88 : vector<256x128xf32>
    %max3A_90 = arith.maximumf %min3A_81, %max3A_88 : vector<256x128xf32>
    %min3A_91 = arith.minimumf %min3A_83, %max3A_90 : vector<256x128xf32>
    %max3A_92 = arith.maximumf %min3A_83, %max3A_90 : vector<256x128xf32>
    %min3A_93 = arith.minimumf %min3A_85, %max3A_92 : vector<256x128xf32>
    %slice3A_94 = vector.extract_strided_slice %add3A_16 {offsets = [0, 1152], sizes = [256, 128], strides = [1, 1]} : vector<256x4096xf32> to vector<256x128xf32>
    %min3A_95 = arith.minimumf %min3A_87, %slice3A_94 : vector<256x128xf32>
    %max3A_96 = arith.maximumf %min3A_87, %slice3A_94 : vector<256x128xf32>
    %min3A_97 = arith.minimumf %min3A_89, %max3A_96 : vector<256x128xf32>
    %max3A_98 = arith.maximumf %min3A_89, %max3A_96 : vector<256x128xf32>
    %min3A_99 = arith.minimumf %min3A_91, %max3A_98 : vector<256x128xf32>
    %max3A_100 = arith.maximumf %min3A_91, %max3A_98 : vector<256x128xf32>
    %min3A_101 = arith.minimumf %min3A_93, %max3A_100 : vector<256x128xf32>
    %slice3A_102 = vector.extract_strided_slice %add3A_16 {offsets = [0, 1280], sizes = [256, 128], strides = [1, 1]} : vector<256x4096xf32> to vector<256x128xf32>
    %min3A_103 = arith.minimumf %min3A_95, %slice3A_102 : vector<256x128xf32>
    %max3A_104 = arith.maximumf %min3A_95, %slice3A_102 : vector<256x128xf32>
    %min3A_105 = arith.minimumf %min3A_97, %max3A_104 : vector<256x128xf32>
    %max3A_106 = arith.maximumf %min3A_97, %max3A_104 : vector<256x128xf32>
    %min3A_107 = arith.minimumf %min3A_99, %max3A_106 : vector<256x128xf32>
    %max3A_108 = arith.maximumf %min3A_99, %max3A_106 : vector<256x128xf32>
    %min3A_109 = arith.minimumf %min3A_101, %max3A_108 : vector<256x128xf32>
    %slice3A_110 = vector.extract_strided_slice %add3A_16 {offsets = [0, 1408], sizes = [256, 128], strides = [1, 1]} : vector<256x4096xf32> to vector<256x128xf32>
    %min3A_111 = arith.minimumf %min3A_103, %slice3A_110 : vector<256x128xf32>
    %max3A_112 = arith.maximumf %min3A_103, %slice3A_110 : vector<256x128xf32>
    %min3A_113 = arith.minimumf %min3A_105, %max3A_112 : vector<256x128xf32>
    %max3A_114 = arith.maximumf %min3A_105, %max3A_112 : vector<256x128xf32>
    %min3A_115 = arith.minimumf %min3A_107, %max3A_114 : vector<256x128xf32>
    %max3A_116 = arith.maximumf %min3A_107, %max3A_114 : vector<256x128xf32>
    %min3A_117 = arith.minimumf %min3A_109, %max3A_116 : vector<256x128xf32>
    %slice3A_118 = vector.extract_strided_slice %add3A_16 {offsets = [0, 1536], sizes = [256, 128], strides = [1, 1]} : vector<256x4096xf32> to vector<256x128xf32>
    %min3A_119 = arith.minimumf %min3A_111, %slice3A_118 : vector<256x128xf32>
    %max3A_120 = arith.maximumf %min3A_111, %slice3A_118 : vector<256x128xf32>
    %min3A_121 = arith.minimumf %min3A_113, %max3A_120 : vector<256x128xf32>
    %max3A_122 = arith.maximumf %min3A_113, %max3A_120 : vector<256x128xf32>
    %min3A_123 = arith.minimumf %min3A_115, %max3A_122 : vector<256x128xf32>
    %max3A_124 = arith.maximumf %min3A_115, %max3A_122 : vector<256x128xf32>
    %min3A_125 = arith.minimumf %min3A_117, %max3A_124 : vector<256x128xf32>
    %slice3A_126 = vector.extract_strided_slice %add3A_16 {offsets = [0, 1664], sizes = [256, 128], strides = [1, 1]} : vector<256x4096xf32> to vector<256x128xf32>
    %min3A_127 = arith.minimumf %min3A_119, %slice3A_126 : vector<256x128xf32>
    %max3A_128 = arith.maximumf %min3A_119, %slice3A_126 : vector<256x128xf32>
    %min3A_129 = arith.minimumf %min3A_121, %max3A_128 : vector<256x128xf32>
    %max3A_130 = arith.maximumf %min3A_121, %max3A_128 : vector<256x128xf32>
    %min3A_131 = arith.minimumf %min3A_123, %max3A_130 : vector<256x128xf32>
    %max3A_132 = arith.maximumf %min3A_123, %max3A_130 : vector<256x128xf32>
    %min3A_133 = arith.minimumf %min3A_125, %max3A_132 : vector<256x128xf32>
    %slice3A_134 = vector.extract_strided_slice %add3A_16 {offsets = [0, 1792], sizes = [256, 128], strides = [1, 1]} : vector<256x4096xf32> to vector<256x128xf32>
    %min3A_135 = arith.minimumf %min3A_127, %slice3A_134 : vector<256x128xf32>
    %max3A_136 = arith.maximumf %min3A_127, %slice3A_134 : vector<256x128xf32>
    %min3A_137 = arith.minimumf %min3A_129, %max3A_136 : vector<256x128xf32>
    %max3A_138 = arith.maximumf %min3A_129, %max3A_136 : vector<256x128xf32>
    %min3A_139 = arith.minimumf %min3A_131, %max3A_138 : vector<256x128xf32>
    %max3A_140 = arith.maximumf %min3A_131, %max3A_138 : vector<256x128xf32>
    %min3A_141 = arith.minimumf %min3A_133, %max3A_140 : vector<256x128xf32>
    %slice3A_142 = vector.extract_strided_slice %add3A_16 {offsets = [0, 1920], sizes = [256, 128], strides = [1, 1]} : vector<256x4096xf32> to vector<256x128xf32>
    %min3A_143 = arith.minimumf %min3A_135, %slice3A_142 : vector<256x128xf32>
    %max3A_144 = arith.maximumf %min3A_135, %slice3A_142 : vector<256x128xf32>
    %min3A_145 = arith.minimumf %min3A_137, %max3A_144 : vector<256x128xf32>
    %max3A_146 = arith.maximumf %min3A_137, %max3A_144 : vector<256x128xf32>
    %min3A_147 = arith.minimumf %min3A_139, %max3A_146 : vector<256x128xf32>
    %max3A_148 = arith.maximumf %min3A_139, %max3A_146 : vector<256x128xf32>
    %min3A_149 = arith.minimumf %min3A_141, %max3A_148 : vector<256x128xf32>
    %slice3A_150 = vector.extract_strided_slice %add3A_16 {offsets = [0, 2048], sizes = [256, 128], strides = [1, 1]} : vector<256x4096xf32> to vector<256x128xf32>
    %min3A_151 = arith.minimumf %min3A_143, %slice3A_150 : vector<256x128xf32>
    %max3A_152 = arith.maximumf %min3A_143, %slice3A_150 : vector<256x128xf32>
    %min3A_153 = arith.minimumf %min3A_145, %max3A_152 : vector<256x128xf32>
    %max3A_154 = arith.maximumf %min3A_145, %max3A_152 : vector<256x128xf32>
    %min3A_155 = arith.minimumf %min3A_147, %max3A_154 : vector<256x128xf32>
    %max3A_156 = arith.maximumf %min3A_147, %max3A_154 : vector<256x128xf32>
    %min3A_157 = arith.minimumf %min3A_149, %max3A_156 : vector<256x128xf32>
    %slice3A_158 = vector.extract_strided_slice %add3A_16 {offsets = [0, 2176], sizes = [256, 128], strides = [1, 1]} : vector<256x4096xf32> to vector<256x128xf32>
    %min3A_159 = arith.minimumf %min3A_151, %slice3A_158 : vector<256x128xf32>
    %max3A_160 = arith.maximumf %min3A_151, %slice3A_158 : vector<256x128xf32>
    %min3A_161 = arith.minimumf %min3A_153, %max3A_160 : vector<256x128xf32>
    %max3A_162 = arith.maximumf %min3A_153, %max3A_160 : vector<256x128xf32>
    %min3A_163 = arith.minimumf %min3A_155, %max3A_162 : vector<256x128xf32>
    %max3A_164 = arith.maximumf %min3A_155, %max3A_162 : vector<256x128xf32>
    %min3A_165 = arith.minimumf %min3A_157, %max3A_164 : vector<256x128xf32>
    %slice3A_166 = vector.extract_strided_slice %add3A_16 {offsets = [0, 2304], sizes = [256, 128], strides = [1, 1]} : vector<256x4096xf32> to vector<256x128xf32>
    %min3A_167 = arith.minimumf %min3A_159, %slice3A_166 : vector<256x128xf32>
    %max3A_168 = arith.maximumf %min3A_159, %slice3A_166 : vector<256x128xf32>
    %min3A_169 = arith.minimumf %min3A_161, %max3A_168 : vector<256x128xf32>
    %max3A_170 = arith.maximumf %min3A_161, %max3A_168 : vector<256x128xf32>
    %min3A_171 = arith.minimumf %min3A_163, %max3A_170 : vector<256x128xf32>
    %max3A_172 = arith.maximumf %min3A_163, %max3A_170 : vector<256x128xf32>
    %min3A_173 = arith.minimumf %min3A_165, %max3A_172 : vector<256x128xf32>
    %slice3A_174 = vector.extract_strided_slice %add3A_16 {offsets = [0, 2432], sizes = [256, 128], strides = [1, 1]} : vector<256x4096xf32> to vector<256x128xf32>
    %min3A_175 = arith.minimumf %min3A_167, %slice3A_174 : vector<256x128xf32>
    %max3A_176 = arith.maximumf %min3A_167, %slice3A_174 : vector<256x128xf32>
    %min3A_177 = arith.minimumf %min3A_169, %max3A_176 : vector<256x128xf32>
    %max3A_178 = arith.maximumf %min3A_169, %max3A_176 : vector<256x128xf32>
    %min3A_179 = arith.minimumf %min3A_171, %max3A_178 : vector<256x128xf32>
    %max3A_180 = arith.maximumf %min3A_171, %max3A_178 : vector<256x128xf32>
    %min3A_181 = arith.minimumf %min3A_173, %max3A_180 : vector<256x128xf32>
    %slice3A_182 = vector.extract_strided_slice %add3A_16 {offsets = [0, 2560], sizes = [256, 128], strides = [1, 1]} : vector<256x4096xf32> to vector<256x128xf32>
    %min3A_183 = arith.minimumf %min3A_175, %slice3A_182 : vector<256x128xf32>
    %max3A_184 = arith.maximumf %min3A_175, %slice3A_182 : vector<256x128xf32>
    %min3A_185 = arith.minimumf %min3A_177, %max3A_184 : vector<256x128xf32>
    %max3A_186 = arith.maximumf %min3A_177, %max3A_184 : vector<256x128xf32>
    %min3A_187 = arith.minimumf %min3A_179, %max3A_186 : vector<256x128xf32>
    %max3A_188 = arith.maximumf %min3A_179, %max3A_186 : vector<256x128xf32>
    %min3A_189 = arith.minimumf %min3A_181, %max3A_188 : vector<256x128xf32>
    %slice3A_190 = vector.extract_strided_slice %add3A_16 {offsets = [0, 2688], sizes = [256, 128], strides = [1, 1]} : vector<256x4096xf32> to vector<256x128xf32>
    %min3A_191 = arith.minimumf %min3A_183, %slice3A_190 : vector<256x128xf32>
    %max3A_192 = arith.maximumf %min3A_183, %slice3A_190 : vector<256x128xf32>
    %min3A_193 = arith.minimumf %min3A_185, %max3A_192 : vector<256x128xf32>
    %max3A_194 = arith.maximumf %min3A_185, %max3A_192 : vector<256x128xf32>
    %min3A_195 = arith.minimumf %min3A_187, %max3A_194 : vector<256x128xf32>
    %max3A_196 = arith.maximumf %min3A_187, %max3A_194 : vector<256x128xf32>
    %min3A_197 = arith.minimumf %min3A_189, %max3A_196 : vector<256x128xf32>
    %slice3A_198 = vector.extract_strided_slice %add3A_16 {offsets = [0, 2816], sizes = [256, 128], strides = [1, 1]} : vector<256x4096xf32> to vector<256x128xf32>
    %min3A_199 = arith.minimumf %min3A_191, %slice3A_198 : vector<256x128xf32>
    %max3A_200 = arith.maximumf %min3A_191, %slice3A_198 : vector<256x128xf32>
    %min3A_201 = arith.minimumf %min3A_193, %max3A_200 : vector<256x128xf32>
    %max3A_202 = arith.maximumf %min3A_193, %max3A_200 : vector<256x128xf32>
    %min3A_203 = arith.minimumf %min3A_195, %max3A_202 : vector<256x128xf32>
    %max3A_204 = arith.maximumf %min3A_195, %max3A_202 : vector<256x128xf32>
    %min3A_205 = arith.minimumf %min3A_197, %max3A_204 : vector<256x128xf32>
    %slice3A_206 = vector.extract_strided_slice %add3A_16 {offsets = [0, 2944], sizes = [256, 128], strides = [1, 1]} : vector<256x4096xf32> to vector<256x128xf32>
    %min3A_207 = arith.minimumf %min3A_199, %slice3A_206 : vector<256x128xf32>
    %max3A_208 = arith.maximumf %min3A_199, %slice3A_206 : vector<256x128xf32>
    %min3A_209 = arith.minimumf %min3A_201, %max3A_208 : vector<256x128xf32>
    %max3A_210 = arith.maximumf %min3A_201, %max3A_208 : vector<256x128xf32>
    %min3A_211 = arith.minimumf %min3A_203, %max3A_210 : vector<256x128xf32>
    %max3A_212 = arith.maximumf %min3A_203, %max3A_210 : vector<256x128xf32>
    %min3A_213 = arith.minimumf %min3A_205, %max3A_212 : vector<256x128xf32>
    %slice3A_214 = vector.extract_strided_slice %add3A_16 {offsets = [0, 3072], sizes = [256, 128], strides = [1, 1]} : vector<256x4096xf32> to vector<256x128xf32>
    %min3A_215 = arith.minimumf %min3A_207, %slice3A_214 : vector<256x128xf32>
    %max3A_216 = arith.maximumf %min3A_207, %slice3A_214 : vector<256x128xf32>
    %min3A_217 = arith.minimumf %min3A_209, %max3A_216 : vector<256x128xf32>
    %max3A_218 = arith.maximumf %min3A_209, %max3A_216 : vector<256x128xf32>
    %min3A_219 = arith.minimumf %min3A_211, %max3A_218 : vector<256x128xf32>
    %max3A_220 = arith.maximumf %min3A_211, %max3A_218 : vector<256x128xf32>
    %min3A_221 = arith.minimumf %min3A_213, %max3A_220 : vector<256x128xf32>
    %slice3A_222 = vector.extract_strided_slice %add3A_16 {offsets = [0, 3200], sizes = [256, 128], strides = [1, 1]} : vector<256x4096xf32> to vector<256x128xf32>
    %min3A_223 = arith.minimumf %min3A_215, %slice3A_222 : vector<256x128xf32>
    %max3A_224 = arith.maximumf %min3A_215, %slice3A_222 : vector<256x128xf32>
    %min3A_225 = arith.minimumf %min3A_217, %max3A_224 : vector<256x128xf32>
    %max3A_226 = arith.maximumf %min3A_217, %max3A_224 : vector<256x128xf32>
    %min3A_227 = arith.minimumf %min3A_219, %max3A_226 : vector<256x128xf32>
    %max3A_228 = arith.maximumf %min3A_219, %max3A_226 : vector<256x128xf32>
    %min3A_229 = arith.minimumf %min3A_221, %max3A_228 : vector<256x128xf32>
    %slice3A_230 = vector.extract_strided_slice %add3A_16 {offsets = [0, 3328], sizes = [256, 128], strides = [1, 1]} : vector<256x4096xf32> to vector<256x128xf32>
    %min3A_231 = arith.minimumf %min3A_223, %slice3A_230 : vector<256x128xf32>
    %max3A_232 = arith.maximumf %min3A_223, %slice3A_230 : vector<256x128xf32>
    %min3A_233 = arith.minimumf %min3A_225, %max3A_232 : vector<256x128xf32>
    %max3A_234 = arith.maximumf %min3A_225, %max3A_232 : vector<256x128xf32>
    %min3A_235 = arith.minimumf %min3A_227, %max3A_234 : vector<256x128xf32>
    %max3A_236 = arith.maximumf %min3A_227, %max3A_234 : vector<256x128xf32>
    %min3A_237 = arith.minimumf %min3A_229, %max3A_236 : vector<256x128xf32>
    %slice3A_238 = vector.extract_strided_slice %add3A_16 {offsets = [0, 3456], sizes = [256, 128], strides = [1, 1]} : vector<256x4096xf32> to vector<256x128xf32>
    %min3A_239 = arith.minimumf %min3A_231, %slice3A_238 : vector<256x128xf32>
    %max3A_240 = arith.maximumf %min3A_231, %slice3A_238 : vector<256x128xf32>
    %min3A_241 = arith.minimumf %min3A_233, %max3A_240 : vector<256x128xf32>
    %max3A_242 = arith.maximumf %min3A_233, %max3A_240 : vector<256x128xf32>
    %min3A_243 = arith.minimumf %min3A_235, %max3A_242 : vector<256x128xf32>
    %max3A_244 = arith.maximumf %min3A_235, %max3A_242 : vector<256x128xf32>
    %min3A_245 = arith.minimumf %min3A_237, %max3A_244 : vector<256x128xf32>
    %slice3A_246 = vector.extract_strided_slice %add3A_16 {offsets = [0, 3584], sizes = [256, 128], strides = [1, 1]} : vector<256x4096xf32> to vector<256x128xf32>
    %min3A_247 = arith.minimumf %min3A_239, %slice3A_246 : vector<256x128xf32>
    %max3A_248 = arith.maximumf %min3A_239, %slice3A_246 : vector<256x128xf32>
    %min3A_249 = arith.minimumf %min3A_241, %max3A_248 : vector<256x128xf32>
    %max3A_250 = arith.maximumf %min3A_241, %max3A_248 : vector<256x128xf32>
    %min3A_251 = arith.minimumf %min3A_243, %max3A_250 : vector<256x128xf32>
    %max3A_252 = arith.maximumf %min3A_243, %max3A_250 : vector<256x128xf32>
    %min3A_253 = arith.minimumf %min3A_245, %max3A_252 : vector<256x128xf32>
    %slice3A_254 = vector.extract_strided_slice %add3A_16 {offsets = [0, 3712], sizes = [256, 128], strides = [1, 1]} : vector<256x4096xf32> to vector<256x128xf32>
    %min3A_255 = arith.minimumf %min3A_247, %slice3A_254 : vector<256x128xf32>
    %max3A_256 = arith.maximumf %min3A_247, %slice3A_254 : vector<256x128xf32>
    %min3A_257 = arith.minimumf %min3A_249, %max3A_256 : vector<256x128xf32>
    %max3A_258 = arith.maximumf %min3A_249, %max3A_256 : vector<256x128xf32>
    %min3A_259 = arith.minimumf %min3A_251, %max3A_258 : vector<256x128xf32>
    %max3A_260 = arith.maximumf %min3A_251, %max3A_258 : vector<256x128xf32>
    %min3A_261 = arith.minimumf %min3A_253, %max3A_260 : vector<256x128xf32>
    %slice3A_262 = vector.extract_strided_slice %add3A_16 {offsets = [0, 3840], sizes = [256, 128], strides = [1, 1]} : vector<256x4096xf32> to vector<256x128xf32>
    %min3A_263 = arith.minimumf %min3A_255, %slice3A_262 : vector<256x128xf32>
    %max3A_264 = arith.maximumf %min3A_255, %slice3A_262 : vector<256x128xf32>
    %min3A_265 = arith.minimumf %min3A_257, %max3A_264 : vector<256x128xf32>
    %max3A_266 = arith.maximumf %min3A_257, %max3A_264 : vector<256x128xf32>
    %min3A_267 = arith.minimumf %min3A_259, %max3A_266 : vector<256x128xf32>
    %max3A_268 = arith.maximumf %min3A_259, %max3A_266 : vector<256x128xf32>
    %min3A_269 = arith.minimumf %min3A_261, %max3A_268 : vector<256x128xf32>
    %slice3A_270 = vector.extract_strided_slice %add3A_16 {offsets = [0, 3968], sizes = [256, 128], strides = [1, 1]} : vector<256x4096xf32> to vector<256x128xf32>
    %min3A_271 = arith.minimumf %min3A_263, %slice3A_270 : vector<256x128xf32>
    %max3A_272 = arith.maximumf %min3A_263, %slice3A_270 : vector<256x128xf32>
    %min3A_273 = arith.minimumf %min3A_265, %max3A_272 : vector<256x128xf32>
    %max3A_274 = arith.maximumf %min3A_265, %max3A_272 : vector<256x128xf32>
    %min3A_275 = arith.minimumf %min3A_267, %max3A_274 : vector<256x128xf32>
    %max3A_276 = arith.maximumf %min3A_267, %max3A_274 : vector<256x128xf32>
    %min3A_277 = arith.minimumf %min3A_269, %max3A_276 : vector<256x128xf32>
    %reduce_min3A = arith.constant dense<0x7F800000> : vector<256xf32>
    %reduce_min3A_278 = vector.multi_reduction <minimumf>, %min3A_271, %reduce_min3A [1] : vector<256x128xf32> to vector<256xf32>
    %broadcast_in_dim3A_279 = vector.shape_cast %reduce_min3A_278 : vector<256xf32> to vector<256x1xf32>
    %eq3A = vector.broadcast %broadcast_in_dim3A_279 : vector<256x1xf32> to vector<256x128xf32>
    %eq3A_280 = arith.cmpf oeq, %min3A_271, %eq3A : vector<256x128xf32>
    %select_n3A = arith.select %eq3A_280, %min3A_273, %min3A_271 : vector<256x128xi1>, vector<256x128xf32>
    %select_n3A_281 = arith.select %eq3A_280, %min3A_275, %min3A_273 : vector<256x128xi1>, vector<256x128xf32>
    %select_n3A_282 = arith.select %eq3A_280, %min3A_277, %min3A_275 : vector<256x128xi1>, vector<256x128xf32>
    %jit3A = arith.constant 0x7F800000 : f32
    %broadcast_in_dim3A_283 = vector.broadcast %jit3A : f32 to vector<256x128xf32>
    %select_n3A_284 = arith.select %eq3A_280, %broadcast_in_dim3A_283, %min3A_277 : vector<256x128xi1>, vector<256x128xf32>
    %reduce_min3A_285 = arith.constant dense<0x7F800000> : vector<256xf32>
    %reduce_min3A_286 = vector.multi_reduction <minimumf>, %select_n3A, %reduce_min3A_285 [1] : vector<256x128xf32> to vector<256xf32>
    %broadcast_in_dim3A_287 = vector.shape_cast %reduce_min3A_286 : vector<256xf32> to vector<256x1xf32>
    %eq3A_288 = vector.broadcast %broadcast_in_dim3A_287 : vector<256x1xf32> to vector<256x128xf32>
    %eq3A_289 = arith.cmpf oeq, %select_n3A, %eq3A_288 : vector<256x128xf32>
    %select_n3A_290 = arith.select %eq3A_289, %select_n3A_281, %select_n3A : vector<256x128xi1>, vector<256x128xf32>
    %select_n3A_291 = arith.select %eq3A_289, %select_n3A_282, %select_n3A_281 : vector<256x128xi1>, vector<256x128xf32>
    %select_n3A_292 = arith.select %eq3A_289, %select_n3A_284, %select_n3A_282 : vector<256x128xi1>, vector<256x128xf32>
    %jit3A_293 = arith.constant 0x7F800000 : f32
    %broadcast_in_dim3A_294 = vector.broadcast %jit3A_293 : f32 to vector<256x128xf32>
    %select_n3A_295 = arith.select %eq3A_289, %broadcast_in_dim3A_294, %select_n3A_284 : vector<256x128xi1>, vector<256x128xf32>
    %reduce_min3A_296 = arith.constant dense<0x7F800000> : vector<256xf32>
    %reduce_min3A_297 = vector.multi_reduction <minimumf>, %select_n3A_290, %reduce_min3A_296 [1] : vector<256x128xf32> to vector<256xf32>
    %broadcast_in_dim3A_298 = vector.shape_cast %reduce_min3A_297 : vector<256xf32> to vector<256x1xf32>
    %eq3A_299 = vector.broadcast %broadcast_in_dim3A_298 : vector<256x1xf32> to vector<256x128xf32>
    %eq3A_300 = arith.cmpf oeq, %select_n3A_290, %eq3A_299 : vector<256x128xf32>
    %select_n3A_301 = arith.select %eq3A_300, %select_n3A_291, %select_n3A_290 : vector<256x128xi1>, vector<256x128xf32>
    %select_n3A_302 = arith.select %eq3A_300, %select_n3A_292, %select_n3A_291 : vector<256x128xi1>, vector<256x128xf32>
    %select_n3A_303 = arith.select %eq3A_300, %select_n3A_295, %select_n3A_292 : vector<256x128xi1>, vector<256x128xf32>
    %jit3A_304 = arith.constant 0x7F800000 : f32
    %broadcast_in_dim3A_305 = vector.broadcast %jit3A_304 : f32 to vector<256x128xf32>
    %select_n3A_306 = arith.select %eq3A_300, %broadcast_in_dim3A_305, %select_n3A_295 : vector<256x128xi1>, vector<256x128xf32>
    %reduce_min3A_307 = arith.constant dense<0x7F800000> : vector<256xf32>
    %reduce_min3A_308 = vector.multi_reduction <minimumf>, %select_n3A_301, %reduce_min3A_307 [1] : vector<256x128xf32> to vector<256xf32>
    %broadcast_in_dim3A_309 = vector.shape_cast %reduce_min3A_308 : vector<256xf32> to vector<256x1xf32>
    %eq3A_310 = vector.broadcast %broadcast_in_dim3A_309 : vector<256x1xf32> to vector<256x128xf32>
    %eq3A_311 = arith.cmpf oeq, %select_n3A_301, %eq3A_310 : vector<256x128xf32>
    %select_n3A_312 = arith.select %eq3A_311, %select_n3A_302, %select_n3A_301 : vector<256x128xi1>, vector<256x128xf32>
    %select_n3A_313 = arith.select %eq3A_311, %select_n3A_303, %select_n3A_302 : vector<256x128xi1>, vector<256x128xf32>
    %select_n3A_314 = arith.select %eq3A_311, %select_n3A_306, %select_n3A_303 : vector<256x128xi1>, vector<256x128xf32>
    %jit3A_315 = arith.constant 0x7F800000 : f32
    %broadcast_in_dim3A_316 = vector.broadcast %jit3A_315 : f32 to vector<256x128xf32>
    %select_n3A_317 = arith.select %eq3A_311, %broadcast_in_dim3A_316, %select_n3A_306 : vector<256x128xi1>, vector<256x128xf32>
    %reduce_min3A_318 = arith.constant dense<0x7F800000> : vector<256xf32>
    %reduce_min3A_319 = vector.multi_reduction <minimumf>, %select_n3A_312, %reduce_min3A_318 [1] : vector<256x128xf32> to vector<256xf32>
    %broadcast_in_dim3A_320 = vector.shape_cast %reduce_min3A_319 : vector<256xf32> to vector<256x1xf32>
    %eq3A_321 = vector.broadcast %broadcast_in_dim3A_320 : vector<256x1xf32> to vector<256x128xf32>
    %eq3A_322 = arith.cmpf oeq, %select_n3A_312, %eq3A_321 : vector<256x128xf32>
    %select_n3A_323 = arith.select %eq3A_322, %select_n3A_313, %select_n3A_312 : vector<256x128xi1>, vector<256x128xf32>
    %select_n3A_324 = arith.select %eq3A_322, %select_n3A_314, %select_n3A_313 : vector<256x128xi1>, vector<256x128xf32>
    %select_n3A_325 = arith.select %eq3A_322, %select_n3A_317, %select_n3A_314 : vector<256x128xi1>, vector<256x128xf32>
    %jit3A_326 = arith.constant 0x7F800000 : f32
    %broadcast_in_dim3A_327 = vector.broadcast %jit3A_326 : f32 to vector<256x128xf32>
    %select_n3A_328 = arith.select %eq3A_322, %broadcast_in_dim3A_327, %select_n3A_317 : vector<256x128xi1>, vector<256x128xf32>
    %reduce_min3A_329 = arith.constant dense<0x7F800000> : vector<256xf32>
    %reduce_min3A_330 = vector.multi_reduction <minimumf>, %select_n3A_323, %reduce_min3A_329 [1] : vector<256x128xf32> to vector<256xf32>
    %broadcast_in_dim3A_331 = vector.shape_cast %reduce_min3A_330 : vector<256xf32> to vector<256x1xf32>
    %eq3A_332 = vector.broadcast %broadcast_in_dim3A_331 : vector<256x1xf32> to vector<256x128xf32>
    %eq3A_333 = arith.cmpf oeq, %select_n3A_323, %eq3A_332 : vector<256x128xf32>
    %select_n3A_334 = arith.select %eq3A_333, %select_n3A_324, %select_n3A_323 : vector<256x128xi1>, vector<256x128xf32>
    %select_n3A_335 = arith.select %eq3A_333, %select_n3A_325, %select_n3A_324 : vector<256x128xi1>, vector<256x128xf32>
    %select_n3A_336 = arith.select %eq3A_333, %select_n3A_328, %select_n3A_325 : vector<256x128xi1>, vector<256x128xf32>
    %jit3A_337 = arith.constant 0x7F800000 : f32
    %broadcast_in_dim3A_338 = vector.broadcast %jit3A_337 : f32 to vector<256x128xf32>
    %select_n3A_339 = arith.select %eq3A_333, %broadcast_in_dim3A_338, %select_n3A_328 : vector<256x128xi1>, vector<256x128xf32>
    %reduce_min3A_340 = arith.constant dense<0x7F800000> : vector<256xf32>
    %reduce_min3A_341 = vector.multi_reduction <minimumf>, %select_n3A_334, %reduce_min3A_340 [1] : vector<256x128xf32> to vector<256xf32>
    %broadcast_in_dim3A_342 = vector.shape_cast %reduce_min3A_341 : vector<256xf32> to vector<256x1xf32>
    %eq3A_343 = vector.broadcast %broadcast_in_dim3A_342 : vector<256x1xf32> to vector<256x128xf32>
    %eq3A_344 = arith.cmpf oeq, %select_n3A_334, %eq3A_343 : vector<256x128xf32>
    %select_n3A_345 = arith.select %eq3A_344, %select_n3A_335, %select_n3A_334 : vector<256x128xi1>, vector<256x128xf32>
    %select_n3A_346 = arith.select %eq3A_344, %select_n3A_336, %select_n3A_335 : vector<256x128xi1>, vector<256x128xf32>
    %select_n3A_347 = arith.select %eq3A_344, %select_n3A_339, %select_n3A_336 : vector<256x128xi1>, vector<256x128xf32>
    %reduce_min3A_348 = arith.constant dense<0x7F800000> : vector<256xf32>
    %reduce_min3A_349 = vector.multi_reduction <minimumf>, %select_n3A_345, %reduce_min3A_348 [1] : vector<256x128xf32> to vector<256xf32>
    %broadcast_in_dim3A_350 = vector.shape_cast %reduce_min3A_349 : vector<256xf32> to vector<256x1xf32>
    %eq3A_351 = vector.broadcast %broadcast_in_dim3A_350 : vector<256x1xf32> to vector<256x128xf32>
    %eq3A_352 = arith.cmpf oeq, %select_n3A_345, %eq3A_351 : vector<256x128xf32>
    %select_n3A_353 = arith.select %eq3A_352, %select_n3A_346, %select_n3A_345 : vector<256x128xi1>, vector<256x128xf32>
    %select_n3A_354 = arith.select %eq3A_352, %select_n3A_347, %select_n3A_346 : vector<256x128xi1>, vector<256x128xf32>
    %reduce_min3A_355 = arith.constant dense<0x7F800000> : vector<256xf32>
    %reduce_min3A_356 = vector.multi_reduction <minimumf>, %select_n3A_353, %reduce_min3A_355 [1] : vector<256x128xf32> to vector<256xf32>
    %broadcast_in_dim3A_357 = vector.shape_cast %reduce_min3A_356 : vector<256xf32> to vector<256x1xf32>
    %eq3A_358 = vector.broadcast %broadcast_in_dim3A_357 : vector<256x1xf32> to vector<256x128xf32>
    %eq3A_359 = arith.cmpf oeq, %select_n3A_353, %eq3A_358 : vector<256x128xf32>
    %select_n3A_360 = arith.select %eq3A_359, %select_n3A_354, %select_n3A_353 : vector<256x128xi1>, vector<256x128xf32>
    %reduce_min3A_361 = arith.constant dense<0x7F800000> : vector<256xf32>
    %reduce_min3A_362 = vector.multi_reduction <minimumf>, %select_n3A_360, %reduce_min3A_361 [1] : vector<256x128xf32> to vector<256xf32>
    %broadcast_in_dim3A_363 = vector.shape_cast %reduce_min3A_362 : vector<256xf32> to vector<256x1xf32>
    %le3A = vector.broadcast %broadcast_in_dim3A_363 : vector<256x1xf32> to vector<256x4096xf32>
    %le3A_364 = arith.cmpf ole, %add3A_16, %le3A : vector<256x4096xf32>
    %convert_element_type3A = arith.extui %le3A_364 : vector<256x4096xi1> to vector<256x4096xi32>
    %convert_element_type3A_365 = arith.sitofp %convert_element_type3A : vector<256x4096xi32> to vector<256x4096xf32>
    %get3A_366 = arith.constant 0 : index
    %get3A_367 = arith.constant 0 : index
    %get3A_368 = vector.load %arg3[%get3A_366, %get3A_367] : memref<4096x3xf32, #tpu.memory_space<vmem>>, vector<4096x3xf32>
    %dot_general3A_369 = arith.constant dense<0.000000e+00> : vector<256x3xf32>
    %dot_general3A_370 = tpu.matmul %convert_element_type3A_365, %get3A_368, %dot_general3A_369 {dimension_numbers = #tpu.dot_dimension_numbers<[1], [0], [0], [1], [0, 0, 1, 1], [], []>, transpose_lhs_hint = false} : vector<256x4096xf32>, vector<4096x3xf32>, vector<256x3xf32> -> vector<256x3xf32>
    %get3A_371 = arith.constant 0 : index
    %get3A_372 = arith.constant 0 : index
    %get3A_373 = vector.load %arg4[%get3A_371, %get3A_372] : memref<256x3xf32, #tpu.memory_space<vmem>>, vector<256x3xf32>
    %mul3A_374 = arith.constant 1.000000e+01 : f32
    %mul3A_375 = vector.broadcast %mul3A_374 : f32 to vector<256x3xf32>
    %mul3A_376 = arith.mulf %mul3A_375, %get3A_373 : vector<256x3xf32>
    %sub3A = arith.subf %dot_general3A_370, %mul3A_376 : vector<256x3xf32>
    %div3A = arith.constant 9.000000e+00 : f32
    %div3A_377 = vector.broadcast %div3A : f32 to vector<256x3xf32>
    %div3A_378 = arith.divf %sub3A, %div3A_377 : vector<256x3xf32>
    %swap3A = arith.constant 0 : index
    %swap3A_379 = arith.constant 0 : index
    %swap3A_380 = vector.load %arg5[%swap3A, %swap3A_379] : memref<256x3xf32, #tpu.memory_space<vmem>>, vector<256x3xf32>
    tpu.vector_store %arg5[%swap3A, %swap3A_379], %div3A_378 {strides = array<i32>} : memref<256x3xf32, #tpu.memory_space<vmem>>, vector<256x3xf32>,
    return
  }
  func.func @transform_0(%arg0: i32) -> (i32, i32) {
    %c0_i32 = arith.constant 0 : i32
    %c0_i32_0 = arith.constant 0 : i32
    return %arg0, %c0_i32 : i32, i32
  }
  func.func @transform_1(%arg0: i32) -> (i32, i32) {
    %c0_i32 = arith.constant 0 : i32
    %c0_i32_0 = arith.constant 0 : i32
    %c0_i32_1 = arith.constant 0 : i32
    return %c0_i32, %c0_i32_0 : i32, i32
  }
  func.func @transform_2(%arg0: i32) -> (i32, i32) {
    %c0_i32 = arith.constant 0 : i32
    %c0_i32_0 = arith.constant 0 : i32
    %c0_i32_1 = arith.constant 0 : i32
    return %c0_i32, %c0_i32_0 : i32, i32
  }
  func.func @transform_3(%arg0: i32) -> (i32, i32) {
    %c0_i32 = arith.constant 0 : i32
    %c0_i32_0 = arith.constant 0 : i32
    return %arg0, %c0_i32 : i32, i32
  }
  func.func @transform_4(%arg0: i32) -> (i32, i32) {
    %c0_i32 = arith.constant 0 : i32
    %c0_i32_0 = arith.constant 0 : i32
    return %arg0, %c0_i32 : i32, i32
  }
}

module attributes {stable_mosaic.version = 14 : i64} {
  func.func @_cross_body(%arg0: i32, %arg1: memref<256x3xf32, #tpu.memory_space<vmem>>, %arg2: memref<3x4096xf32, #tpu.memory_space<vmem>>, %arg3: memref<1x4096xf32, #tpu.memory_space<vmem>>, %arg4: memref<1x1xf32, #tpu.memory_space<vmem>>, %arg5: memref<256x16xi32, #tpu.memory_space<vmem>>, %arg6: memref<256x16xf32, #tpu.memory_space<vmem>>) attributes {dimension_semantics = [#tpu.dimension_semantics<arbitrary>], iteration_bounds = array<i64: 16>, scalar_prefetch = 0 : i64, scratch_operands = 0 : i64, tpu.core_type = #tpu.core_type<tc>, window_params = [{transform_indices = @transform_0, window_bounds = array<i64: 256, 3>}, {pipeline_mode = #tpu.pipeline_mode<synchronous>, transform_indices = @transform_1, window_bounds = array<i64: 3, 4096>}, {pipeline_mode = #tpu.pipeline_mode<synchronous>, transform_indices = @transform_2, window_bounds = array<i64: 1, 4096>}, {pipeline_mode = #tpu.pipeline_mode<synchronous>, transform_indices = @transform_3, window_bounds = array<i64: 1, 1>}, {transform_indices = @transform_4, window_bounds = array<i64: 256, 16>}, {transform_indices = @transform_5, window_bounds = array<i64: 256, 16>}]} {
    %get3A = arith.constant 0 : index
    %get3A_0 = arith.constant 0 : index
    %get3A_1 = vector.load %arg1[%get3A, %get3A_0] : memref<256x3xf32, #tpu.memory_space<vmem>>, vector<256x3xf32>
    %get3A_2 = arith.constant 0 : index
    %get3A_3 = arith.constant 0 : index
    %get3A_4 = vector.load %arg2[%get3A_2, %get3A_3] : memref<3x4096xf32, #tpu.memory_space<vmem>>, vector<3x4096xf32>
    %dot_general3A = arith.constant dense<0.000000e+00> : vector<256x4096xf32>
    %dot_general3A_5 = tpu.matmul %get3A_1, %get3A_4, %dot_general3A {dimension_numbers = #tpu.dot_dimension_numbers<[1], [0], [0], [1], [0, 0, 1, 1], [], []>, transpose_lhs_hint = false} : vector<256x3xf32>, vector<3x4096xf32>, vector<256x4096xf32> -> vector<256x4096xf32>
    %mul3A = arith.mulf %get3A_1, %get3A_1 : vector<256x3xf32>
    %reduce_sum3A = arith.constant dense<0.000000e+00> : vector<256xf32>
    %reduce_sum3A_6 = vector.multi_reduction <add>, %mul3A, %reduce_sum3A [1] : vector<256x3xf32> to vector<256xf32>
    %broadcast_in_dim3A = vector.shape_cast %reduce_sum3A_6 : vector<256xf32> to vector<256x1xf32>
    %mul3A_7 = arith.mulf %get3A_4, %get3A_4 : vector<3x4096xf32>
    %reduce_sum3A_8 = arith.constant dense<0.000000e+00> : vector<4096xf32>
    %reduce_sum3A_9 = vector.multi_reduction <add>, %mul3A_7, %reduce_sum3A_8 [0] : vector<3x4096xf32> to vector<4096xf32>
    %broadcast_in_dim3A_10 = vector.shape_cast %reduce_sum3A_9 : vector<4096xf32> to vector<1x4096xf32>
    %mul3A_11 = arith.constant -2.000000e+00 : f32
    %mul3A_12 = vector.broadcast %mul3A_11 : f32 to vector<256x4096xf32>
    %mul3A_13 = arith.mulf %mul3A_12, %dot_general3A_5 : vector<256x4096xf32>
    %add3A = vector.broadcast %broadcast_in_dim3A : vector<256x1xf32> to vector<256x4096xf32>
    %add3A_14 = arith.addf %mul3A_13, %add3A : vector<256x4096xf32>
    %add3A_15 = vector.broadcast %broadcast_in_dim3A_10 : vector<1x4096xf32> to vector<256x4096xf32>
    %add3A_16 = arith.addf %add3A_14, %add3A_15 : vector<256x4096xf32>
    %reduce_min3A = arith.constant dense<0x7F800000> : vector<4096xf32>
    %reduce_min3A_17 = vector.multi_reduction <minimumf>, %add3A_16, %reduce_min3A [0] : vector<256x4096xf32> to vector<4096xf32>
    %broadcast_in_dim3A_18 = vector.shape_cast %reduce_min3A_17 : vector<4096xf32> to vector<1x4096xf32>
    %broadcast_in_dim3A_19 = arith.constant 0x7F800000 : f32
    %broadcast_in_dim3A_20 = vector.broadcast %broadcast_in_dim3A_19 : f32 to vector<256x128xf32>
    %broadcast_in_dim3A_21 = arith.constant 0x7F800000 : f32
    %broadcast_in_dim3A_22 = vector.broadcast %broadcast_in_dim3A_21 : f32 to vector<256x128xf32>
    %broadcast_in_dim3A_23 = arith.constant 0x7F800000 : f32
    %broadcast_in_dim3A_24 = vector.broadcast %broadcast_in_dim3A_23 : f32 to vector<256x128xf32>
    %broadcast_in_dim3A_25 = arith.constant 0x7F800000 : f32
    %broadcast_in_dim3A_26 = vector.broadcast %broadcast_in_dim3A_25 : f32 to vector<256x128xf32>
    %slice3A = vector.extract_strided_slice %add3A_16 {offsets = [0, 0], sizes = [256, 128], strides = [1, 1]} : vector<256x4096xf32> to vector<256x128xf32>
    %min3A = arith.minimumf %broadcast_in_dim3A_20, %slice3A : vector<256x128xf32>
    %max3A = arith.maximumf %broadcast_in_dim3A_20, %slice3A : vector<256x128xf32>
    %min3A_27 = arith.minimumf %broadcast_in_dim3A_22, %max3A : vector<256x128xf32>
    %max3A_28 = arith.maximumf %broadcast_in_dim3A_22, %max3A : vector<256x128xf32>
    %min3A_29 = arith.minimumf %broadcast_in_dim3A_24, %max3A_28 : vector<256x128xf32>
    %max3A_30 = arith.maximumf %broadcast_in_dim3A_24, %max3A_28 : vector<256x128xf32>
    %min3A_31 = arith.minimumf %broadcast_in_dim3A_26, %max3A_30 : vector<256x128xf32>
    %slice3A_32 = vector.extract_strided_slice %add3A_16 {offsets = [0, 128], sizes = [256, 128], strides = [1, 1]} : vector<256x4096xf32> to vector<256x128xf32>
    %min3A_33 = arith.minimumf %min3A, %slice3A_32 : vector<256x128xf32>
    %max3A_34 = arith.maximumf %min3A, %slice3A_32 : vector<256x128xf32>
    %min3A_35 = arith.minimumf %min3A_27, %max3A_34 : vector<256x128xf32>
    %max3A_36 = arith.maximumf %min3A_27, %max3A_34 : vector<256x128xf32>
    %min3A_37 = arith.minimumf %min3A_29, %max3A_36 : vector<256x128xf32>
    %max3A_38 = arith.maximumf %min3A_29, %max3A_36 : vector<256x128xf32>
    %min3A_39 = arith.minimumf %min3A_31, %max3A_38 : vector<256x128xf32>
    %slice3A_40 = vector.extract_strided_slice %add3A_16 {offsets = [0, 256], sizes = [256, 128], strides = [1, 1]} : vector<256x4096xf32> to vector<256x128xf32>
    %min3A_41 = arith.minimumf %min3A_33, %slice3A_40 : vector<256x128xf32>
    %max3A_42 = arith.maximumf %min3A_33, %slice3A_40 : vector<256x128xf32>
    %min3A_43 = arith.minimumf %min3A_35, %max3A_42 : vector<256x128xf32>
    %max3A_44 = arith.maximumf %min3A_35, %max3A_42 : vector<256x128xf32>
    %min3A_45 = arith.minimumf %min3A_37, %max3A_44 : vector<256x128xf32>
    %max3A_46 = arith.maximumf %min3A_37, %max3A_44 : vector<256x128xf32>
    %min3A_47 = arith.minimumf %min3A_39, %max3A_46 : vector<256x128xf32>
    %slice3A_48 = vector.extract_strided_slice %add3A_16 {offsets = [0, 384], sizes = [256, 128], strides = [1, 1]} : vector<256x4096xf32> to vector<256x128xf32>
    %min3A_49 = arith.minimumf %min3A_41, %slice3A_48 : vector<256x128xf32>
    %max3A_50 = arith.maximumf %min3A_41, %slice3A_48 : vector<256x128xf32>
    %min3A_51 = arith.minimumf %min3A_43, %max3A_50 : vector<256x128xf32>
    %max3A_52 = arith.maximumf %min3A_43, %max3A_50 : vector<256x128xf32>
    %min3A_53 = arith.minimumf %min3A_45, %max3A_52 : vector<256x128xf32>
    %max3A_54 = arith.maximumf %min3A_45, %max3A_52 : vector<256x128xf32>
    %min3A_55 = arith.minimumf %min3A_47, %max3A_54 : vector<256x128xf32>
    %slice3A_56 = vector.extract_strided_slice %add3A_16 {offsets = [0, 512], sizes = [256, 128], strides = [1, 1]} : vector<256x4096xf32> to vector<256x128xf32>
    %min3A_57 = arith.minimumf %min3A_49, %slice3A_56 : vector<256x128xf32>
    %max3A_58 = arith.maximumf %min3A_49, %slice3A_56 : vector<256x128xf32>
    %min3A_59 = arith.minimumf %min3A_51, %max3A_58 : vector<256x128xf32>
    %max3A_60 = arith.maximumf %min3A_51, %max3A_58 : vector<256x128xf32>
    %min3A_61 = arith.minimumf %min3A_53, %max3A_60 : vector<256x128xf32>
    %max3A_62 = arith.maximumf %min3A_53, %max3A_60 : vector<256x128xf32>
    %min3A_63 = arith.minimumf %min3A_55, %max3A_62 : vector<256x128xf32>
    %slice3A_64 = vector.extract_strided_slice %add3A_16 {offsets = [0, 640], sizes = [256, 128], strides = [1, 1]} : vector<256x4096xf32> to vector<256x128xf32>
    %min3A_65 = arith.minimumf %min3A_57, %slice3A_64 : vector<256x128xf32>
    %max3A_66 = arith.maximumf %min3A_57, %slice3A_64 : vector<256x128xf32>
    %min3A_67 = arith.minimumf %min3A_59, %max3A_66 : vector<256x128xf32>
    %max3A_68 = arith.maximumf %min3A_59, %max3A_66 : vector<256x128xf32>
    %min3A_69 = arith.minimumf %min3A_61, %max3A_68 : vector<256x128xf32>
    %max3A_70 = arith.maximumf %min3A_61, %max3A_68 : vector<256x128xf32>
    %min3A_71 = arith.minimumf %min3A_63, %max3A_70 : vector<256x128xf32>
    %slice3A_72 = vector.extract_strided_slice %add3A_16 {offsets = [0, 768], sizes = [256, 128], strides = [1, 1]} : vector<256x4096xf32> to vector<256x128xf32>
    %min3A_73 = arith.minimumf %min3A_65, %slice3A_72 : vector<256x128xf32>
    %max3A_74 = arith.maximumf %min3A_65, %slice3A_72 : vector<256x128xf32>
    %min3A_75 = arith.minimumf %min3A_67, %max3A_74 : vector<256x128xf32>
    %max3A_76 = arith.maximumf %min3A_67, %max3A_74 : vector<256x128xf32>
    %min3A_77 = arith.minimumf %min3A_69, %max3A_76 : vector<256x128xf32>
    %max3A_78 = arith.maximumf %min3A_69, %max3A_76 : vector<256x128xf32>
    %min3A_79 = arith.minimumf %min3A_71, %max3A_78 : vector<256x128xf32>
    %slice3A_80 = vector.extract_strided_slice %add3A_16 {offsets = [0, 896], sizes = [256, 128], strides = [1, 1]} : vector<256x4096xf32> to vector<256x128xf32>
    %min3A_81 = arith.minimumf %min3A_73, %slice3A_80 : vector<256x128xf32>
    %max3A_82 = arith.maximumf %min3A_73, %slice3A_80 : vector<256x128xf32>
    %min3A_83 = arith.minimumf %min3A_75, %max3A_82 : vector<256x128xf32>
    %max3A_84 = arith.maximumf %min3A_75, %max3A_82 : vector<256x128xf32>
    %min3A_85 = arith.minimumf %min3A_77, %max3A_84 : vector<256x128xf32>
    %max3A_86 = arith.maximumf %min3A_77, %max3A_84 : vector<256x128xf32>
    %min3A_87 = arith.minimumf %min3A_79, %max3A_86 : vector<256x128xf32>
    %slice3A_88 = vector.extract_strided_slice %add3A_16 {offsets = [0, 1024], sizes = [256, 128], strides = [1, 1]} : vector<256x4096xf32> to vector<256x128xf32>
    %min3A_89 = arith.minimumf %min3A_81, %slice3A_88 : vector<256x128xf32>
    %max3A_90 = arith.maximumf %min3A_81, %slice3A_88 : vector<256x128xf32>
    %min3A_91 = arith.minimumf %min3A_83, %max3A_90 : vector<256x128xf32>
    %max3A_92 = arith.maximumf %min3A_83, %max3A_90 : vector<256x128xf32>
    %min3A_93 = arith.minimumf %min3A_85, %max3A_92 : vector<256x128xf32>
    %max3A_94 = arith.maximumf %min3A_85, %max3A_92 : vector<256x128xf32>
    %min3A_95 = arith.minimumf %min3A_87, %max3A_94 : vector<256x128xf32>
    %slice3A_96 = vector.extract_strided_slice %add3A_16 {offsets = [0, 1152], sizes = [256, 128], strides = [1, 1]} : vector<256x4096xf32> to vector<256x128xf32>
    %min3A_97 = arith.minimumf %min3A_89, %slice3A_96 : vector<256x128xf32>
    %max3A_98 = arith.maximumf %min3A_89, %slice3A_96 : vector<256x128xf32>
    %min3A_99 = arith.minimumf %min3A_91, %max3A_98 : vector<256x128xf32>
    %max3A_100 = arith.maximumf %min3A_91, %max3A_98 : vector<256x128xf32>
    %min3A_101 = arith.minimumf %min3A_93, %max3A_100 : vector<256x128xf32>
    %max3A_102 = arith.maximumf %min3A_93, %max3A_100 : vector<256x128xf32>
    %min3A_103 = arith.minimumf %min3A_95, %max3A_102 : vector<256x128xf32>
    %slice3A_104 = vector.extract_strided_slice %add3A_16 {offsets = [0, 1280], sizes = [256, 128], strides = [1, 1]} : vector<256x4096xf32> to vector<256x128xf32>
    %min3A_105 = arith.minimumf %min3A_97, %slice3A_104 : vector<256x128xf32>
    %max3A_106 = arith.maximumf %min3A_97, %slice3A_104 : vector<256x128xf32>
    %min3A_107 = arith.minimumf %min3A_99, %max3A_106 : vector<256x128xf32>
    %max3A_108 = arith.maximumf %min3A_99, %max3A_106 : vector<256x128xf32>
    %min3A_109 = arith.minimumf %min3A_101, %max3A_108 : vector<256x128xf32>
    %max3A_110 = arith.maximumf %min3A_101, %max3A_108 : vector<256x128xf32>
    %min3A_111 = arith.minimumf %min3A_103, %max3A_110 : vector<256x128xf32>
    %slice3A_112 = vector.extract_strided_slice %add3A_16 {offsets = [0, 1408], sizes = [256, 128], strides = [1, 1]} : vector<256x4096xf32> to vector<256x128xf32>
    %min3A_113 = arith.minimumf %min3A_105, %slice3A_112 : vector<256x128xf32>
    %max3A_114 = arith.maximumf %min3A_105, %slice3A_112 : vector<256x128xf32>
    %min3A_115 = arith.minimumf %min3A_107, %max3A_114 : vector<256x128xf32>
    %max3A_116 = arith.maximumf %min3A_107, %max3A_114 : vector<256x128xf32>
    %min3A_117 = arith.minimumf %min3A_109, %max3A_116 : vector<256x128xf32>
    %max3A_118 = arith.maximumf %min3A_109, %max3A_116 : vector<256x128xf32>
    %min3A_119 = arith.minimumf %min3A_111, %max3A_118 : vector<256x128xf32>
    %slice3A_120 = vector.extract_strided_slice %add3A_16 {offsets = [0, 1536], sizes = [256, 128], strides = [1, 1]} : vector<256x4096xf32> to vector<256x128xf32>
    %min3A_121 = arith.minimumf %min3A_113, %slice3A_120 : vector<256x128xf32>
    %max3A_122 = arith.maximumf %min3A_113, %slice3A_120 : vector<256x128xf32>
    %min3A_123 = arith.minimumf %min3A_115, %max3A_122 : vector<256x128xf32>
    %max3A_124 = arith.maximumf %min3A_115, %max3A_122 : vector<256x128xf32>
    %min3A_125 = arith.minimumf %min3A_117, %max3A_124 : vector<256x128xf32>
    %max3A_126 = arith.maximumf %min3A_117, %max3A_124 : vector<256x128xf32>
    %min3A_127 = arith.minimumf %min3A_119, %max3A_126 : vector<256x128xf32>
    %slice3A_128 = vector.extract_strided_slice %add3A_16 {offsets = [0, 1664], sizes = [256, 128], strides = [1, 1]} : vector<256x4096xf32> to vector<256x128xf32>
    %min3A_129 = arith.minimumf %min3A_121, %slice3A_128 : vector<256x128xf32>
    %max3A_130 = arith.maximumf %min3A_121, %slice3A_128 : vector<256x128xf32>
    %min3A_131 = arith.minimumf %min3A_123, %max3A_130 : vector<256x128xf32>
    %max3A_132 = arith.maximumf %min3A_123, %max3A_130 : vector<256x128xf32>
    %min3A_133 = arith.minimumf %min3A_125, %max3A_132 : vector<256x128xf32>
    %max3A_134 = arith.maximumf %min3A_125, %max3A_132 : vector<256x128xf32>
    %min3A_135 = arith.minimumf %min3A_127, %max3A_134 : vector<256x128xf32>
    %slice3A_136 = vector.extract_strided_slice %add3A_16 {offsets = [0, 1792], sizes = [256, 128], strides = [1, 1]} : vector<256x4096xf32> to vector<256x128xf32>
    %min3A_137 = arith.minimumf %min3A_129, %slice3A_136 : vector<256x128xf32>
    %max3A_138 = arith.maximumf %min3A_129, %slice3A_136 : vector<256x128xf32>
    %min3A_139 = arith.minimumf %min3A_131, %max3A_138 : vector<256x128xf32>
    %max3A_140 = arith.maximumf %min3A_131, %max3A_138 : vector<256x128xf32>
    %min3A_141 = arith.minimumf %min3A_133, %max3A_140 : vector<256x128xf32>
    %max3A_142 = arith.maximumf %min3A_133, %max3A_140 : vector<256x128xf32>
    %min3A_143 = arith.minimumf %min3A_135, %max3A_142 : vector<256x128xf32>
    %slice3A_144 = vector.extract_strided_slice %add3A_16 {offsets = [0, 1920], sizes = [256, 128], strides = [1, 1]} : vector<256x4096xf32> to vector<256x128xf32>
    %min3A_145 = arith.minimumf %min3A_137, %slice3A_144 : vector<256x128xf32>
    %max3A_146 = arith.maximumf %min3A_137, %slice3A_144 : vector<256x128xf32>
    %min3A_147 = arith.minimumf %min3A_139, %max3A_146 : vector<256x128xf32>
    %max3A_148 = arith.maximumf %min3A_139, %max3A_146 : vector<256x128xf32>
    %min3A_149 = arith.minimumf %min3A_141, %max3A_148 : vector<256x128xf32>
    %max3A_150 = arith.maximumf %min3A_141, %max3A_148 : vector<256x128xf32>
    %min3A_151 = arith.minimumf %min3A_143, %max3A_150 : vector<256x128xf32>
    %slice3A_152 = vector.extract_strided_slice %add3A_16 {offsets = [0, 2048], sizes = [256, 128], strides = [1, 1]} : vector<256x4096xf32> to vector<256x128xf32>
    %min3A_153 = arith.minimumf %min3A_145, %slice3A_152 : vector<256x128xf32>
    %max3A_154 = arith.maximumf %min3A_145, %slice3A_152 : vector<256x128xf32>
    %min3A_155 = arith.minimumf %min3A_147, %max3A_154 : vector<256x128xf32>
    %max3A_156 = arith.maximumf %min3A_147, %max3A_154 : vector<256x128xf32>
    %min3A_157 = arith.minimumf %min3A_149, %max3A_156 : vector<256x128xf32>
    %max3A_158 = arith.maximumf %min3A_149, %max3A_156 : vector<256x128xf32>
    %min3A_159 = arith.minimumf %min3A_151, %max3A_158 : vector<256x128xf32>
    %slice3A_160 = vector.extract_strided_slice %add3A_16 {offsets = [0, 2176], sizes = [256, 128], strides = [1, 1]} : vector<256x4096xf32> to vector<256x128xf32>
    %min3A_161 = arith.minimumf %min3A_153, %slice3A_160 : vector<256x128xf32>
    %max3A_162 = arith.maximumf %min3A_153, %slice3A_160 : vector<256x128xf32>
    %min3A_163 = arith.minimumf %min3A_155, %max3A_162 : vector<256x128xf32>
    %max3A_164 = arith.maximumf %min3A_155, %max3A_162 : vector<256x128xf32>
    %min3A_165 = arith.minimumf %min3A_157, %max3A_164 : vector<256x128xf32>
    %max3A_166 = arith.maximumf %min3A_157, %max3A_164 : vector<256x128xf32>
    %min3A_167 = arith.minimumf %min3A_159, %max3A_166 : vector<256x128xf32>
    %slice3A_168 = vector.extract_strided_slice %add3A_16 {offsets = [0, 2304], sizes = [256, 128], strides = [1, 1]} : vector<256x4096xf32> to vector<256x128xf32>
    %min3A_169 = arith.minimumf %min3A_161, %slice3A_168 : vector<256x128xf32>
    %max3A_170 = arith.maximumf %min3A_161, %slice3A_168 : vector<256x128xf32>
    %min3A_171 = arith.minimumf %min3A_163, %max3A_170 : vector<256x128xf32>
    %max3A_172 = arith.maximumf %min3A_163, %max3A_170 : vector<256x128xf32>
    %min3A_173 = arith.minimumf %min3A_165, %max3A_172 : vector<256x128xf32>
    %max3A_174 = arith.maximumf %min3A_165, %max3A_172 : vector<256x128xf32>
    %min3A_175 = arith.minimumf %min3A_167, %max3A_174 : vector<256x128xf32>
    %slice3A_176 = vector.extract_strided_slice %add3A_16 {offsets = [0, 2432], sizes = [256, 128], strides = [1, 1]} : vector<256x4096xf32> to vector<256x128xf32>
    %min3A_177 = arith.minimumf %min3A_169, %slice3A_176 : vector<256x128xf32>
    %max3A_178 = arith.maximumf %min3A_169, %slice3A_176 : vector<256x128xf32>
    %min3A_179 = arith.minimumf %min3A_171, %max3A_178 : vector<256x128xf32>
    %max3A_180 = arith.maximumf %min3A_171, %max3A_178 : vector<256x128xf32>
    %min3A_181 = arith.minimumf %min3A_173, %max3A_180 : vector<256x128xf32>
    %max3A_182 = arith.maximumf %min3A_173, %max3A_180 : vector<256x128xf32>
    %min3A_183 = arith.minimumf %min3A_175, %max3A_182 : vector<256x128xf32>
    %slice3A_184 = vector.extract_strided_slice %add3A_16 {offsets = [0, 2560], sizes = [256, 128], strides = [1, 1]} : vector<256x4096xf32> to vector<256x128xf32>
    %min3A_185 = arith.minimumf %min3A_177, %slice3A_184 : vector<256x128xf32>
    %max3A_186 = arith.maximumf %min3A_177, %slice3A_184 : vector<256x128xf32>
    %min3A_187 = arith.minimumf %min3A_179, %max3A_186 : vector<256x128xf32>
    %max3A_188 = arith.maximumf %min3A_179, %max3A_186 : vector<256x128xf32>
    %min3A_189 = arith.minimumf %min3A_181, %max3A_188 : vector<256x128xf32>
    %max3A_190 = arith.maximumf %min3A_181, %max3A_188 : vector<256x128xf32>
    %min3A_191 = arith.minimumf %min3A_183, %max3A_190 : vector<256x128xf32>
    %slice3A_192 = vector.extract_strided_slice %add3A_16 {offsets = [0, 2688], sizes = [256, 128], strides = [1, 1]} : vector<256x4096xf32> to vector<256x128xf32>
    %min3A_193 = arith.minimumf %min3A_185, %slice3A_192 : vector<256x128xf32>
    %max3A_194 = arith.maximumf %min3A_185, %slice3A_192 : vector<256x128xf32>
    %min3A_195 = arith.minimumf %min3A_187, %max3A_194 : vector<256x128xf32>
    %max3A_196 = arith.maximumf %min3A_187, %max3A_194 : vector<256x128xf32>
    %min3A_197 = arith.minimumf %min3A_189, %max3A_196 : vector<256x128xf32>
    %max3A_198 = arith.maximumf %min3A_189, %max3A_196 : vector<256x128xf32>
    %min3A_199 = arith.minimumf %min3A_191, %max3A_198 : vector<256x128xf32>
    %slice3A_200 = vector.extract_strided_slice %add3A_16 {offsets = [0, 2816], sizes = [256, 128], strides = [1, 1]} : vector<256x4096xf32> to vector<256x128xf32>
    %min3A_201 = arith.minimumf %min3A_193, %slice3A_200 : vector<256x128xf32>
    %max3A_202 = arith.maximumf %min3A_193, %slice3A_200 : vector<256x128xf32>
    %min3A_203 = arith.minimumf %min3A_195, %max3A_202 : vector<256x128xf32>
    %max3A_204 = arith.maximumf %min3A_195, %max3A_202 : vector<256x128xf32>
    %min3A_205 = arith.minimumf %min3A_197, %max3A_204 : vector<256x128xf32>
    %max3A_206 = arith.maximumf %min3A_197, %max3A_204 : vector<256x128xf32>
    %min3A_207 = arith.minimumf %min3A_199, %max3A_206 : vector<256x128xf32>
    %slice3A_208 = vector.extract_strided_slice %add3A_16 {offsets = [0, 2944], sizes = [256, 128], strides = [1, 1]} : vector<256x4096xf32> to vector<256x128xf32>
    %min3A_209 = arith.minimumf %min3A_201, %slice3A_208 : vector<256x128xf32>
    %max3A_210 = arith.maximumf %min3A_201, %slice3A_208 : vector<256x128xf32>
    %min3A_211 = arith.minimumf %min3A_203, %max3A_210 : vector<256x128xf32>
    %max3A_212 = arith.maximumf %min3A_203, %max3A_210 : vector<256x128xf32>
    %min3A_213 = arith.minimumf %min3A_205, %max3A_212 : vector<256x128xf32>
    %max3A_214 = arith.maximumf %min3A_205, %max3A_212 : vector<256x128xf32>
    %min3A_215 = arith.minimumf %min3A_207, %max3A_214 : vector<256x128xf32>
    %slice3A_216 = vector.extract_strided_slice %add3A_16 {offsets = [0, 3072], sizes = [256, 128], strides = [1, 1]} : vector<256x4096xf32> to vector<256x128xf32>
    %min3A_217 = arith.minimumf %min3A_209, %slice3A_216 : vector<256x128xf32>
    %max3A_218 = arith.maximumf %min3A_209, %slice3A_216 : vector<256x128xf32>
    %min3A_219 = arith.minimumf %min3A_211, %max3A_218 : vector<256x128xf32>
    %max3A_220 = arith.maximumf %min3A_211, %max3A_218 : vector<256x128xf32>
    %min3A_221 = arith.minimumf %min3A_213, %max3A_220 : vector<256x128xf32>
    %max3A_222 = arith.maximumf %min3A_213, %max3A_220 : vector<256x128xf32>
    %min3A_223 = arith.minimumf %min3A_215, %max3A_222 : vector<256x128xf32>
    %slice3A_224 = vector.extract_strided_slice %add3A_16 {offsets = [0, 3200], sizes = [256, 128], strides = [1, 1]} : vector<256x4096xf32> to vector<256x128xf32>
    %min3A_225 = arith.minimumf %min3A_217, %slice3A_224 : vector<256x128xf32>
    %max3A_226 = arith.maximumf %min3A_217, %slice3A_224 : vector<256x128xf32>
    %min3A_227 = arith.minimumf %min3A_219, %max3A_226 : vector<256x128xf32>
    %max3A_228 = arith.maximumf %min3A_219, %max3A_226 : vector<256x128xf32>
    %min3A_229 = arith.minimumf %min3A_221, %max3A_228 : vector<256x128xf32>
    %max3A_230 = arith.maximumf %min3A_221, %max3A_228 : vector<256x128xf32>
    %min3A_231 = arith.minimumf %min3A_223, %max3A_230 : vector<256x128xf32>
    %slice3A_232 = vector.extract_strided_slice %add3A_16 {offsets = [0, 3328], sizes = [256, 128], strides = [1, 1]} : vector<256x4096xf32> to vector<256x128xf32>
    %min3A_233 = arith.minimumf %min3A_225, %slice3A_232 : vector<256x128xf32>
    %max3A_234 = arith.maximumf %min3A_225, %slice3A_232 : vector<256x128xf32>
    %min3A_235 = arith.minimumf %min3A_227, %max3A_234 : vector<256x128xf32>
    %max3A_236 = arith.maximumf %min3A_227, %max3A_234 : vector<256x128xf32>
    %min3A_237 = arith.minimumf %min3A_229, %max3A_236 : vector<256x128xf32>
    %max3A_238 = arith.maximumf %min3A_229, %max3A_236 : vector<256x128xf32>
    %min3A_239 = arith.minimumf %min3A_231, %max3A_238 : vector<256x128xf32>
    %slice3A_240 = vector.extract_strided_slice %add3A_16 {offsets = [0, 3456], sizes = [256, 128], strides = [1, 1]} : vector<256x4096xf32> to vector<256x128xf32>
    %min3A_241 = arith.minimumf %min3A_233, %slice3A_240 : vector<256x128xf32>
    %max3A_242 = arith.maximumf %min3A_233, %slice3A_240 : vector<256x128xf32>
    %min3A_243 = arith.minimumf %min3A_235, %max3A_242 : vector<256x128xf32>
    %max3A_244 = arith.maximumf %min3A_235, %max3A_242 : vector<256x128xf32>
    %min3A_245 = arith.minimumf %min3A_237, %max3A_244 : vector<256x128xf32>
    %max3A_246 = arith.maximumf %min3A_237, %max3A_244 : vector<256x128xf32>
    %min3A_247 = arith.minimumf %min3A_239, %max3A_246 : vector<256x128xf32>
    %slice3A_248 = vector.extract_strided_slice %add3A_16 {offsets = [0, 3584], sizes = [256, 128], strides = [1, 1]} : vector<256x4096xf32> to vector<256x128xf32>
    %min3A_249 = arith.minimumf %min3A_241, %slice3A_248 : vector<256x128xf32>
    %max3A_250 = arith.maximumf %min3A_241, %slice3A_248 : vector<256x128xf32>
    %min3A_251 = arith.minimumf %min3A_243, %max3A_250 : vector<256x128xf32>
    %max3A_252 = arith.maximumf %min3A_243, %max3A_250 : vector<256x128xf32>
    %min3A_253 = arith.minimumf %min3A_245, %max3A_252 : vector<256x128xf32>
    %max3A_254 = arith.maximumf %min3A_245, %max3A_252 : vector<256x128xf32>
    %min3A_255 = arith.minimumf %min3A_247, %max3A_254 : vector<256x128xf32>
    %slice3A_256 = vector.extract_strided_slice %add3A_16 {offsets = [0, 3712], sizes = [256, 128], strides = [1, 1]} : vector<256x4096xf32> to vector<256x128xf32>
    %min3A_257 = arith.minimumf %min3A_249, %slice3A_256 : vector<256x128xf32>
    %max3A_258 = arith.maximumf %min3A_249, %slice3A_256 : vector<256x128xf32>
    %min3A_259 = arith.minimumf %min3A_251, %max3A_258 : vector<256x128xf32>
    %max3A_260 = arith.maximumf %min3A_251, %max3A_258 : vector<256x128xf32>
    %min3A_261 = arith.minimumf %min3A_253, %max3A_260 : vector<256x128xf32>
    %max3A_262 = arith.maximumf %min3A_253, %max3A_260 : vector<256x128xf32>
    %min3A_263 = arith.minimumf %min3A_255, %max3A_262 : vector<256x128xf32>
    %slice3A_264 = vector.extract_strided_slice %add3A_16 {offsets = [0, 3840], sizes = [256, 128], strides = [1, 1]} : vector<256x4096xf32> to vector<256x128xf32>
    %min3A_265 = arith.minimumf %min3A_257, %slice3A_264 : vector<256x128xf32>
    %max3A_266 = arith.maximumf %min3A_257, %slice3A_264 : vector<256x128xf32>
    %min3A_267 = arith.minimumf %min3A_259, %max3A_266 : vector<256x128xf32>
    %max3A_268 = arith.maximumf %min3A_259, %max3A_266 : vector<256x128xf32>
    %min3A_269 = arith.minimumf %min3A_261, %max3A_268 : vector<256x128xf32>
    %max3A_270 = arith.maximumf %min3A_261, %max3A_268 : vector<256x128xf32>
    %min3A_271 = arith.minimumf %min3A_263, %max3A_270 : vector<256x128xf32>
    %slice3A_272 = vector.extract_strided_slice %add3A_16 {offsets = [0, 3968], sizes = [256, 128], strides = [1, 1]} : vector<256x4096xf32> to vector<256x128xf32>
    %min3A_273 = arith.minimumf %min3A_265, %slice3A_272 : vector<256x128xf32>
    %max3A_274 = arith.maximumf %min3A_265, %slice3A_272 : vector<256x128xf32>
    %min3A_275 = arith.minimumf %min3A_267, %max3A_274 : vector<256x128xf32>
    %max3A_276 = arith.maximumf %min3A_267, %max3A_274 : vector<256x128xf32>
    %min3A_277 = arith.minimumf %min3A_269, %max3A_276 : vector<256x128xf32>
    %max3A_278 = arith.maximumf %min3A_269, %max3A_276 : vector<256x128xf32>
    %min3A_279 = arith.minimumf %min3A_271, %max3A_278 : vector<256x128xf32>
    %reduce_min3A_280 = arith.constant dense<0x7F800000> : vector<256xf32>
    %reduce_min3A_281 = vector.multi_reduction <minimumf>, %min3A_273, %reduce_min3A_280 [1] : vector<256x128xf32> to vector<256xf32>
    %broadcast_in_dim3A_282 = vector.shape_cast %reduce_min3A_281 : vector<256xf32> to vector<256x1xf32>
    %eq3A = vector.broadcast %broadcast_in_dim3A_282 : vector<256x1xf32> to vector<256x128xf32>
    %eq3A_283 = arith.cmpf oeq, %min3A_273, %eq3A : vector<256x128xf32>
    %select_n3A = arith.select %eq3A_283, %min3A_275, %min3A_273 : vector<256x128xi1>, vector<256x128xf32>
    %select_n3A_284 = arith.select %eq3A_283, %min3A_277, %min3A_275 : vector<256x128xi1>, vector<256x128xf32>
    %select_n3A_285 = arith.select %eq3A_283, %min3A_279, %min3A_277 : vector<256x128xi1>, vector<256x128xf32>
    %jit3A = arith.constant 0x7F800000 : f32
    %broadcast_in_dim3A_286 = vector.broadcast %jit3A : f32 to vector<256x128xf32>
    %select_n3A_287 = arith.select %eq3A_283, %broadcast_in_dim3A_286, %min3A_279 : vector<256x128xi1>, vector<256x128xf32>
    %reduce_min3A_288 = arith.constant dense<0x7F800000> : vector<256xf32>
    %reduce_min3A_289 = vector.multi_reduction <minimumf>, %select_n3A, %reduce_min3A_288 [1] : vector<256x128xf32> to vector<256xf32>
    %broadcast_in_dim3A_290 = vector.shape_cast %reduce_min3A_289 : vector<256xf32> to vector<256x1xf32>
    %eq3A_291 = vector.broadcast %broadcast_in_dim3A_290 : vector<256x1xf32> to vector<256x128xf32>
    %eq3A_292 = arith.cmpf oeq, %select_n3A, %eq3A_291 : vector<256x128xf32>
    %select_n3A_293 = arith.select %eq3A_292, %select_n3A_284, %select_n3A : vector<256x128xi1>, vector<256x128xf32>
    %select_n3A_294 = arith.select %eq3A_292, %select_n3A_285, %select_n3A_284 : vector<256x128xi1>, vector<256x128xf32>
    %select_n3A_295 = arith.select %eq3A_292, %select_n3A_287, %select_n3A_285 : vector<256x128xi1>, vector<256x128xf32>
    %reduce_min3A_296 = arith.constant dense<0x7F800000> : vector<256xf32>
    %reduce_min3A_297 = vector.multi_reduction <minimumf>, %select_n3A_293, %reduce_min3A_296 [1] : vector<256x128xf32> to vector<256xf32>
    %broadcast_in_dim3A_298 = vector.shape_cast %reduce_min3A_297 : vector<256xf32> to vector<256x1xf32>
    %eq3A_299 = vector.broadcast %broadcast_in_dim3A_298 : vector<256x1xf32> to vector<256x128xf32>
    %eq3A_300 = arith.cmpf oeq, %select_n3A_293, %eq3A_299 : vector<256x128xf32>
    %select_n3A_301 = arith.select %eq3A_300, %select_n3A_294, %select_n3A_293 : vector<256x128xi1>, vector<256x128xf32>
    %select_n3A_302 = arith.select %eq3A_300, %select_n3A_295, %select_n3A_294 : vector<256x128xi1>, vector<256x128xf32>
    %reduce_min3A_303 = arith.constant dense<0x7F800000> : vector<256xf32>
    %reduce_min3A_304 = vector.multi_reduction <minimumf>, %select_n3A_301, %reduce_min3A_303 [1] : vector<256x128xf32> to vector<256xf32>
    %broadcast_in_dim3A_305 = vector.shape_cast %reduce_min3A_304 : vector<256xf32> to vector<256x1xf32>
    %eq3A_306 = vector.broadcast %broadcast_in_dim3A_305 : vector<256x1xf32> to vector<256x128xf32>
    %eq3A_307 = arith.cmpf oeq, %select_n3A_301, %eq3A_306 : vector<256x128xf32>
    %select_n3A_308 = arith.select %eq3A_307, %select_n3A_302, %select_n3A_301 : vector<256x128xi1>, vector<256x128xf32>
    %reduce_min3A_309 = arith.constant dense<0x7F800000> : vector<256xf32>
    %reduce_min3A_310 = vector.multi_reduction <minimumf>, %select_n3A_308, %reduce_min3A_309 [1] : vector<256x128xf32> to vector<256xf32>
    %broadcast_in_dim3A_311 = vector.shape_cast %reduce_min3A_310 : vector<256xf32> to vector<256x1xf32>
    %reduce_sum3A_312 = vector.shape_cast %broadcast_in_dim3A_282 : vector<256x1xf32> to vector<1x256x1xf32>
    %reduce_sum3A_313 = arith.constant dense<0.000000e+00> : vector<1xf32>
    %reduce_sum3A_314 = vector.multi_reduction <add>, %reduce_sum3A_312, %reduce_sum3A_313 [1, 2] : vector<1x256x1xf32> to vector<1xf32>
    %reduce_sum3A_315 = vector.shape_cast %reduce_sum3A_314 : vector<1xf32> to vector<1x1x1xf32>
    %reduce_sum3A_316 = vector.extract %reduce_sum3A_315[0, 0, 0] : f32 from vector<1x1x1xf32>
    %broadcast_in_dim3A_317 = vector.broadcast %reduce_sum3A_316 : f32 to vector<1x1xf32>
    %iota3A = tpu.iota {dimensions = array<i32: 1>} : vector<256x4096xi32>
    %iota3A_318 = tpu.iota {dimensions = array<i32: 1>} : vector<256x16xi32>
    %broadcast_in_dim3A_319 = arith.constant 0 : i32
    %broadcast_in_dim3A_320 = vector.broadcast %broadcast_in_dim3A_319 : i32 to vector<256x16xi32>
    %broadcast_in_dim3A_321 = arith.constant 0.000000e+00 : f32
    %broadcast_in_dim3A_322 = vector.broadcast %broadcast_in_dim3A_321 : f32 to vector<256x16xf32>
    %eq3A_323 = vector.broadcast %broadcast_in_dim3A_282 : vector<256x1xf32> to vector<256x4096xf32>
    %eq3A_324 = arith.cmpf oeq, %add3A_16, %eq3A_323 : vector<256x4096xf32>
    %jit3A_325 = arith.constant 4096 : i32
    %broadcast_in_dim3A_326 = vector.broadcast %jit3A_325 : i32 to vector<256x4096xi32>
    %select_n3A_327 = arith.select %eq3A_324, %iota3A, %broadcast_in_dim3A_326 : vector<256x4096xi1>, vector<256x4096xi32>
    %reduce_min3A_328 = arith.constant dense<2147483647> : vector<256xi32>
    %reduce_min3A_329 = vector.multi_reduction <minsi>, %select_n3A_327, %reduce_min3A_328 [1] : vector<256x4096xi32> to vector<256xi32>
    %broadcast_in_dim3A_330 = vector.shape_cast %reduce_min3A_329 : vector<256xi32> to vector<256x1xi32>
    %eq3A_331 = arith.constant 0 : i32
    %eq3A_332 = vector.broadcast %eq3A_331 : i32 to vector<256x16xi32>
    %eq3A_333 = arith.cmpi eq, %iota3A_318, %eq3A_332 : vector<256x16xi32>
    %broadcast_in_dim3A_334 = vector.shape_cast %broadcast_in_dim3A_330 : vector<256x1xi32> to vector<256x1xi32>
    %broadcast_in_dim3A_335 = vector.broadcast %broadcast_in_dim3A_334 : vector<256x1xi32> to vector<256x16xi32>
    %select_n3A_336 = arith.select %eq3A_333, %broadcast_in_dim3A_335, %broadcast_in_dim3A_320 : vector<256x16xi1>, vector<256x16xi32>
    %eq3A_337 = arith.constant 0 : i32
    %eq3A_338 = vector.broadcast %eq3A_337 : i32 to vector<256x16xi32>
    %eq3A_339 = arith.cmpi eq, %iota3A_318, %eq3A_338 : vector<256x16xi32>
    %broadcast_in_dim3A_340 = vector.shape_cast %broadcast_in_dim3A_282 : vector<256x1xf32> to vector<256x1xf32>
    %broadcast_in_dim3A_341 = vector.broadcast %broadcast_in_dim3A_340 : vector<256x1xf32> to vector<256x16xf32>
    %select_n3A_342 = arith.select %eq3A_339, %broadcast_in_dim3A_341, %broadcast_in_dim3A_322 : vector<256x16xi1>, vector<256x16xf32>
    %eq3A_343 = vector.broadcast %broadcast_in_dim3A_290 : vector<256x1xf32> to vector<256x4096xf32>
    %eq3A_344 = arith.cmpf oeq, %add3A_16, %eq3A_343 : vector<256x4096xf32>
    %jit3A_345 = arith.constant 4096 : i32
    %broadcast_in_dim3A_346 = vector.broadcast %jit3A_345 : i32 to vector<256x4096xi32>
    %select_n3A_347 = arith.select %eq3A_344, %iota3A, %broadcast_in_dim3A_346 : vector<256x4096xi1>, vector<256x4096xi32>
    %reduce_min3A_348 = arith.constant dense<2147483647> : vector<256xi32>
    %reduce_min3A_349 = vector.multi_reduction <minsi>, %select_n3A_347, %reduce_min3A_348 [1] : vector<256x4096xi32> to vector<256xi32>
    %broadcast_in_dim3A_350 = vector.shape_cast %reduce_min3A_349 : vector<256xi32> to vector<256x1xi32>
    %eq3A_351 = arith.constant 1 : i32
    %eq3A_352 = vector.broadcast %eq3A_351 : i32 to vector<256x16xi32>
    %eq3A_353 = arith.cmpi eq, %iota3A_318, %eq3A_352 : vector<256x16xi32>
    %broadcast_in_dim3A_354 = vector.shape_cast %broadcast_in_dim3A_350 : vector<256x1xi32> to vector<256x1xi32>
    %broadcast_in_dim3A_355 = vector.broadcast %broadcast_in_dim3A_354 : vector<256x1xi32> to vector<256x16xi32>
    %select_n3A_356 = arith.select %eq3A_353, %broadcast_in_dim3A_355, %select_n3A_336 : vector<256x16xi1>, vector<256x16xi32>
    %eq3A_357 = arith.constant 1 : i32
    %eq3A_358 = vector.broadcast %eq3A_357 : i32 to vector<256x16xi32>
    %eq3A_359 = arith.cmpi eq, %iota3A_318, %eq3A_358 : vector<256x16xi32>
    %broadcast_in_dim3A_360 = vector.shape_cast %broadcast_in_dim3A_290 : vector<256x1xf32> to vector<256x1xf32>
    %broadcast_in_dim3A_361 = vector.broadcast %broadcast_in_dim3A_360 : vector<256x1xf32> to vector<256x16xf32>
    %select_n3A_362 = arith.select %eq3A_359, %broadcast_in_dim3A_361, %select_n3A_342 : vector<256x16xi1>, vector<256x16xf32>
    %eq3A_363 = vector.broadcast %broadcast_in_dim3A_298 : vector<256x1xf32> to vector<256x4096xf32>
    %eq3A_364 = arith.cmpf oeq, %add3A_16, %eq3A_363 : vector<256x4096xf32>
    %jit3A_365 = arith.constant 4096 : i32
    %broadcast_in_dim3A_366 = vector.broadcast %jit3A_365 : i32 to vector<256x4096xi32>
    %select_n3A_367 = arith.select %eq3A_364, %iota3A, %broadcast_in_dim3A_366 : vector<256x4096xi1>, vector<256x4096xi32>
    %reduce_min3A_368 = arith.constant dense<2147483647> : vector<256xi32>
    %reduce_min3A_369 = vector.multi_reduction <minsi>, %select_n3A_367, %reduce_min3A_368 [1] : vector<256x4096xi32> to vector<256xi32>
    %broadcast_in_dim3A_370 = vector.shape_cast %reduce_min3A_369 : vector<256xi32> to vector<256x1xi32>
    %eq3A_371 = arith.constant 2 : i32
    %eq3A_372 = vector.broadcast %eq3A_371 : i32 to vector<256x16xi32>
    %eq3A_373 = arith.cmpi eq, %iota3A_318, %eq3A_372 : vector<256x16xi32>
    %broadcast_in_dim3A_374 = vector.shape_cast %broadcast_in_dim3A_370 : vector<256x1xi32> to vector<256x1xi32>
    %broadcast_in_dim3A_375 = vector.broadcast %broadcast_in_dim3A_374 : vector<256x1xi32> to vector<256x16xi32>
    %select_n3A_376 = arith.select %eq3A_373, %broadcast_in_dim3A_375, %select_n3A_356 : vector<256x16xi1>, vector<256x16xi32>
    %eq3A_377 = arith.constant 2 : i32
    %eq3A_378 = vector.broadcast %eq3A_377 : i32 to vector<256x16xi32>
    %eq3A_379 = arith.cmpi eq, %iota3A_318, %eq3A_378 : vector<256x16xi32>
    %broadcast_in_dim3A_380 = vector.shape_cast %broadcast_in_dim3A_298 : vector<256x1xf32> to vector<256x1xf32>
    %broadcast_in_dim3A_381 = vector.broadcast %broadcast_in_dim3A_380 : vector<256x1xf32> to vector<256x16xf32>
    %select_n3A_382 = arith.select %eq3A_379, %broadcast_in_dim3A_381, %select_n3A_362 : vector<256x16xi1>, vector<256x16xf32>
    %eq3A_383 = vector.broadcast %broadcast_in_dim3A_305 : vector<256x1xf32> to vector<256x4096xf32>
    %eq3A_384 = arith.cmpf oeq, %add3A_16, %eq3A_383 : vector<256x4096xf32>
    %jit3A_385 = arith.constant 4096 : i32
    %broadcast_in_dim3A_386 = vector.broadcast %jit3A_385 : i32 to vector<256x4096xi32>
    %select_n3A_387 = arith.select %eq3A_384, %iota3A, %broadcast_in_dim3A_386 : vector<256x4096xi1>, vector<256x4096xi32>
    %reduce_min3A_388 = arith.constant dense<2147483647> : vector<256xi32>
    %reduce_min3A_389 = vector.multi_reduction <minsi>, %select_n3A_387, %reduce_min3A_388 [1] : vector<256x4096xi32> to vector<256xi32>
    %broadcast_in_dim3A_390 = vector.shape_cast %reduce_min3A_389 : vector<256xi32> to vector<256x1xi32>
    %eq3A_391 = arith.constant 3 : i32
    %eq3A_392 = vector.broadcast %eq3A_391 : i32 to vector<256x16xi32>
    %eq3A_393 = arith.cmpi eq, %iota3A_318, %eq3A_392 : vector<256x16xi32>
    %broadcast_in_dim3A_394 = vector.shape_cast %broadcast_in_dim3A_390 : vector<256x1xi32> to vector<256x1xi32>
    %broadcast_in_dim3A_395 = vector.broadcast %broadcast_in_dim3A_394 : vector<256x1xi32> to vector<256x16xi32>
    %select_n3A_396 = arith.select %eq3A_393, %broadcast_in_dim3A_395, %select_n3A_376 : vector<256x16xi1>, vector<256x16xi32>
    %eq3A_397 = arith.constant 3 : i32
    %eq3A_398 = vector.broadcast %eq3A_397 : i32 to vector<256x16xi32>
    %eq3A_399 = arith.cmpi eq, %iota3A_318, %eq3A_398 : vector<256x16xi32>
    %broadcast_in_dim3A_400 = vector.shape_cast %broadcast_in_dim3A_305 : vector<256x1xf32> to vector<256x1xf32>
    %broadcast_in_dim3A_401 = vector.broadcast %broadcast_in_dim3A_400 : vector<256x1xf32> to vector<256x16xf32>
    %select_n3A_402 = arith.select %eq3A_399, %broadcast_in_dim3A_401, %select_n3A_382 : vector<256x16xi1>, vector<256x16xf32>
    %eq3A_403 = vector.broadcast %broadcast_in_dim3A_311 : vector<256x1xf32> to vector<256x4096xf32>
    %eq3A_404 = arith.cmpf oeq, %add3A_16, %eq3A_403 : vector<256x4096xf32>
    %jit3A_405 = arith.constant 4096 : i32
    %broadcast_in_dim3A_406 = vector.broadcast %jit3A_405 : i32 to vector<256x4096xi32>
    %select_n3A_407 = arith.select %eq3A_404, %iota3A, %broadcast_in_dim3A_406 : vector<256x4096xi1>, vector<256x4096xi32>
    %reduce_min3A_408 = arith.constant dense<2147483647> : vector<256xi32>
    %reduce_min3A_409 = vector.multi_reduction <minsi>, %select_n3A_407, %reduce_min3A_408 [1] : vector<256x4096xi32> to vector<256xi32>
    %broadcast_in_dim3A_410 = vector.shape_cast %reduce_min3A_409 : vector<256xi32> to vector<256x1xi32>
    %eq3A_411 = arith.constant 4 : i32
    %eq3A_412 = vector.broadcast %eq3A_411 : i32 to vector<256x16xi32>
    %eq3A_413 = arith.cmpi eq, %iota3A_318, %eq3A_412 : vector<256x16xi32>
    %broadcast_in_dim3A_414 = vector.shape_cast %broadcast_in_dim3A_410 : vector<256x1xi32> to vector<256x1xi32>
    %broadcast_in_dim3A_415 = vector.broadcast %broadcast_in_dim3A_414 : vector<256x1xi32> to vector<256x16xi32>
    %select_n3A_416 = arith.select %eq3A_413, %broadcast_in_dim3A_415, %select_n3A_396 : vector<256x16xi1>, vector<256x16xi32>
    %eq3A_417 = arith.constant 4 : i32
    %eq3A_418 = vector.broadcast %eq3A_417 : i32 to vector<256x16xi32>
    %eq3A_419 = arith.cmpi eq, %iota3A_318, %eq3A_418 : vector<256x16xi32>
    %broadcast_in_dim3A_420 = vector.shape_cast %broadcast_in_dim3A_311 : vector<256x1xf32> to vector<256x1xf32>
    %broadcast_in_dim3A_421 = vector.broadcast %broadcast_in_dim3A_420 : vector<256x1xf32> to vector<256x16xf32>
    %select_n3A_422 = arith.select %eq3A_419, %broadcast_in_dim3A_421, %select_n3A_402 : vector<256x16xi1>, vector<256x16xf32>
    %swap3A = arith.constant 0 : index
    %swap3A_423 = arith.constant 0 : index
    %swap3A_424 = vector.load %arg5[%swap3A, %swap3A_423] : memref<256x16xi32, #tpu.memory_space<vmem>>, vector<256x16xi32>
    tpu.vector_store %arg5[%swap3A, %swap3A_423], %select_n3A_416 {strides = array<i32>} : memref<256x16xi32, #tpu.memory_space<vmem>>, vector<256x16xi32>,
    %swap3A_425 = arith.constant 0 : index
    %swap3A_426 = arith.constant 0 : index
    %swap3A_427 = vector.load %arg6[%swap3A_425, %swap3A_426] : memref<256x16xf32, #tpu.memory_space<vmem>>, vector<256x16xf32>
    tpu.vector_store %arg6[%swap3A_425, %swap3A_426], %select_n3A_422 {strides = array<i32>} : memref<256x16xf32, #tpu.memory_space<vmem>>, vector<256x16xf32>,
    %eq3A_428 = arith.constant 0 : i32
    %eq3A_429 = arith.cmpi eq, %arg0, %eq3A_428 : i32
    %convert_element_type3A = arith.extui %eq3A_429 : i1 to i32
    %cond3A = arith.constant 0 : i32
    %cond3A_430 = arith.cmpi ne, %convert_element_type3A, %cond3A : i32
    scf.if %cond3A_430 {
      %swap3A_447 = arith.constant 0 : index
      %swap3A_448 = arith.constant 0 : index
      %swap3A_449 = vector.load %arg3[%swap3A_447, %swap3A_448] : memref<1x4096xf32, #tpu.memory_space<vmem>>, vector<1x4096xf32>
      tpu.vector_store %arg3[%swap3A_447, %swap3A_448], %broadcast_in_dim3A_18 {strides = array<i32>} : memref<1x4096xf32, #tpu.memory_space<vmem>>, vector<1x4096xf32>,
      %broadcast_in_dim3A_450 = arith.constant 0.000000e+00 : f32
      %broadcast_in_dim3A_451 = vector.broadcast %broadcast_in_dim3A_450 : f32 to vector<1x1xf32>
      %swap3A_452 = arith.constant 0 : index
      %swap3A_453 = arith.constant 0 : index
      %swap3A_454 = vector.load %arg4[%swap3A_452, %swap3A_453] : memref<1x1xf32, #tpu.memory_space<vmem>>, vector<1x1xf32>
      tpu.vector_store %arg4[%swap3A_452, %swap3A_453], %broadcast_in_dim3A_451 {strides = array<i32>} : memref<1x1xf32, #tpu.memory_space<vmem>>, vector<1x1xf32>,
    } else {
    }
    %gt3A = arith.constant 0 : i32
    %gt3A_431 = arith.cmpi sgt, %arg0, %gt3A : i32
    %convert_element_type3A_432 = arith.extui %gt3A_431 : i1 to i32
    %cond3A_433 = arith.constant 0 : i32
    %cond3A_434 = arith.cmpi ne, %convert_element_type3A_432, %cond3A_433 : i32
    scf.if %cond3A_434 {
      %get3A_447 = arith.constant 0 : index
      %get3A_448 = arith.constant 0 : index
      %get3A_449 = vector.load %arg3[%get3A_447, %get3A_448] : memref<1x4096xf32, #tpu.memory_space<vmem>>, vector<1x4096xf32>
      %min3A_450 = arith.minimumf %get3A_449, %broadcast_in_dim3A_18 : vector<1x4096xf32>
      %swap3A_451 = arith.constant 0 : index
      %swap3A_452 = arith.constant 0 : index
      %swap3A_453 = vector.load %arg3[%swap3A_451, %swap3A_452] : memref<1x4096xf32, #tpu.memory_space<vmem>>, vector<1x4096xf32>
      tpu.vector_store %arg3[%swap3A_451, %swap3A_452], %min3A_450 {strides = array<i32>} : memref<1x4096xf32, #tpu.memory_space<vmem>>, vector<1x4096xf32>,
    } else {
    }
    %get3A_435 = arith.constant 0 : index
    %get3A_436 = arith.constant 0 : index
    %get3A_437 = vector.load %arg4[%get3A_435, %get3A_436] : memref<1x1xf32, #tpu.memory_space<vmem>>, vector<1x1xf32>
    %add3A_438 = arith.addf %get3A_437, %broadcast_in_dim3A_317 : vector<1x1xf32>
    %swap3A_439 = arith.constant 0 : index
    %swap3A_440 = arith.constant 0 : index
    %swap3A_441 = vector.load %arg4[%swap3A_439, %swap3A_440] : memref<1x1xf32, #tpu.memory_space<vmem>>, vector<1x1xf32>
    tpu.vector_store %arg4[%swap3A_439, %swap3A_440], %add3A_438 {strides = array<i32>} : memref<1x1xf32, #tpu.memory_space<vmem>>, vector<1x1xf32>,
    %eq3A_442 = arith.constant 15 : i32
    %eq3A_443 = arith.cmpi eq, %arg0, %eq3A_442 : i32
    %convert_element_type3A_444 = arith.extui %eq3A_443 : i1 to i32
    %cond3A_445 = arith.constant 0 : i32
    %cond3A_446 = arith.cmpi ne, %convert_element_type3A_444, %cond3A_445 : i32
    scf.if %cond3A_446 {
      %get3A_447 = arith.constant 0 : index
      %get3A_448 = arith.constant 0 : index
      %get3A_449 = vector.load %arg4[%get3A_447, %get3A_448] : memref<1x1xf32, #tpu.memory_space<vmem>>, vector<1x1xf32>
      %get3A_450 = arith.constant 0 : index
      %get3A_451 = arith.constant 0 : index
      %get3A_452 = vector.load %arg3[%get3A_450, %get3A_451] : memref<1x4096xf32, #tpu.memory_space<vmem>>, vector<1x4096xf32>
      %reduce_sum3A_453 = vector.shape_cast %get3A_452 : vector<1x4096xf32> to vector<1x1x4096xf32>
      %reduce_sum3A_454 = arith.constant dense<0.000000e+00> : vector<1xf32>
      %reduce_sum3A_455 = vector.multi_reduction <add>, %reduce_sum3A_453, %reduce_sum3A_454 [1, 2] : vector<1x1x4096xf32> to vector<1xf32>
      %reduce_sum3A_456 = vector.shape_cast %reduce_sum3A_455 : vector<1xf32> to vector<1x1x1xf32>
      %reduce_sum3A_457 = vector.extract %reduce_sum3A_456[0, 0, 0] : f32 from vector<1x1x1xf32>
      %broadcast_in_dim3A_458 = vector.broadcast %reduce_sum3A_457 : f32 to vector<1x1xf32>
      %add3A_459 = arith.addf %get3A_449, %broadcast_in_dim3A_458 : vector<1x1xf32>
      %swap3A_460 = arith.constant 0 : index
      %swap3A_461 = arith.constant 0 : index
      %swap3A_462 = vector.load %arg4[%swap3A_460, %swap3A_461] : memref<1x1xf32, #tpu.memory_space<vmem>>, vector<1x1xf32>
      tpu.vector_store %arg4[%swap3A_460, %swap3A_461], %add3A_459 {strides = array<i32>} : memref<1x1xf32, #tpu.memory_space<vmem>>, vector<1x1xf32>,
    } else {
    }
    return
  }
  func.func @transform_0(%arg0: i32) -> (i32, i32) {
    %c0_i32 = arith.constant 0 : i32
    %c0_i32_0 = arith.constant 0 : i32
    return %arg0, %c0_i32 : i32, i32
  }
  func.func @transform_1(%arg0: i32) -> (i32, i32) {
    %c0_i32 = arith.constant 0 : i32
    %c0_i32_0 = arith.constant 0 : i32
    %c0_i32_1 = arith.constant 0 : i32
    return %c0_i32, %c0_i32_0 : i32, i32
  }
  func.func @transform_2(%arg0: i32) -> (i32, i32) {
    %c0_i32 = arith.constant 0 : i32
    %c0_i32_0 = arith.constant 0 : i32
    %c0_i32_1 = arith.constant 0 : i32
    return %c0_i32, %c0_i32_0 : i32, i32
  }
  func.func @transform_3(%arg0: i32) -> (i32, i32) {
    %c0_i32 = arith.constant 0 : i32
    %c0_i32_0 = arith.constant 0 : i32
    %c0_i32_1 = arith.constant 0 : i32
    return %c0_i32, %c0_i32_0 : i32, i32
  }
  func.func @transform_4(%arg0: i32) -> (i32, i32) {
    %c0_i32 = arith.constant 0 : i32
    %c0_i32_0 = arith.constant 0 : i32
    return %arg0, %c0_i32 : i32, i32
  }
  func.func @transform_5(%arg0: i32) -> (i32, i32) {
    %c0_i32 = arith.constant 0 : i32
    %c0_i32_0 = arith.constant 0 : i32
    return %arg0, %c0_i32 : i32, i32
  }
}

module attributes {stable_mosaic.version = 14 : i64} {
  func.func @_self2_body(%arg0: i32, %arg1: memref<256x3xf32, #tpu.memory_space<vmem>>, %arg2: memref<3x4096xf32, #tpu.memory_space<vmem>>, %arg3: memref<4096x3xf32, #tpu.memory_space<vmem>>, %arg4: memref<256x3xf32, #tpu.memory_space<vmem>>, %arg5: memref<3x4096xf32, #tpu.memory_space<vmem>>, %arg6: memref<256x3xf32, #tpu.memory_space<vmem>>, %arg7: memref<256x3xf32, #tpu.memory_space<vmem>>, %arg8: memref<1x1xf32, #tpu.memory_space<vmem>>) attributes {dimension_semantics = [#tpu.dimension_semantics<arbitrary>], iteration_bounds = array<i64: 16>, scalar_prefetch = 0 : i64, scratch_operands = 0 : i64, tpu.core_type = #tpu.core_type<tc>, window_params = [{transform_indices = @transform_0, window_bounds = array<i64: 256, 3>}, {pipeline_mode = #tpu.pipeline_mode<synchronous>, transform_indices = @transform_1, window_bounds = array<i64: 3, 4096>}, {pipeline_mode = #tpu.pipeline_mode<synchronous>, transform_indices = @transform_2, window_bounds = array<i64: 4096, 3>}, {transform_indices = @transform_3, window_bounds = array<i64: 256, 3>}, {pipeline_mode = #tpu.pipeline_mode<synchronous>, transform_indices = @transform_4, window_bounds = array<i64: 3, 4096>}, {transform_indices = @transform_5, window_bounds = array<i64: 256, 3>}, {transform_indices = @transform_6, window_bounds = array<i64: 256, 3>}, {pipeline_mode = #tpu.pipeline_mode<synchronous>, transform_indices = @transform_7, window_bounds = array<i64: 1, 1>}]} {
    %get3A = arith.constant 0 : index
    %get3A_0 = arith.constant 0 : index
    %get3A_1 = vector.load %arg1[%get3A, %get3A_0] : memref<256x3xf32, #tpu.memory_space<vmem>>, vector<256x3xf32>
    %get3A_2 = arith.constant 0 : index
    %get3A_3 = arith.constant 0 : index
    %get3A_4 = vector.load %arg2[%get3A_2, %get3A_3] : memref<3x4096xf32, #tpu.memory_space<vmem>>, vector<3x4096xf32>
    %dot_general3A = arith.constant dense<0.000000e+00> : vector<256x4096xf32>
    %dot_general3A_5 = tpu.matmul %get3A_1, %get3A_4, %dot_general3A {dimension_numbers = #tpu.dot_dimension_numbers<[1], [0], [0], [1], [0, 0, 1, 1], [], []>, transpose_lhs_hint = false} : vector<256x3xf32>, vector<3x4096xf32>, vector<256x4096xf32> -> vector<256x4096xf32>
    %mul3A = arith.mulf %get3A_1, %get3A_1 : vector<256x3xf32>
    %reduce_sum3A = arith.constant dense<0.000000e+00> : vector<256xf32>
    %reduce_sum3A_6 = vector.multi_reduction <add>, %mul3A, %reduce_sum3A [1] : vector<256x3xf32> to vector<256xf32>
    %broadcast_in_dim3A = vector.shape_cast %reduce_sum3A_6 : vector<256xf32> to vector<256x1xf32>
    %mul3A_7 = arith.mulf %get3A_4, %get3A_4 : vector<3x4096xf32>
    %reduce_sum3A_8 = arith.constant dense<0.000000e+00> : vector<4096xf32>
    %reduce_sum3A_9 = vector.multi_reduction <add>, %mul3A_7, %reduce_sum3A_8 [0] : vector<3x4096xf32> to vector<4096xf32>
    %broadcast_in_dim3A_10 = vector.shape_cast %reduce_sum3A_9 : vector<4096xf32> to vector<1x4096xf32>
    %mul3A_11 = arith.constant -2.000000e+00 : f32
    %mul3A_12 = vector.broadcast %mul3A_11 : f32 to vector<256x4096xf32>
    %mul3A_13 = arith.mulf %mul3A_12, %dot_general3A_5 : vector<256x4096xf32>
    %add3A = vector.broadcast %broadcast_in_dim3A : vector<256x1xf32> to vector<256x4096xf32>
    %add3A_14 = arith.addf %mul3A_13, %add3A : vector<256x4096xf32>
    %add3A_15 = vector.broadcast %broadcast_in_dim3A_10 : vector<1x4096xf32> to vector<256x4096xf32>
    %add3A_16 = arith.addf %add3A_14, %add3A_15 : vector<256x4096xf32>
    %broadcast_in_dim3A_17 = arith.constant 0x7F800000 : f32
    %broadcast_in_dim3A_18 = vector.broadcast %broadcast_in_dim3A_17 : f32 to vector<256x128xf32>
    %broadcast_in_dim3A_19 = arith.constant 0x7F800000 : f32
    %broadcast_in_dim3A_20 = vector.broadcast %broadcast_in_dim3A_19 : f32 to vector<256x128xf32>
    %broadcast_in_dim3A_21 = arith.constant 0x7F800000 : f32
    %broadcast_in_dim3A_22 = vector.broadcast %broadcast_in_dim3A_21 : f32 to vector<256x128xf32>
    %broadcast_in_dim3A_23 = arith.constant 0x7F800000 : f32
    %broadcast_in_dim3A_24 = vector.broadcast %broadcast_in_dim3A_23 : f32 to vector<256x128xf32>
    %slice3A = vector.extract_strided_slice %add3A_16 {offsets = [0, 0], sizes = [256, 128], strides = [1, 1]} : vector<256x4096xf32> to vector<256x128xf32>
    %min3A = arith.minimumf %broadcast_in_dim3A_18, %slice3A : vector<256x128xf32>
    %max3A = arith.maximumf %broadcast_in_dim3A_18, %slice3A : vector<256x128xf32>
    %min3A_25 = arith.minimumf %broadcast_in_dim3A_20, %max3A : vector<256x128xf32>
    %max3A_26 = arith.maximumf %broadcast_in_dim3A_20, %max3A : vector<256x128xf32>
    %min3A_27 = arith.minimumf %broadcast_in_dim3A_22, %max3A_26 : vector<256x128xf32>
    %max3A_28 = arith.maximumf %broadcast_in_dim3A_22, %max3A_26 : vector<256x128xf32>
    %min3A_29 = arith.minimumf %broadcast_in_dim3A_24, %max3A_28 : vector<256x128xf32>
    %slice3A_30 = vector.extract_strided_slice %add3A_16 {offsets = [0, 128], sizes = [256, 128], strides = [1, 1]} : vector<256x4096xf32> to vector<256x128xf32>
    %min3A_31 = arith.minimumf %min3A, %slice3A_30 : vector<256x128xf32>
    %max3A_32 = arith.maximumf %min3A, %slice3A_30 : vector<256x128xf32>
    %min3A_33 = arith.minimumf %min3A_25, %max3A_32 : vector<256x128xf32>
    %max3A_34 = arith.maximumf %min3A_25, %max3A_32 : vector<256x128xf32>
    %min3A_35 = arith.minimumf %min3A_27, %max3A_34 : vector<256x128xf32>
    %max3A_36 = arith.maximumf %min3A_27, %max3A_34 : vector<256x128xf32>
    %min3A_37 = arith.minimumf %min3A_29, %max3A_36 : vector<256x128xf32>
    %slice3A_38 = vector.extract_strided_slice %add3A_16 {offsets = [0, 256], sizes = [256, 128], strides = [1, 1]} : vector<256x4096xf32> to vector<256x128xf32>
    %min3A_39 = arith.minimumf %min3A_31, %slice3A_38 : vector<256x128xf32>
    %max3A_40 = arith.maximumf %min3A_31, %slice3A_38 : vector<256x128xf32>
    %min3A_41 = arith.minimumf %min3A_33, %max3A_40 : vector<256x128xf32>
    %max3A_42 = arith.maximumf %min3A_33, %max3A_40 : vector<256x128xf32>
    %min3A_43 = arith.minimumf %min3A_35, %max3A_42 : vector<256x128xf32>
    %max3A_44 = arith.maximumf %min3A_35, %max3A_42 : vector<256x128xf32>
    %min3A_45 = arith.minimumf %min3A_37, %max3A_44 : vector<256x128xf32>
    %slice3A_46 = vector.extract_strided_slice %add3A_16 {offsets = [0, 384], sizes = [256, 128], strides = [1, 1]} : vector<256x4096xf32> to vector<256x128xf32>
    %min3A_47 = arith.minimumf %min3A_39, %slice3A_46 : vector<256x128xf32>
    %max3A_48 = arith.maximumf %min3A_39, %slice3A_46 : vector<256x128xf32>
    %min3A_49 = arith.minimumf %min3A_41, %max3A_48 : vector<256x128xf32>
    %max3A_50 = arith.maximumf %min3A_41, %max3A_48 : vector<256x128xf32>
    %min3A_51 = arith.minimumf %min3A_43, %max3A_50 : vector<256x128xf32>
    %max3A_52 = arith.maximumf %min3A_43, %max3A_50 : vector<256x128xf32>
    %min3A_53 = arith.minimumf %min3A_45, %max3A_52 : vector<256x128xf32>
    %slice3A_54 = vector.extract_strided_slice %add3A_16 {offsets = [0, 512], sizes = [256, 128], strides = [1, 1]} : vector<256x4096xf32> to vector<256x128xf32>
    %min3A_55 = arith.minimumf %min3A_47, %slice3A_54 : vector<256x128xf32>
    %max3A_56 = arith.maximumf %min3A_47, %slice3A_54 : vector<256x128xf32>
    %min3A_57 = arith.minimumf %min3A_49, %max3A_56 : vector<256x128xf32>
    %max3A_58 = arith.maximumf %min3A_49, %max3A_56 : vector<256x128xf32>
    %min3A_59 = arith.minimumf %min3A_51, %max3A_58 : vector<256x128xf32>
    %max3A_60 = arith.maximumf %min3A_51, %max3A_58 : vector<256x128xf32>
    %min3A_61 = arith.minimumf %min3A_53, %max3A_60 : vector<256x128xf32>
    %slice3A_62 = vector.extract_strided_slice %add3A_16 {offsets = [0, 640], sizes = [256, 128], strides = [1, 1]} : vector<256x4096xf32> to vector<256x128xf32>
    %min3A_63 = arith.minimumf %min3A_55, %slice3A_62 : vector<256x128xf32>
    %max3A_64 = arith.maximumf %min3A_55, %slice3A_62 : vector<256x128xf32>
    %min3A_65 = arith.minimumf %min3A_57, %max3A_64 : vector<256x128xf32>
    %max3A_66 = arith.maximumf %min3A_57, %max3A_64 : vector<256x128xf32>
    %min3A_67 = arith.minimumf %min3A_59, %max3A_66 : vector<256x128xf32>
    %max3A_68 = arith.maximumf %min3A_59, %max3A_66 : vector<256x128xf32>
    %min3A_69 = arith.minimumf %min3A_61, %max3A_68 : vector<256x128xf32>
    %slice3A_70 = vector.extract_strided_slice %add3A_16 {offsets = [0, 768], sizes = [256, 128], strides = [1, 1]} : vector<256x4096xf32> to vector<256x128xf32>
    %min3A_71 = arith.minimumf %min3A_63, %slice3A_70 : vector<256x128xf32>
    %max3A_72 = arith.maximumf %min3A_63, %slice3A_70 : vector<256x128xf32>
    %min3A_73 = arith.minimumf %min3A_65, %max3A_72 : vector<256x128xf32>
    %max3A_74 = arith.maximumf %min3A_65, %max3A_72 : vector<256x128xf32>
    %min3A_75 = arith.minimumf %min3A_67, %max3A_74 : vector<256x128xf32>
    %max3A_76 = arith.maximumf %min3A_67, %max3A_74 : vector<256x128xf32>
    %min3A_77 = arith.minimumf %min3A_69, %max3A_76 : vector<256x128xf32>
    %slice3A_78 = vector.extract_strided_slice %add3A_16 {offsets = [0, 896], sizes = [256, 128], strides = [1, 1]} : vector<256x4096xf32> to vector<256x128xf32>
    %min3A_79 = arith.minimumf %min3A_71, %slice3A_78 : vector<256x128xf32>
    %max3A_80 = arith.maximumf %min3A_71, %slice3A_78 : vector<256x128xf32>
    %min3A_81 = arith.minimumf %min3A_73, %max3A_80 : vector<256x128xf32>
    %max3A_82 = arith.maximumf %min3A_73, %max3A_80 : vector<256x128xf32>
    %min3A_83 = arith.minimumf %min3A_75, %max3A_82 : vector<256x128xf32>
    %max3A_84 = arith.maximumf %min3A_75, %max3A_82 : vector<256x128xf32>
    %min3A_85 = arith.minimumf %min3A_77, %max3A_84 : vector<256x128xf32>
    %slice3A_86 = vector.extract_strided_slice %add3A_16 {offsets = [0, 1024], sizes = [256, 128], strides = [1, 1]} : vector<256x4096xf32> to vector<256x128xf32>
    %min3A_87 = arith.minimumf %min3A_79, %slice3A_86 : vector<256x128xf32>
    %max3A_88 = arith.maximumf %min3A_79, %slice3A_86 : vector<256x128xf32>
    %min3A_89 = arith.minimumf %min3A_81, %max3A_88 : vector<256x128xf32>
    %max3A_90 = arith.maximumf %min3A_81, %max3A_88 : vector<256x128xf32>
    %min3A_91 = arith.minimumf %min3A_83, %max3A_90 : vector<256x128xf32>
    %max3A_92 = arith.maximumf %min3A_83, %max3A_90 : vector<256x128xf32>
    %min3A_93 = arith.minimumf %min3A_85, %max3A_92 : vector<256x128xf32>
    %slice3A_94 = vector.extract_strided_slice %add3A_16 {offsets = [0, 1152], sizes = [256, 128], strides = [1, 1]} : vector<256x4096xf32> to vector<256x128xf32>
    %min3A_95 = arith.minimumf %min3A_87, %slice3A_94 : vector<256x128xf32>
    %max3A_96 = arith.maximumf %min3A_87, %slice3A_94 : vector<256x128xf32>
    %min3A_97 = arith.minimumf %min3A_89, %max3A_96 : vector<256x128xf32>
    %max3A_98 = arith.maximumf %min3A_89, %max3A_96 : vector<256x128xf32>
    %min3A_99 = arith.minimumf %min3A_91, %max3A_98 : vector<256x128xf32>
    %max3A_100 = arith.maximumf %min3A_91, %max3A_98 : vector<256x128xf32>
    %min3A_101 = arith.minimumf %min3A_93, %max3A_100 : vector<256x128xf32>
    %slice3A_102 = vector.extract_strided_slice %add3A_16 {offsets = [0, 1280], sizes = [256, 128], strides = [1, 1]} : vector<256x4096xf32> to vector<256x128xf32>
    %min3A_103 = arith.minimumf %min3A_95, %slice3A_102 : vector<256x128xf32>
    %max3A_104 = arith.maximumf %min3A_95, %slice3A_102 : vector<256x128xf32>
    %min3A_105 = arith.minimumf %min3A_97, %max3A_104 : vector<256x128xf32>
    %max3A_106 = arith.maximumf %min3A_97, %max3A_104 : vector<256x128xf32>
    %min3A_107 = arith.minimumf %min3A_99, %max3A_106 : vector<256x128xf32>
    %max3A_108 = arith.maximumf %min3A_99, %max3A_106 : vector<256x128xf32>
    %min3A_109 = arith.minimumf %min3A_101, %max3A_108 : vector<256x128xf32>
    %slice3A_110 = vector.extract_strided_slice %add3A_16 {offsets = [0, 1408], sizes = [256, 128], strides = [1, 1]} : vector<256x4096xf32> to vector<256x128xf32>
    %min3A_111 = arith.minimumf %min3A_103, %slice3A_110 : vector<256x128xf32>
    %max3A_112 = arith.maximumf %min3A_103, %slice3A_110 : vector<256x128xf32>
    %min3A_113 = arith.minimumf %min3A_105, %max3A_112 : vector<256x128xf32>
    %max3A_114 = arith.maximumf %min3A_105, %max3A_112 : vector<256x128xf32>
    %min3A_115 = arith.minimumf %min3A_107, %max3A_114 : vector<256x128xf32>
    %max3A_116 = arith.maximumf %min3A_107, %max3A_114 : vector<256x128xf32>
    %min3A_117 = arith.minimumf %min3A_109, %max3A_116 : vector<256x128xf32>
    %slice3A_118 = vector.extract_strided_slice %add3A_16 {offsets = [0, 1536], sizes = [256, 128], strides = [1, 1]} : vector<256x4096xf32> to vector<256x128xf32>
    %min3A_119 = arith.minimumf %min3A_111, %slice3A_118 : vector<256x128xf32>
    %max3A_120 = arith.maximumf %min3A_111, %slice3A_118 : vector<256x128xf32>
    %min3A_121 = arith.minimumf %min3A_113, %max3A_120 : vector<256x128xf32>
    %max3A_122 = arith.maximumf %min3A_113, %max3A_120 : vector<256x128xf32>
    %min3A_123 = arith.minimumf %min3A_115, %max3A_122 : vector<256x128xf32>
    %max3A_124 = arith.maximumf %min3A_115, %max3A_122 : vector<256x128xf32>
    %min3A_125 = arith.minimumf %min3A_117, %max3A_124 : vector<256x128xf32>
    %slice3A_126 = vector.extract_strided_slice %add3A_16 {offsets = [0, 1664], sizes = [256, 128], strides = [1, 1]} : vector<256x4096xf32> to vector<256x128xf32>
    %min3A_127 = arith.minimumf %min3A_119, %slice3A_126 : vector<256x128xf32>
    %max3A_128 = arith.maximumf %min3A_119, %slice3A_126 : vector<256x128xf32>
    %min3A_129 = arith.minimumf %min3A_121, %max3A_128 : vector<256x128xf32>
    %max3A_130 = arith.maximumf %min3A_121, %max3A_128 : vector<256x128xf32>
    %min3A_131 = arith.minimumf %min3A_123, %max3A_130 : vector<256x128xf32>
    %max3A_132 = arith.maximumf %min3A_123, %max3A_130 : vector<256x128xf32>
    %min3A_133 = arith.minimumf %min3A_125, %max3A_132 : vector<256x128xf32>
    %slice3A_134 = vector.extract_strided_slice %add3A_16 {offsets = [0, 1792], sizes = [256, 128], strides = [1, 1]} : vector<256x4096xf32> to vector<256x128xf32>
    %min3A_135 = arith.minimumf %min3A_127, %slice3A_134 : vector<256x128xf32>
    %max3A_136 = arith.maximumf %min3A_127, %slice3A_134 : vector<256x128xf32>
    %min3A_137 = arith.minimumf %min3A_129, %max3A_136 : vector<256x128xf32>
    %max3A_138 = arith.maximumf %min3A_129, %max3A_136 : vector<256x128xf32>
    %min3A_139 = arith.minimumf %min3A_131, %max3A_138 : vector<256x128xf32>
    %max3A_140 = arith.maximumf %min3A_131, %max3A_138 : vector<256x128xf32>
    %min3A_141 = arith.minimumf %min3A_133, %max3A_140 : vector<256x128xf32>
    %slice3A_142 = vector.extract_strided_slice %add3A_16 {offsets = [0, 1920], sizes = [256, 128], strides = [1, 1]} : vector<256x4096xf32> to vector<256x128xf32>
    %min3A_143 = arith.minimumf %min3A_135, %slice3A_142 : vector<256x128xf32>
    %max3A_144 = arith.maximumf %min3A_135, %slice3A_142 : vector<256x128xf32>
    %min3A_145 = arith.minimumf %min3A_137, %max3A_144 : vector<256x128xf32>
    %max3A_146 = arith.maximumf %min3A_137, %max3A_144 : vector<256x128xf32>
    %min3A_147 = arith.minimumf %min3A_139, %max3A_146 : vector<256x128xf32>
    %max3A_148 = arith.maximumf %min3A_139, %max3A_146 : vector<256x128xf32>
    %min3A_149 = arith.minimumf %min3A_141, %max3A_148 : vector<256x128xf32>
    %slice3A_150 = vector.extract_strided_slice %add3A_16 {offsets = [0, 2048], sizes = [256, 128], strides = [1, 1]} : vector<256x4096xf32> to vector<256x128xf32>
    %min3A_151 = arith.minimumf %min3A_143, %slice3A_150 : vector<256x128xf32>
    %max3A_152 = arith.maximumf %min3A_143, %slice3A_150 : vector<256x128xf32>
    %min3A_153 = arith.minimumf %min3A_145, %max3A_152 : vector<256x128xf32>
    %max3A_154 = arith.maximumf %min3A_145, %max3A_152 : vector<256x128xf32>
    %min3A_155 = arith.minimumf %min3A_147, %max3A_154 : vector<256x128xf32>
    %max3A_156 = arith.maximumf %min3A_147, %max3A_154 : vector<256x128xf32>
    %min3A_157 = arith.minimumf %min3A_149, %max3A_156 : vector<256x128xf32>
    %slice3A_158 = vector.extract_strided_slice %add3A_16 {offsets = [0, 2176], sizes = [256, 128], strides = [1, 1]} : vector<256x4096xf32> to vector<256x128xf32>
    %min3A_159 = arith.minimumf %min3A_151, %slice3A_158 : vector<256x128xf32>
    %max3A_160 = arith.maximumf %min3A_151, %slice3A_158 : vector<256x128xf32>
    %min3A_161 = arith.minimumf %min3A_153, %max3A_160 : vector<256x128xf32>
    %max3A_162 = arith.maximumf %min3A_153, %max3A_160 : vector<256x128xf32>
    %min3A_163 = arith.minimumf %min3A_155, %max3A_162 : vector<256x128xf32>
    %max3A_164 = arith.maximumf %min3A_155, %max3A_162 : vector<256x128xf32>
    %min3A_165 = arith.minimumf %min3A_157, %max3A_164 : vector<256x128xf32>
    %slice3A_166 = vector.extract_strided_slice %add3A_16 {offsets = [0, 2304], sizes = [256, 128], strides = [1, 1]} : vector<256x4096xf32> to vector<256x128xf32>
    %min3A_167 = arith.minimumf %min3A_159, %slice3A_166 : vector<256x128xf32>
    %max3A_168 = arith.maximumf %min3A_159, %slice3A_166 : vector<256x128xf32>
    %min3A_169 = arith.minimumf %min3A_161, %max3A_168 : vector<256x128xf32>
    %max3A_170 = arith.maximumf %min3A_161, %max3A_168 : vector<256x128xf32>
    %min3A_171 = arith.minimumf %min3A_163, %max3A_170 : vector<256x128xf32>
    %max3A_172 = arith.maximumf %min3A_163, %max3A_170 : vector<256x128xf32>
    %min3A_173 = arith.minimumf %min3A_165, %max3A_172 : vector<256x128xf32>
    %slice3A_174 = vector.extract_strided_slice %add3A_16 {offsets = [0, 2432], sizes = [256, 128], strides = [1, 1]} : vector<256x4096xf32> to vector<256x128xf32>
    %min3A_175 = arith.minimumf %min3A_167, %slice3A_174 : vector<256x128xf32>
    %max3A_176 = arith.maximumf %min3A_167, %slice3A_174 : vector<256x128xf32>
    %min3A_177 = arith.minimumf %min3A_169, %max3A_176 : vector<256x128xf32>
    %max3A_178 = arith.maximumf %min3A_169, %max3A_176 : vector<256x128xf32>
    %min3A_179 = arith.minimumf %min3A_171, %max3A_178 : vector<256x128xf32>
    %max3A_180 = arith.maximumf %min3A_171, %max3A_178 : vector<256x128xf32>
    %min3A_181 = arith.minimumf %min3A_173, %max3A_180 : vector<256x128xf32>
    %slice3A_182 = vector.extract_strided_slice %add3A_16 {offsets = [0, 2560], sizes = [256, 128], strides = [1, 1]} : vector<256x4096xf32> to vector<256x128xf32>
    %min3A_183 = arith.minimumf %min3A_175, %slice3A_182 : vector<256x128xf32>
    %max3A_184 = arith.maximumf %min3A_175, %slice3A_182 : vector<256x128xf32>
    %min3A_185 = arith.minimumf %min3A_177, %max3A_184 : vector<256x128xf32>
    %max3A_186 = arith.maximumf %min3A_177, %max3A_184 : vector<256x128xf32>
    %min3A_187 = arith.minimumf %min3A_179, %max3A_186 : vector<256x128xf32>
    %max3A_188 = arith.maximumf %min3A_179, %max3A_186 : vector<256x128xf32>
    %min3A_189 = arith.minimumf %min3A_181, %max3A_188 : vector<256x128xf32>
    %slice3A_190 = vector.extract_strided_slice %add3A_16 {offsets = [0, 2688], sizes = [256, 128], strides = [1, 1]} : vector<256x4096xf32> to vector<256x128xf32>
    %min3A_191 = arith.minimumf %min3A_183, %slice3A_190 : vector<256x128xf32>
    %max3A_192 = arith.maximumf %min3A_183, %slice3A_190 : vector<256x128xf32>
    %min3A_193 = arith.minimumf %min3A_185, %max3A_192 : vector<256x128xf32>
    %max3A_194 = arith.maximumf %min3A_185, %max3A_192 : vector<256x128xf32>
    %min3A_195 = arith.minimumf %min3A_187, %max3A_194 : vector<256x128xf32>
    %max3A_196 = arith.maximumf %min3A_187, %max3A_194 : vector<256x128xf32>
    %min3A_197 = arith.minimumf %min3A_189, %max3A_196 : vector<256x128xf32>
    %slice3A_198 = vector.extract_strided_slice %add3A_16 {offsets = [0, 2816], sizes = [256, 128], strides = [1, 1]} : vector<256x4096xf32> to vector<256x128xf32>
    %min3A_199 = arith.minimumf %min3A_191, %slice3A_198 : vector<256x128xf32>
    %max3A_200 = arith.maximumf %min3A_191, %slice3A_198 : vector<256x128xf32>
    %min3A_201 = arith.minimumf %min3A_193, %max3A_200 : vector<256x128xf32>
    %max3A_202 = arith.maximumf %min3A_193, %max3A_200 : vector<256x128xf32>
    %min3A_203 = arith.minimumf %min3A_195, %max3A_202 : vector<256x128xf32>
    %max3A_204 = arith.maximumf %min3A_195, %max3A_202 : vector<256x128xf32>
    %min3A_205 = arith.minimumf %min3A_197, %max3A_204 : vector<256x128xf32>
    %slice3A_206 = vector.extract_strided_slice %add3A_16 {offsets = [0, 2944], sizes = [256, 128], strides = [1, 1]} : vector<256x4096xf32> to vector<256x128xf32>
    %min3A_207 = arith.minimumf %min3A_199, %slice3A_206 : vector<256x128xf32>
    %max3A_208 = arith.maximumf %min3A_199, %slice3A_206 : vector<256x128xf32>
    %min3A_209 = arith.minimumf %min3A_201, %max3A_208 : vector<256x128xf32>
    %max3A_210 = arith.maximumf %min3A_201, %max3A_208 : vector<256x128xf32>
    %min3A_211 = arith.minimumf %min3A_203, %max3A_210 : vector<256x128xf32>
    %max3A_212 = arith.maximumf %min3A_203, %max3A_210 : vector<256x128xf32>
    %min3A_213 = arith.minimumf %min3A_205, %max3A_212 : vector<256x128xf32>
    %slice3A_214 = vector.extract_strided_slice %add3A_16 {offsets = [0, 3072], sizes = [256, 128], strides = [1, 1]} : vector<256x4096xf32> to vector<256x128xf32>
    %min3A_215 = arith.minimumf %min3A_207, %slice3A_214 : vector<256x128xf32>
    %max3A_216 = arith.maximumf %min3A_207, %slice3A_214 : vector<256x128xf32>
    %min3A_217 = arith.minimumf %min3A_209, %max3A_216 : vector<256x128xf32>
    %max3A_218 = arith.maximumf %min3A_209, %max3A_216 : vector<256x128xf32>
    %min3A_219 = arith.minimumf %min3A_211, %max3A_218 : vector<256x128xf32>
    %max3A_220 = arith.maximumf %min3A_211, %max3A_218 : vector<256x128xf32>
    %min3A_221 = arith.minimumf %min3A_213, %max3A_220 : vector<256x128xf32>
    %slice3A_222 = vector.extract_strided_slice %add3A_16 {offsets = [0, 3200], sizes = [256, 128], strides = [1, 1]} : vector<256x4096xf32> to vector<256x128xf32>
    %min3A_223 = arith.minimumf %min3A_215, %slice3A_222 : vector<256x128xf32>
    %max3A_224 = arith.maximumf %min3A_215, %slice3A_222 : vector<256x128xf32>
    %min3A_225 = arith.minimumf %min3A_217, %max3A_224 : vector<256x128xf32>
    %max3A_226 = arith.maximumf %min3A_217, %max3A_224 : vector<256x128xf32>
    %min3A_227 = arith.minimumf %min3A_219, %max3A_226 : vector<256x128xf32>
    %max3A_228 = arith.maximumf %min3A_219, %max3A_226 : vector<256x128xf32>
    %min3A_229 = arith.minimumf %min3A_221, %max3A_228 : vector<256x128xf32>
    %slice3A_230 = vector.extract_strided_slice %add3A_16 {offsets = [0, 3328], sizes = [256, 128], strides = [1, 1]} : vector<256x4096xf32> to vector<256x128xf32>
    %min3A_231 = arith.minimumf %min3A_223, %slice3A_230 : vector<256x128xf32>
    %max3A_232 = arith.maximumf %min3A_223, %slice3A_230 : vector<256x128xf32>
    %min3A_233 = arith.minimumf %min3A_225, %max3A_232 : vector<256x128xf32>
    %max3A_234 = arith.maximumf %min3A_225, %max3A_232 : vector<256x128xf32>
    %min3A_235 = arith.minimumf %min3A_227, %max3A_234 : vector<256x128xf32>
    %max3A_236 = arith.maximumf %min3A_227, %max3A_234 : vector<256x128xf32>
    %min3A_237 = arith.minimumf %min3A_229, %max3A_236 : vector<256x128xf32>
    %slice3A_238 = vector.extract_strided_slice %add3A_16 {offsets = [0, 3456], sizes = [256, 128], strides = [1, 1]} : vector<256x4096xf32> to vector<256x128xf32>
    %min3A_239 = arith.minimumf %min3A_231, %slice3A_238 : vector<256x128xf32>
    %max3A_240 = arith.maximumf %min3A_231, %slice3A_238 : vector<256x128xf32>
    %min3A_241 = arith.minimumf %min3A_233, %max3A_240 : vector<256x128xf32>
    %max3A_242 = arith.maximumf %min3A_233, %max3A_240 : vector<256x128xf32>
    %min3A_243 = arith.minimumf %min3A_235, %max3A_242 : vector<256x128xf32>
    %max3A_244 = arith.maximumf %min3A_235, %max3A_242 : vector<256x128xf32>
    %min3A_245 = arith.minimumf %min3A_237, %max3A_244 : vector<256x128xf32>
    %slice3A_246 = vector.extract_strided_slice %add3A_16 {offsets = [0, 3584], sizes = [256, 128], strides = [1, 1]} : vector<256x4096xf32> to vector<256x128xf32>
    %min3A_247 = arith.minimumf %min3A_239, %slice3A_246 : vector<256x128xf32>
    %max3A_248 = arith.maximumf %min3A_239, %slice3A_246 : vector<256x128xf32>
    %min3A_249 = arith.minimumf %min3A_241, %max3A_248 : vector<256x128xf32>
    %max3A_250 = arith.maximumf %min3A_241, %max3A_248 : vector<256x128xf32>
    %min3A_251 = arith.minimumf %min3A_243, %max3A_250 : vector<256x128xf32>
    %max3A_252 = arith.maximumf %min3A_243, %max3A_250 : vector<256x128xf32>
    %min3A_253 = arith.minimumf %min3A_245, %max3A_252 : vector<256x128xf32>
    %slice3A_254 = vector.extract_strided_slice %add3A_16 {offsets = [0, 3712], sizes = [256, 128], strides = [1, 1]} : vector<256x4096xf32> to vector<256x128xf32>
    %min3A_255 = arith.minimumf %min3A_247, %slice3A_254 : vector<256x128xf32>
    %max3A_256 = arith.maximumf %min3A_247, %slice3A_254 : vector<256x128xf32>
    %min3A_257 = arith.minimumf %min3A_249, %max3A_256 : vector<256x128xf32>
    %max3A_258 = arith.maximumf %min3A_249, %max3A_256 : vector<256x128xf32>
    %min3A_259 = arith.minimumf %min3A_251, %max3A_258 : vector<256x128xf32>
    %max3A_260 = arith.maximumf %min3A_251, %max3A_258 : vector<256x128xf32>
    %min3A_261 = arith.minimumf %min3A_253, %max3A_260 : vector<256x128xf32>
    %slice3A_262 = vector.extract_strided_slice %add3A_16 {offsets = [0, 3840], sizes = [256, 128], strides = [1, 1]} : vector<256x4096xf32> to vector<256x128xf32>
    %min3A_263 = arith.minimumf %min3A_255, %slice3A_262 : vector<256x128xf32>
    %max3A_264 = arith.maximumf %min3A_255, %slice3A_262 : vector<256x128xf32>
    %min3A_265 = arith.minimumf %min3A_257, %max3A_264 : vector<256x128xf32>
    %max3A_266 = arith.maximumf %min3A_257, %max3A_264 : vector<256x128xf32>
    %min3A_267 = arith.minimumf %min3A_259, %max3A_266 : vector<256x128xf32>
    %max3A_268 = arith.maximumf %min3A_259, %max3A_266 : vector<256x128xf32>
    %min3A_269 = arith.minimumf %min3A_261, %max3A_268 : vector<256x128xf32>
    %slice3A_270 = vector.extract_strided_slice %add3A_16 {offsets = [0, 3968], sizes = [256, 128], strides = [1, 1]} : vector<256x4096xf32> to vector<256x128xf32>
    %min3A_271 = arith.minimumf %min3A_263, %slice3A_270 : vector<256x128xf32>
    %max3A_272 = arith.maximumf %min3A_263, %slice3A_270 : vector<256x128xf32>
    %min3A_273 = arith.minimumf %min3A_265, %max3A_272 : vector<256x128xf32>
    %max3A_274 = arith.maximumf %min3A_265, %max3A_272 : vector<256x128xf32>
    %min3A_275 = arith.minimumf %min3A_267, %max3A_274 : vector<256x128xf32>
    %max3A_276 = arith.maximumf %min3A_267, %max3A_274 : vector<256x128xf32>
    %min3A_277 = arith.minimumf %min3A_269, %max3A_276 : vector<256x128xf32>
    %reduce_min3A = arith.constant dense<0x7F800000> : vector<256xf32>
    %reduce_min3A_278 = vector.multi_reduction <minimumf>, %min3A_271, %reduce_min3A [1] : vector<256x128xf32> to vector<256xf32>
    %broadcast_in_dim3A_279 = vector.shape_cast %reduce_min3A_278 : vector<256xf32> to vector<256x1xf32>
    %eq3A = vector.broadcast %broadcast_in_dim3A_279 : vector<256x1xf32> to vector<256x128xf32>
    %eq3A_280 = arith.cmpf oeq, %min3A_271, %eq3A : vector<256x128xf32>
    %select_n3A = arith.select %eq3A_280, %min3A_273, %min3A_271 : vector<256x128xi1>, vector<256x128xf32>
    %select_n3A_281 = arith.select %eq3A_280, %min3A_275, %min3A_273 : vector<256x128xi1>, vector<256x128xf32>
    %select_n3A_282 = arith.select %eq3A_280, %min3A_277, %min3A_275 : vector<256x128xi1>, vector<256x128xf32>
    %jit3A = arith.constant 0x7F800000 : f32
    %broadcast_in_dim3A_283 = vector.broadcast %jit3A : f32 to vector<256x128xf32>
    %select_n3A_284 = arith.select %eq3A_280, %broadcast_in_dim3A_283, %min3A_277 : vector<256x128xi1>, vector<256x128xf32>
    %reduce_min3A_285 = arith.constant dense<0x7F800000> : vector<256xf32>
    %reduce_min3A_286 = vector.multi_reduction <minimumf>, %select_n3A, %reduce_min3A_285 [1] : vector<256x128xf32> to vector<256xf32>
    %broadcast_in_dim3A_287 = vector.shape_cast %reduce_min3A_286 : vector<256xf32> to vector<256x1xf32>
    %eq3A_288 = vector.broadcast %broadcast_in_dim3A_287 : vector<256x1xf32> to vector<256x128xf32>
    %eq3A_289 = arith.cmpf oeq, %select_n3A, %eq3A_288 : vector<256x128xf32>
    %select_n3A_290 = arith.select %eq3A_289, %select_n3A_281, %select_n3A : vector<256x128xi1>, vector<256x128xf32>
    %select_n3A_291 = arith.select %eq3A_289, %select_n3A_282, %select_n3A_281 : vector<256x128xi1>, vector<256x128xf32>
    %select_n3A_292 = arith.select %eq3A_289, %select_n3A_284, %select_n3A_282 : vector<256x128xi1>, vector<256x128xf32>
    %jit3A_293 = arith.constant 0x7F800000 : f32
    %broadcast_in_dim3A_294 = vector.broadcast %jit3A_293 : f32 to vector<256x128xf32>
    %select_n3A_295 = arith.select %eq3A_289, %broadcast_in_dim3A_294, %select_n3A_284 : vector<256x128xi1>, vector<256x128xf32>
    %reduce_min3A_296 = arith.constant dense<0x7F800000> : vector<256xf32>
    %reduce_min3A_297 = vector.multi_reduction <minimumf>, %select_n3A_290, %reduce_min3A_296 [1] : vector<256x128xf32> to vector<256xf32>
    %broadcast_in_dim3A_298 = vector.shape_cast %reduce_min3A_297 : vector<256xf32> to vector<256x1xf32>
    %eq3A_299 = vector.broadcast %broadcast_in_dim3A_298 : vector<256x1xf32> to vector<256x128xf32>
    %eq3A_300 = arith.cmpf oeq, %select_n3A_290, %eq3A_299 : vector<256x128xf32>
    %select_n3A_301 = arith.select %eq3A_300, %select_n3A_291, %select_n3A_290 : vector<256x128xi1>, vector<256x128xf32>
    %select_n3A_302 = arith.select %eq3A_300, %select_n3A_292, %select_n3A_291 : vector<256x128xi1>, vector<256x128xf32>
    %select_n3A_303 = arith.select %eq3A_300, %select_n3A_295, %select_n3A_292 : vector<256x128xi1>, vector<256x128xf32>
    %jit3A_304 = arith.constant 0x7F800000 : f32
    %broadcast_in_dim3A_305 = vector.broadcast %jit3A_304 : f32 to vector<256x128xf32>
    %select_n3A_306 = arith.select %eq3A_300, %broadcast_in_dim3A_305, %select_n3A_295 : vector<256x128xi1>, vector<256x128xf32>
    %reduce_min3A_307 = arith.constant dense<0x7F800000> : vector<256xf32>
    %reduce_min3A_308 = vector.multi_reduction <minimumf>, %select_n3A_301, %reduce_min3A_307 [1] : vector<256x128xf32> to vector<256xf32>
    %broadcast_in_dim3A_309 = vector.shape_cast %reduce_min3A_308 : vector<256xf32> to vector<256x1xf32>
    %eq3A_310 = vector.broadcast %broadcast_in_dim3A_309 : vector<256x1xf32> to vector<256x128xf32>
    %eq3A_311 = arith.cmpf oeq, %select_n3A_301, %eq3A_310 : vector<256x128xf32>
    %select_n3A_312 = arith.select %eq3A_311, %select_n3A_302, %select_n3A_301 : vector<256x128xi1>, vector<256x128xf32>
    %select_n3A_313 = arith.select %eq3A_311, %select_n3A_303, %select_n3A_302 : vector<256x128xi1>, vector<256x128xf32>
    %select_n3A_314 = arith.select %eq3A_311, %select_n3A_306, %select_n3A_303 : vector<256x128xi1>, vector<256x128xf32>
    %jit3A_315 = arith.constant 0x7F800000 : f32
    %broadcast_in_dim3A_316 = vector.broadcast %jit3A_315 : f32 to vector<256x128xf32>
    %select_n3A_317 = arith.select %eq3A_311, %broadcast_in_dim3A_316, %select_n3A_306 : vector<256x128xi1>, vector<256x128xf32>
    %reduce_min3A_318 = arith.constant dense<0x7F800000> : vector<256xf32>
    %reduce_min3A_319 = vector.multi_reduction <minimumf>, %select_n3A_312, %reduce_min3A_318 [1] : vector<256x128xf32> to vector<256xf32>
    %broadcast_in_dim3A_320 = vector.shape_cast %reduce_min3A_319 : vector<256xf32> to vector<256x1xf32>
    %eq3A_321 = vector.broadcast %broadcast_in_dim3A_320 : vector<256x1xf32> to vector<256x128xf32>
    %eq3A_322 = arith.cmpf oeq, %select_n3A_312, %eq3A_321 : vector<256x128xf32>
    %select_n3A_323 = arith.select %eq3A_322, %select_n3A_313, %select_n3A_312 : vector<256x128xi1>, vector<256x128xf32>
    %select_n3A_324 = arith.select %eq3A_322, %select_n3A_314, %select_n3A_313 : vector<256x128xi1>, vector<256x128xf32>
    %select_n3A_325 = arith.select %eq3A_322, %select_n3A_317, %select_n3A_314 : vector<256x128xi1>, vector<256x128xf32>
    %jit3A_326 = arith.constant 0x7F800000 : f32
    %broadcast_in_dim3A_327 = vector.broadcast %jit3A_326 : f32 to vector<256x128xf32>
    %select_n3A_328 = arith.select %eq3A_322, %broadcast_in_dim3A_327, %select_n3A_317 : vector<256x128xi1>, vector<256x128xf32>
    %reduce_min3A_329 = arith.constant dense<0x7F800000> : vector<256xf32>
    %reduce_min3A_330 = vector.multi_reduction <minimumf>, %select_n3A_323, %reduce_min3A_329 [1] : vector<256x128xf32> to vector<256xf32>
    %broadcast_in_dim3A_331 = vector.shape_cast %reduce_min3A_330 : vector<256xf32> to vector<256x1xf32>
    %eq3A_332 = vector.broadcast %broadcast_in_dim3A_331 : vector<256x1xf32> to vector<256x128xf32>
    %eq3A_333 = arith.cmpf oeq, %select_n3A_323, %eq3A_332 : vector<256x128xf32>
    %select_n3A_334 = arith.select %eq3A_333, %select_n3A_324, %select_n3A_323 : vector<256x128xi1>, vector<256x128xf32>
    %select_n3A_335 = arith.select %eq3A_333, %select_n3A_325, %select_n3A_324 : vector<256x128xi1>, vector<256x128xf32>
    %select_n3A_336 = arith.select %eq3A_333, %select_n3A_328, %select_n3A_325 : vector<256x128xi1>, vector<256x128xf32>
    %jit3A_337 = arith.constant 0x7F800000 : f32
    %broadcast_in_dim3A_338 = vector.broadcast %jit3A_337 : f32 to vector<256x128xf32>
    %select_n3A_339 = arith.select %eq3A_333, %broadcast_in_dim3A_338, %select_n3A_328 : vector<256x128xi1>, vector<256x128xf32>
    %reduce_min3A_340 = arith.constant dense<0x7F800000> : vector<256xf32>
    %reduce_min3A_341 = vector.multi_reduction <minimumf>, %select_n3A_334, %reduce_min3A_340 [1] : vector<256x128xf32> to vector<256xf32>
    %broadcast_in_dim3A_342 = vector.shape_cast %reduce_min3A_341 : vector<256xf32> to vector<256x1xf32>
    %eq3A_343 = vector.broadcast %broadcast_in_dim3A_342 : vector<256x1xf32> to vector<256x128xf32>
    %eq3A_344 = arith.cmpf oeq, %select_n3A_334, %eq3A_343 : vector<256x128xf32>
    %select_n3A_345 = arith.select %eq3A_344, %select_n3A_335, %select_n3A_334 : vector<256x128xi1>, vector<256x128xf32>
    %select_n3A_346 = arith.select %eq3A_344, %select_n3A_336, %select_n3A_335 : vector<256x128xi1>, vector<256x128xf32>
    %select_n3A_347 = arith.select %eq3A_344, %select_n3A_339, %select_n3A_336 : vector<256x128xi1>, vector<256x128xf32>
    %reduce_min3A_348 = arith.constant dense<0x7F800000> : vector<256xf32>
    %reduce_min3A_349 = vector.multi_reduction <minimumf>, %select_n3A_345, %reduce_min3A_348 [1] : vector<256x128xf32> to vector<256xf32>
    %broadcast_in_dim3A_350 = vector.shape_cast %reduce_min3A_349 : vector<256xf32> to vector<256x1xf32>
    %eq3A_351 = vector.broadcast %broadcast_in_dim3A_350 : vector<256x1xf32> to vector<256x128xf32>
    %eq3A_352 = arith.cmpf oeq, %select_n3A_345, %eq3A_351 : vector<256x128xf32>
    %select_n3A_353 = arith.select %eq3A_352, %select_n3A_346, %select_n3A_345 : vector<256x128xi1>, vector<256x128xf32>
    %select_n3A_354 = arith.select %eq3A_352, %select_n3A_347, %select_n3A_346 : vector<256x128xi1>, vector<256x128xf32>
    %reduce_min3A_355 = arith.constant dense<0x7F800000> : vector<256xf32>
    %reduce_min3A_356 = vector.multi_reduction <minimumf>, %select_n3A_353, %reduce_min3A_355 [1] : vector<256x128xf32> to vector<256xf32>
    %broadcast_in_dim3A_357 = vector.shape_cast %reduce_min3A_356 : vector<256xf32> to vector<256x1xf32>
    %eq3A_358 = vector.broadcast %broadcast_in_dim3A_357 : vector<256x1xf32> to vector<256x128xf32>
    %eq3A_359 = arith.cmpf oeq, %select_n3A_353, %eq3A_358 : vector<256x128xf32>
    %select_n3A_360 = arith.select %eq3A_359, %select_n3A_354, %select_n3A_353 : vector<256x128xi1>, vector<256x128xf32>
    %reduce_min3A_361 = arith.constant dense<0x7F800000> : vector<256xf32>
    %reduce_min3A_362 = vector.multi_reduction <minimumf>, %select_n3A_360, %reduce_min3A_361 [1] : vector<256x128xf32> to vector<256xf32>
    %broadcast_in_dim3A_363 = vector.shape_cast %reduce_min3A_362 : vector<256xf32> to vector<256x1xf32>
    %le3A = vector.broadcast %broadcast_in_dim3A_357 : vector<256x1xf32> to vector<256x4096xf32>
    %le3A_364 = arith.cmpf ole, %add3A_16, %le3A : vector<256x4096xf32>
    %get3A_365 = arith.constant 0 : index
    %get3A_366 = arith.constant 0 : index
    %get3A_367 = vector.load %arg6[%get3A_365, %get3A_366] : memref<256x3xf32, #tpu.memory_space<vmem>>, vector<256x3xf32>
    %get3A_368 = arith.constant 0 : index
    %get3A_369 = arith.constant 0 : index
    %get3A_370 = vector.load %arg5[%get3A_368, %get3A_369] : memref<3x4096xf32, #tpu.memory_space<vmem>>, vector<3x4096xf32>
    %dot_general3A_371 = arith.constant dense<0.000000e+00> : vector<256x4096xf32>
    %dot_general3A_372 = tpu.matmul %get3A_367, %get3A_370, %dot_general3A_371 {dimension_numbers = #tpu.dot_dimension_numbers<[1], [0], [0], [1], [0, 0, 1, 1], [], []>, transpose_lhs_hint = false} : vector<256x3xf32>, vector<3x4096xf32>, vector<256x4096xf32> -> vector<256x4096xf32>
    %mul3A_373 = arith.mulf %get3A_367, %get3A_367 : vector<256x3xf32>
    %reduce_sum3A_374 = arith.constant dense<0.000000e+00> : vector<256xf32>
    %reduce_sum3A_375 = vector.multi_reduction <add>, %mul3A_373, %reduce_sum3A_374 [1] : vector<256x3xf32> to vector<256xf32>
    %broadcast_in_dim3A_376 = vector.shape_cast %reduce_sum3A_375 : vector<256xf32> to vector<256x1xf32>
    %mul3A_377 = arith.mulf %get3A_370, %get3A_370 : vector<3x4096xf32>
    %reduce_sum3A_378 = arith.constant dense<0.000000e+00> : vector<4096xf32>
    %reduce_sum3A_379 = vector.multi_reduction <add>, %mul3A_377, %reduce_sum3A_378 [0] : vector<3x4096xf32> to vector<4096xf32>
    %broadcast_in_dim3A_380 = vector.shape_cast %reduce_sum3A_379 : vector<4096xf32> to vector<1x4096xf32>
    %mul3A_381 = arith.constant -2.000000e+00 : f32
    %mul3A_382 = vector.broadcast %mul3A_381 : f32 to vector<256x4096xf32>
    %mul3A_383 = arith.mulf %mul3A_382, %dot_general3A_372 : vector<256x4096xf32>
    %add3A_384 = vector.broadcast %broadcast_in_dim3A_376 : vector<256x1xf32> to vector<256x4096xf32>
    %add3A_385 = arith.addf %mul3A_383, %add3A_384 : vector<256x4096xf32>
    %add3A_386 = vector.broadcast %broadcast_in_dim3A_380 : vector<1x4096xf32> to vector<256x4096xf32>
    %add3A_387 = arith.addf %add3A_385, %add3A_386 : vector<256x4096xf32>
    %max3A_388 = arith.constant 0.000000e+00 : f32
    %max3A_389 = vector.broadcast %max3A_388 : f32 to vector<256x4096xf32>
    %max3A_390 = arith.maximumf %add3A_387, %max3A_389 : vector<256x4096xf32>
    %sqrt3A = math.sqrt %max3A_390 : vector<256x4096xf32>
    %jit3A_391 = arith.constant 0.000000e+00 : f32
    %broadcast_in_dim3A_392 = vector.broadcast %jit3A_391 : f32 to vector<256x4096xf32>
    %select_n3A_393 = arith.select %le3A_364, %sqrt3A, %broadcast_in_dim3A_392 : vector<256x4096xi1>, vector<256x4096xf32>
    %reduce_sum3A_394 = vector.shape_cast %select_n3A_393 : vector<256x4096xf32> to vector<1x256x4096xf32>
    %reduce_sum3A_395 = arith.constant dense<0.000000e+00> : vector<1xf32>
    %reduce_sum3A_396 = vector.multi_reduction <add>, %reduce_sum3A_394, %reduce_sum3A_395 [1, 2] : vector<1x256x4096xf32> to vector<1xf32>
    %reduce_sum3A_397 = vector.shape_cast %reduce_sum3A_396 : vector<1xf32> to vector<1x1x1xf32>
    %reduce_sum3A_398 = vector.extract %reduce_sum3A_397[0, 0, 0] : f32 from vector<1x1x1xf32>
    %broadcast_in_dim3A_399 = vector.broadcast %reduce_sum3A_398 : f32 to vector<1x1xf32>
    %le3A_400 = vector.broadcast %broadcast_in_dim3A_363 : vector<256x1xf32> to vector<256x4096xf32>
    %le3A_401 = arith.cmpf ole, %add3A_16, %le3A_400 : vector<256x4096xf32>
    %convert_element_type3A = arith.extui %le3A_401 : vector<256x4096xi1> to vector<256x4096xi32>
    %convert_element_type3A_402 = arith.sitofp %convert_element_type3A : vector<256x4096xi32> to vector<256x4096xf32>
    %get3A_403 = arith.constant 0 : index
    %get3A_404 = arith.constant 0 : index
    %get3A_405 = vector.load %arg3[%get3A_403, %get3A_404] : memref<4096x3xf32, #tpu.memory_space<vmem>>, vector<4096x3xf32>
    %dot_general3A_406 = arith.constant dense<0.000000e+00> : vector<256x3xf32>
    %dot_general3A_407 = tpu.matmul %convert_element_type3A_402, %get3A_405, %dot_general3A_406 {dimension_numbers = #tpu.dot_dimension_numbers<[1], [0], [0], [1], [0, 0, 1, 1], [], []>, transpose_lhs_hint = false} : vector<256x4096xf32>, vector<4096x3xf32>, vector<256x3xf32> -> vector<256x3xf32>
    %get3A_408 = arith.constant 0 : index
    %get3A_409 = arith.constant 0 : index
    %get3A_410 = vector.load %arg4[%get3A_408, %get3A_409] : memref<256x3xf32, #tpu.memory_space<vmem>>, vector<256x3xf32>
    %mul3A_411 = arith.constant 1.000000e+01 : f32
    %mul3A_412 = vector.broadcast %mul3A_411 : f32 to vector<256x3xf32>
    %mul3A_413 = arith.mulf %mul3A_412, %get3A_410 : vector<256x3xf32>
    %sub3A = arith.subf %dot_general3A_407, %mul3A_413 : vector<256x3xf32>
    %div3A = arith.constant 9.000000e+00 : f32
    %div3A_414 = vector.broadcast %div3A : f32 to vector<256x3xf32>
    %div3A_415 = arith.divf %sub3A, %div3A_414 : vector<256x3xf32>
    %swap3A = arith.constant 0 : index
    %swap3A_416 = arith.constant 0 : index
    %swap3A_417 = vector.load %arg7[%swap3A, %swap3A_416] : memref<256x3xf32, #tpu.memory_space<vmem>>, vector<256x3xf32>
    tpu.vector_store %arg7[%swap3A, %swap3A_416], %div3A_415 {strides = array<i32>} : memref<256x3xf32, #tpu.memory_space<vmem>>, vector<256x3xf32>,
    %eq3A_418 = arith.constant 0 : i32
    %eq3A_419 = arith.cmpi eq, %arg0, %eq3A_418 : i32
    %convert_element_type3A_420 = arith.extui %eq3A_419 : i1 to i32
    %cond3A = arith.constant 0 : i32
    %cond3A_421 = arith.cmpi ne, %convert_element_type3A_420, %cond3A : i32
    scf.if %cond3A_421 {
      %broadcast_in_dim3A_429 = arith.constant 0.000000e+00 : f32
      %broadcast_in_dim3A_430 = vector.broadcast %broadcast_in_dim3A_429 : f32 to vector<1x1xf32>
      %swap3A_431 = arith.constant 0 : index
      %swap3A_432 = arith.constant 0 : index
      %swap3A_433 = vector.load %arg8[%swap3A_431, %swap3A_432] : memref<1x1xf32, #tpu.memory_space<vmem>>, vector<1x1xf32>
      tpu.vector_store %arg8[%swap3A_431, %swap3A_432], %broadcast_in_dim3A_430 {strides = array<i32>} : memref<1x1xf32, #tpu.memory_space<vmem>>, vector<1x1xf32>,
    } else {
    }
    %get3A_422 = arith.constant 0 : index
    %get3A_423 = arith.constant 0 : index
    %get3A_424 = vector.load %arg8[%get3A_422, %get3A_423] : memref<1x1xf32, #tpu.memory_space<vmem>>, vector<1x1xf32>
    %add3A_425 = arith.addf %get3A_424, %broadcast_in_dim3A_399 : vector<1x1xf32>
    %swap3A_426 = arith.constant 0 : index
    %swap3A_427 = arith.constant 0 : index
    %swap3A_428 = vector.load %arg8[%swap3A_426, %swap3A_427] : memref<1x1xf32, #tpu.memory_space<vmem>>, vector<1x1xf32>
    tpu.vector_store %arg8[%swap3A_426, %swap3A_427], %add3A_425 {strides = array<i32>} : memref<1x1xf32, #tpu.memory_space<vmem>>, vector<1x1xf32>,
    return
  }
  func.func @transform_0(%arg0: i32) -> (i32, i32) {
    %c0_i32 = arith.constant 0 : i32
    %c0_i32_0 = arith.constant 0 : i32
    return %arg0, %c0_i32 : i32, i32
  }
  func.func @transform_1(%arg0: i32) -> (i32, i32) {
    %c0_i32 = arith.constant 0 : i32
    %c0_i32_0 = arith.constant 0 : i32
    %c0_i32_1 = arith.constant 0 : i32
    return %c0_i32, %c0_i32_0 : i32, i32
  }
  func.func @transform_2(%arg0: i32) -> (i32, i32) {
    %c0_i32 = arith.constant 0 : i32
    %c0_i32_0 = arith.constant 0 : i32
    %c0_i32_1 = arith.constant 0 : i32
    return %c0_i32, %c0_i32_0 : i32, i32
  }
  func.func @transform_3(%arg0: i32) -> (i32, i32) {
    %c0_i32 = arith.constant 0 : i32
    %c0_i32_0 = arith.constant 0 : i32
    return %arg0, %c0_i32 : i32, i32
  }
  func.func @transform_4(%arg0: i32) -> (i32, i32) {
    %c0_i32 = arith.constant 0 : i32
    %c0_i32_0 = arith.constant 0 : i32
    %c0_i32_1 = arith.constant 0 : i32
    return %c0_i32, %c0_i32_0 : i32, i32
  }
  func.func @transform_5(%arg0: i32) -> (i32, i32) {
    %c0_i32 = arith.constant 0 : i32
    %c0_i32_0 = arith.constant 0 : i32
    return %arg0, %c0_i32 : i32, i32
  }
  func.func @transform_6(%arg0: i32) -> (i32, i32) {
    %c0_i32 = arith.constant 0 : i32
    %c0_i32_0 = arith.constant 0 : i32
    return %arg0, %c0_i32 : i32, i32
  }
  func.func @transform_7(%arg0: i32) -> (i32, i32) {
    %c0_i32 = arith.constant 0 : i32
    %c0_i32_0 = arith.constant 0 : i32
    %c0_i32_1 = arith.constant 0 : i32
    return %c0_i32, %c0_i32_0 : i32, i32
  }
}

module attributes {stable_mosaic.version = 14 : i64} {
  func.func @_cv_body(%arg0: memref<4096x3xf32, #tpu.memory_space<vmem>>, %arg1: memref<4096x3xf32, #tpu.memory_space<vmem>>, %arg2: memref<1x1xf32, #tpu.memory_space<vmem>>) attributes {dimension_semantics = [], scalar_prefetch = 0 : i64, scratch_operands = 0 : i64, tpu.core_type = #tpu.core_type<tc>} {
    %get3A = arith.constant 0 : index
    %get3A_0 = arith.constant 0 : index
    %get3A_1 = vector.load %arg0[%get3A, %get3A_0] : memref<4096x3xf32, #tpu.memory_space<vmem>>, vector<4096x3xf32>
    %get3A_2 = arith.constant 0 : index
    %get3A_3 = arith.constant 0 : index
    %get3A_4 = vector.load %arg1[%get3A_2, %get3A_3] : memref<4096x3xf32, #tpu.memory_space<vmem>>, vector<4096x3xf32>
    %sub3A = arith.subf %get3A_1, %get3A_4 : vector<4096x3xf32>
    %mul3A = arith.mulf %sub3A, %sub3A : vector<4096x3xf32>
    %reduce_sum3A = vector.shape_cast %mul3A : vector<4096x3xf32> to vector<1x4096x3xf32>
    %reduce_sum3A_5 = arith.constant dense<0.000000e+00> : vector<1xf32>
    %reduce_sum3A_6 = vector.multi_reduction <add>, %reduce_sum3A, %reduce_sum3A_5 [1, 2] : vector<1x4096x3xf32> to vector<1xf32>
    %reduce_sum3A_7 = vector.shape_cast %reduce_sum3A_6 : vector<1xf32> to vector<1x1x1xf32>
    %reduce_sum3A_8 = vector.extract %reduce_sum3A_7[0, 0, 0] : f32 from vector<1x1x1xf32>
    %broadcast_in_dim3A = vector.broadcast %reduce_sum3A_8 : f32 to vector<1x1xf32>
    %swap3A = arith.constant 0 : index
    %swap3A_9 = arith.constant 0 : index
    %swap3A_10 = vector.load %arg2[%swap3A, %swap3A_9] : memref<1x1xf32, #tpu.memory_space<vmem>>, vector<1x1xf32>
    tpu.vector_store %arg2[%swap3A, %swap3A_9], %broadcast_in_dim3A {strides = array<i32>} : memref<1x1xf32, #tpu.memory_space<vmem>>, vector<1x1xf32>,
    return
  }
}

</mosaic_0001>

<sc_bundles>
// kernel: kernel.7.cloned.1.call-start
scs
__scs_entry_jumppad:
0x0: {  	(pc) =	sbr.rel $0x88, $3  }
0x1: {  	(tag) =	ssettag $0x0;
	lr =	simm.s32 $0x1  }
0x2: {  	[smem:$0x3F9E] =	sst lr;
	_ =	strace $0xD0000000  }
0x3: {  	_ = 	snop  }
0x4: {  	_ = 	snop  }
0x5: {  	_ = 	snop  }
0x6: {  	_ = 	snop  }
0x7: {  	_ = 	snop  }
__scs_overlays_trampoline_lowered:
0x8: {  	[smem:$0x3FAD] =	sst s0  }
0x9: {  	[smem:$0x3FAE] =	sst s1  }
0xa: {  	[smem:$0x3FAF] =	sst s2  }
0xb: {  	[smem:$0x3FB0] =	sst s3  }
0xc: {  	[smem:$0x3FB1] =	sst s4  }
0xd: {  	[smem:$0x3FB2] =	sst s5  }
0xe: {  	[smem:$0x3FB3] =	sst s6  }
0xf: {  	[smem:$0x3FB4] =	sst s7  }
0x10: {  	[smem:$0x3FB5] =	sst s8  }
0x11: {  	[smem:$0x3FB6] =	sst s9;
	s0 =	simm.s32 @!p0 $0x0  }
0x12: {  	s1 =	sld [smem:$0x3F9C];
	s0 =	simm.s32 @p0 $0x1  }
0x13: {  	[smem:$0x3FB7] =	sst s0;
	s0 =	simm.s32 @!p1 $0x0  }
0x14: {  	s2 =	sld [smem:$0x3F9B];
	s0 =	simm.s32 @p1 $0x1  }
0x15: {  	[smem:$0x3FB8] =	sst s0;
	s0 =	simm.s32 @!p2 $0x0  }
0x16: {  	s3 =	sld [smem:$0x3FDB];
	s0 =	simm.s32 @p2 $0x1  }
0x17: {  	s4 =	simm.s32 $0x1BF5;
	[smem:$0x3FBA] =	sst s0  }
0x18: {  	s0 =	sld [smem:$0x3F9D];
	_ =	swait.ge [sflag:s4], $0x0  }
0x19: {  	s7 =	sld [smem:$0x3F9E]  }
0x1a: {  	s8 =	sadd.s32 $0xFFFFE003, lr  }
0x1b: {  	s9 =	sadd.s32 $0xFFFFFEF7, lr;
	s5 =	simm.s32 $0xFFFFFFFF;
	p2 =	slt.u32 s8, $0xFFFFF086  }
0x1c: {  	p1 =	slt.u32 s9, $0xF7A;
	s5 =	simm.s32 @!p2 $0x0  }
0x1d: {  	s5 =	simm.s32 @p1 $0x1;
	p0 =	seq.s32 s7, s2  }
0x1e: {  	s7 =	smul.u32 @!p0 $0xF7A, s2;
	p2 =	seq.s32 @!p0 s5, $0x0  }
0x1f: {  	s9 =	smul.u32 $0xF7A, s1;
	s8 =	simm.s32 @!p0 $0x1BF5;
	p2 =	por !p2, p0  }
0x20: {  	[sflag:s8] =	ssyncset.s32 @!p0 $0xFFFFF086;
	s6 =	sadd.s32 @!p0 s3, s7;
	s7 =	simm.s32 @!p0 $0x108  }
0x21: {  	s3 =	sadd.s32 s3, s9;
	s6 =	sadd.s32 @!p0 $0x88, s6;
	s7 =	simm.s32 @p2 $0x1082  }
0x22: {  	[simem:s7], [sflag:s8] =	dma.local @!p0 [hbm:s6], $0xF7A  }
0x23: {  	s9 =	sor.u32 $0xD0000000, s2;
	s6 =	simm.s32 $0x108;
	_ =	swait.ge @!p0 [sflag:s8], $0x0  }
0x24: {  	s3 =	sadd.s32 $0x88, s3;
	s6 =	simm.s32 @!p1 $0x1082;
	[sflag:s4] =	ssyncset.s32 $0xFFFFF086  }
0x25: {  	[simem:s6], [sflag:s4] =	dma.local [hbm:s3], $0xF7A  }
0x26: {  	[smem:$0x3F9E] =	sst s1;
	(tag) =	ssettag s2;
	_ =	strace s9  }
0x27: {  	s1 =	sld [smem:$0x3FAE]  }
0x28: {  	s2 =	sld [smem:$0x3FAF]  }
0x29: {  	s4 =	sld [smem:$0x3FB1]  }
0x2a: {  	p0 =	seq.s32 s5, $0x0;
	s5 =	sld [smem:$0x3FB2]  }
0x2b: {  	s6 =	sld [smem:$0x3FB3]  }
0x2c: {  	s7 =	sld [smem:$0x3FB4]  }
0x2d: {  	s3 =	simm.s32 $0x108;
	s8 =	sld [smem:$0x3FB5]  }
0x2e: {  	s3 =	simm.s32 @!p0 $0x1082;
	s9 =	sld [smem:$0x3FB6]  }
0x2f: {  	lr =	sadd.s32 s0, s3;
	s0 =	sld [smem:$0x3FAD]  }
0x30: {  	s3 =	sld [smem:$0x3FB0]  }
0x31: {  	[smem:$0x3FB9] =	sst s10  }
0x32: {  	s10 =	sld [smem:$0x3FB7];
	_ =	sdelay $0x3  }
0x33: {  	p0 =	seq.s32 s10, $0x1;
	s10 =	sld [smem:$0x3FB9];
	_ =	sdelay $0x3  }
0x34: {  	[smem:$0x3FB9] =	sst s10  }
0x35: {  	s10 =	sld [smem:$0x3FB8];
	_ =	sdelay $0x3  }
0x36: {  	p1 =	seq.s32 s10, $0x1;
	s10 =	sld [smem:$0x3FB9];
	_ =	sdelay $0x3  }
0x37: {  	[smem:$0x3FB9] =	sst s10  }
0x38: {  	s10 =	sld [smem:$0x3FBA]  }
0x39: {  	_ = 	snop;
	(pc) =	sbr.ind lr, $3  }
0x3a: {  	_ = 	snop  }
0x3b: {  	_ = 	snop  }
0x3c: {  	p2 =	seq.s32 s10, $0x1;
	s10 =	sld [smem:$0x3FB9]  }
0x3d: {  	_ =	shalt  }
0x3e: {  	_ =	shalt  }
0x3f: {  	_ =	shalt  }
0x40: {  	_ =	shalt  }
0x41: {  	_ =	shalt  }
0x42: {  	_ =	shalt  }
0x43: {  	_ =	shalt  }
0x44: {  	_ =	shalt  }
0x45: {  	_ =	shalt  }
0x46: {  	_ =	shalt  }
0x47: {  	_ =	shalt  }
0x48: {  	_ =	shalt  }
0x49: {  	_ =	shalt  }
0x4a: {  	_ =	shalt  }
0x4b: {  	_ =	shalt  }
0x4c: {  	_ =	shalt  }
0x4d: {  	_ =	shalt  }
0x4e: {  	_ =	shalt  }
0x4f: {  	_ =	shalt  }
0x50: {  	_ =	shalt  }
0x51: {  	_ =	shalt  }
0x52: {  	_ =	shalt  }
0x53: {  	_ =	shalt  }
0x54: {  	_ =	shalt  }
0x55: {  	_ =	shalt  }
0x56: {  	_ =	shalt  }
0x57: {  	_ =	shalt  }
0x58: {  	_ =	shalt  }
0x59: {  	_ =	shalt  }
0x5a: {  	_ =	shalt  }
0x5b: {  	_ =	shalt  }
0x5c: {  	_ =	shalt  }
0x5d: {  	_ =	shalt  }
0x5e: {  	_ =	shalt  }
0x5f: {  	_ =	shalt  }
0x60: {  	_ =	shalt  }
0x61: {  	_ =	shalt  }
0x62: {  	_ =	shalt  }
0x63: {  	_ =	shalt  }
0x64: {  	_ =	shalt  }
0x65: {  	_ =	shalt  }
0x66: {  	_ =	shalt  }
0x67: {  	_ =	shalt  }
0x68: {  	_ =	shalt  }
0x69: {  	_ =	shalt  }
0x6a: {  	_ =	shalt  }
0x6b: {  	_ =	shalt  }
0x6c: {  	_ =	shalt  }
0x6d: {  	_ =	shalt  }
0x6e: {  	_ =	shalt  }
0x6f: {  	_ =	shalt  }
0x70: {  	_ =	shalt  }
0x71: {  	_ =	shalt  }
0x72: {  	_ =	shalt  }
0x73: {  	_ =	shalt  }
0x74: {  	_ =	shalt  }
0x75: {  	_ =	shalt  }
0x76: {  	_ =	shalt  }
0x77: {  	_ =	shalt  }
0x78: {  	_ =	shalt  }
0x79: {  	_ =	shalt  }
0x7a: {  	_ =	shalt  }
0x7b: {  	_ =	shalt  }
0x7c: {  	_ =	shalt  }
0x7d: {  	_ =	shalt  }
0x7e: {  	_ =	shalt  }
0x7f: {  	_ =	shalt  }
0x80: {  	_ =	shalt  }
0x81: {  	_ =	shalt  }
0x82: {  	_ =	shalt  }
0x83: {  	_ =	shalt  }
0x84: {  	_ =	shalt  }
0x85: {  	_ =	shalt  }
0x86: {  	_ =	shalt  }
0x87: {  	_ =	shalt  }
.Lfunc_end0:
.L_simem_size_0:
called_computation_lowered:
.L_overlay_start_0:
0x88: {  	s2 =	sld [smem:$0x3FD9]  }
0x89: {  	s3 =	sld [smem:$0x3FFE];
	_ =	sdelay $0x1  }
0x8a: {  	s1 =	srdreg.scid  }
0x8b: {  	s0 =	sand.u32 $0x1, s1  }
0x8c: {  	s16 =	sshll.u32 s0, $0xA;
	s2 =	sadd.s32 s3, s2  }
0x8d: {  	s2 =	sadd.s32 s2, s16  }
0x8e: {  	[smem:$0x3FC5] =	sst s2  }
0x8f: {  	_ = 	snop  }
0x90: {  	(tm) =	ssettm $0x1  }
0x91: {  	s17 =	sld [smem:$0x3FFB];
	_ =	sdelay $0x3  }
0x92: {  	_ =	strace s17  }
0x93: {  	s2 =	sld [smem:$0x3FFC];
	_ =	sdelay $0x3  }
0x94: {  	_ =	strace s2  }
0x95: {  	s2 =	sld [smem:$0x3FFD];
	_ =	sdelay $0x3  }
0x96: {  	_ =	strace s2  }
0x97: {  	_ =	strace $0x8FFFFFFF  }
0x98: {  	s18 =	sld [smem:$0x3FDB];
	_ =	sdelay $0x1  }
0x99: {  	s19 =	simm.s32 $_scs_section_size  }
0x9a: {  	s4 =	simm.s32 $_size__tile_overlayer_lowered;
	s5 =	simm.s32 $_tile_overlayer_lowered  }
0x9b: {  	s22 =	simm.s32 $0x1BFF;
	s21 =	sshll.u32 s5, $0x1;
	s2 =	sadd.s32 s19, s18  }
0x9c: {  	s6 =	simm.s32 $0x0;
	s20 =	sshll.u32 s4, $0x1;
	s4 =	sadd.s32 s21, s2  }
0x9d: {  	[timem:s6], [sflag:s22] =	dma.local [hbm:s4], s20  }
0x9e: {  	_ =	swait.ge [sflag:s22], s20  }
0x9f: {  	s3 =	ssub.s32 $0x0, s20;
	[sflag:s22] =	ssyncset.done $0x0  }
0xa0: {  	[sflag:s22] =	ssyncadd.s32 s3;
	_ =	sdelay $0x1  }
0xa1: {  	s23 =	simm.s32 $0x1B8B  }
0xa2: {  	_ =	swait.ge [sflag:s23], $0x1  }
0xa3: {  	[sflag:s23] =	ssyncset.done $0x0  }
0xa4: {  	s25 =	simm.s32 $0x1B8E;
	s24 =	sld [smem:$0x3FFE];
	[sflag:s23] =	ssyncadd.s32 $0xFFFFFFFF  }
0xa5: {  	s26 =	simm.s32 $execute0_lowered;
	[smem:$0x3FD2] =	sst s25  }
0xa6: {  	s4 =	sshll.u32 s26, $0x1;
	_ =	strace $0x80000046;
	[dreg:$0x1] =	wrdreg $0xFFFFFFFF  }
0xa7: {  	s28 =	simm.s32 $_size_execute0_lowered;
	s2 =	sadd.s32 s2, s4;
	[dreg:$0x0] =	wrdreg $0x0  }
0xa8: {  	s4 =	sshll.u32 s28, $0x1;
	[dreg:$0x2] =	wrdreg s2  }
0xa9: {  	[dreg:$0x3] =	wrdreg s4  }
0xaa: {  	[dreg:$0x4] =	wrdreg $0xC0  }
0xab: {  	_ =	task [dreg:s6], $0x5FFFF  }
0xac: {  	[dreg:$0x1] =	wrdreg $0xFFFFFFFF  }
0xad: {  	[dreg:$0x0] =	wrdreg $0x60  }
0xae: {  	[dreg:$0x2] =	wrdreg s24  }
0xaf: {  	[dreg:$0x3] =	wrdreg $0x9  }
0xb0: {  	_ =	task.clear_ibuf [dreg:s6], $0x4FFFF;
	_ =	strace $0x90000046  }
0xb1: {  	s29 =	simm.s32 $0x9;
	_ =	strace $0x80000048  }
0xb2: {  	_ =	swait.ge [sflag:s29], $0x1  }
0xb3: {  	[sflag:s29] =	ssyncadd.s32 $0xFFFFFFFF  }
0xb4: {  	_ =	strace $0x90000048  }
0xb5: {  	_ =	sfence  }
0xb6: {  	s30 =	sld [smem:$0x0];
	_ =	sdelay $0x2  }
0xb7: {  	s31 =	sshll.u32 s1, $0xD;
	s1 =	sshrl.u32 s1, $0x2  }
0xb8: {  	s3 =	sand.u32 $0x4000, s31;
	s1 =	sadd.s32 s1, s30  }
0xb9: {  	s0 =	sor.u32 s3, s0;
	s1 =	sshll.u32 s1, $0x11  }
0xba: {  	s0 =	sor.u32 s1, s0  }
0xbb: {  	s0 =	sadd.s32 $0x8F2B, s0  }
0xbc: {  	[sflag:s0] =	ssyncadd.remote.s32 $0x1  }
0xbd: {  	_ =	sfence.sel $0xFFFF  }
0xbe: {  	[dreg:$0x0] =	wrdreg $0xFFFFFFFF;
	(pc) =	sbr.abs _section_cstart, $3  }
0xbf: {  	[dreg:$0x1] =	wrdreg $0xFFFFFFFF  }
0xc0: {  	_ =	task.clear_ibuf [dreg:s6], $0x2FFFF;
	_ =	strace $0x9FFFFFFF  }
0xc1: {  	(tm) =	ssettm $0x7FFFFFFF  }
tec
execute0_lowered:
.L_overlay_start_1:
0x0: {  	(tag) =	ssettag $0x1  }
0x1: {  	v2 =	vlaneseq.u32  }
0x2: {  	v0 =	vmul.u32 $0x10, v2;
	v2 =	vmul.u32 $0x3, v2;
	_ =	sdelay $0x1  }
0x3: {  	v6 =	vadd.s32 $0x1, v2  }
0x4: {  	v1 =	vor.u32 $0x1, v0;
	v3 =	vor.u32 $0x2, v0;
	[tilespmem:$0x1FEC0] =	vst v6;
	v6 =	vadd.s32 $0x2, v2  }
0x5: {  	v4 =	vor.u32 $0x3, v0;
	v5 =	vor.u32 $0x4, v0;
	[tilespmem:$0x1FED0] =	vst v6;
	v6 =	vadd.s32 $0x30, v2  }
0x6: {  	v8 =	vor.u32 $0x100, v0;
	v9 =	vor.u32 $0x101, v0;
	[tilespmem:$0x1FEE0] =	vst v6;
	v6 =	vadd.s32 $0x31, v2  }
0x7: {  	v10 =	vor.u32 $0x102, v0;
	v11 =	vor.u32 $0x103, v0;
	[tilespmem:$0x1FEF0] =	vst v6;
	v6 =	vadd.s32 $0x32, v2  }
0x8: {  	v12 =	vor.u32 $0x104, v0;
	v16 =	vor.u32 $0x200, v0;
	[tilespmem:$0x1FF00] =	vst v6;
	v6 =	vadd.s32 $0x60, v2  }
0x9: {  	v17 =	vor.u32 $0x201, v0;
	v18 =	vor.u32 $0x202, v0;
	[tilespmem:$0x1FF10] =	vst v6;
	v6 =	vadd.s32 $0x61, v2  }
0xa: {  	v19 =	vor.u32 $0x203, v0;
	v20 =	vor.u32 $0x204, v0;
	[tilespmem:$0x1FF20] =	vst v6;
	v6 =	vadd.s32 $0x62, v2  }
0xb: {  	v24 =	vor.u32 $0x300, v0;
	v25 =	vor.u32 $0x301, v0;
	[tilespmem:$0x1FF30] =	vst v6;
	v6 =	vadd.s32 $0x90, v2  }
0xc: {  	v26 =	vor.u32 $0x302, v0;
	v27 =	vor.u32 $0x303, v0;
	[tilespmem:$0x1FF40] =	vst v6;
	v6 =	vadd.s32 $0x91, v2  }
0xd: {  	v28 =	vor.u32 $0x304, v0;
	v32 =	vor.u32 $0x400, v0;
	[tilespmem:$0x1FF50] =	vst v6;
	v6 =	vadd.s32 $0x92, v2  }
0xe: {  	s4 =	rddreg [dreg:$0x0];
	v33 =	vor.u32 $0x401, v0;
	v34 =	vor.u32 $0x402, v0;
	[tilespmem:$0x1FF60] =	vst v6;
	v6 =	vor.u32 $0xC0, v2  }
0xf: {  	s0 =	rddreg [dreg:$0x1];
	v35 =	vor.u32 $0x403, v0;
	v36 =	vor.u32 $0x404, v0;
	[tilespmem:$0x1FF70] =	vst v6;
	v6 =	vadd.s32 $0xC1, v2  }
0x10: {  	s3 =	srdreg.scid;
	s2 =	simm.s32 $0x0;
	s9 =	simm.s32 $0x3000;
	v40 =	vor.u32 $0x500, v0;
	v41 =	vor.u32 $0x501, v0;
	[tilespmem:$0x1FF80] =	vst v6;
	v6 =	vadd.s32 $0xC2, v2  }
0x11: {  	s1 =	stileid.u32;
	s10 =	simm.s32 $0x3800;
	[smem:$0x7FF] =	sst s2;
	v42 =	vor.u32 $0x502, v0;
	v43 =	vor.u32 $0x503, v0;
	[tilespmem:$0x1FF90] =	vst v6;
	v6 =	vadd.s32 $0xF0, v2  }
0x12: {  	s5 =	sand.u32 $0x1, s3;
	s30 =	sshll.u32 s1, $0x1;
	v44 =	vor.u32 $0x504, v0;
	v48 =	vor.u32 $0x600, v0;
	_ =	strace $0x80000047;
	[tilespmem:$0x1FFA0] =	vst v6;
	v6 =	vadd.s32 $0xF1, v2  }
0x13: {  	s11 =	simm.s32 $0x4000;
	s6 =	sor.u32 s5, s30;
	s5 =	ssub.s32 $0x2, s5;
	v49 =	vor.u32 $0x601, v0;
	v50 =	vor.u32 $0x602, v0;
	[tilespmem:$0x1FFB0] =	vst v6;
	v6 =	vadd.s32 $0xF2, v2  }
0x14: {  	s7 =	smul.u32 $0x30, s6;
	s6 =	sshll.u32 s6, $0x8;
	s31 =	sshrl.u32 s5, $0x1;
	v51 =	vor.u32 $0x603, v0;
	v52 =	vor.u32 $0x604, v0;
	[tilespmem:$0x1FFC0] =	vst v6;
	v6 =	vadd.s32 $0x120, v2  }
0x15: {  	s3 =	sadd.s32 $0xE00, s4;
	v56 =	vor.u32 $0x700, v0;
	v57 =	vor.u32 $0x701, v0;
	s6 =	sadd.s32 s6, s4;
	s8 =	ssub.s32 s5, s31;
	[tilespmem:$0x1FFD0] =	vst v6;
	v6 =	vadd.s32 $0x121, v2  }
0x16: {  	v58 =	vor.u32 $0x702, v0;
	v59 =	vor.u32 $0x703, v0;
	s7 =	sadd.s32 s7, s4;
	s4 =	sadd.s32 $0x3400, s6;
	s5 =	sadd.s32 $0x1400, s6;
	[tilespmem:$0x1FFE0] =	vst v6;
	v6 =	vadd.s32 $0x122, v2  }
0x17: {  	v60 =	vor.u32 $0x704, v0;
	v61 =	vadd.s32 $0x150, v2;
	v62 =	vadd.s32 $0x151, v2;
	s6 =	sadd.s32 $0x5400, s7;
	s7 =	smax.u32 s8, $0x1;
	s8 =	simm.s32 $0x1;
	[tilespmem:$0x1FFF0] =	vst v6  }
.LBB2_1:
0x18: {  	[tilespmem:s2], [sflag:$0x1] =	stream.linear.gather [hbm4b:s3+s2], $0x3000, $0x38;
	[tilespmem:$0x4180] =	vst v63  }
0x19: {  	_ =	swait.ge [sflag:s8], $0x3000  }
0x1a: {  	[sflag:s8] =	ssyncset.done $0x0  }
0x1b: {  	[sflag:s8] =	ssyncadd.s32 $0xFFFFD000  }
0x1c: {  	[tilespmem:s9], [sflag:$0x1] =	stream.linear.gather [hbm4b:s4+s2], $0x800, $0x38;
	[tilespmem:$0x4180] =	vst v63  }
0x1d: {  	_ =	swait.ge [sflag:s8], $0x800  }
0x1e: {  	[sflag:s8] =	ssyncset.done $0x0  }
0x1f: {  	[sflag:s8] =	ssyncadd.s32 $0xFFFFF800  }
0x20: {  	[tilespmem:s10], [sflag:$0x1] =	stream.linear.gather [hbm4b:s5+s2], $0x800, $0x38;
	[tilespmem:$0x4180] =	vst v63  }
0x21: {  	_ =	swait.ge [sflag:s8], $0x800  }
0x22: {  	[sflag:s8] =	ssyncset.done $0x0  }
0x23: {  	[sflag:s8] =	ssyncadd.s32 $0xFFFFF800  }
0x24: {  	v63 =	vld.idx.msk [tilespmem:v0+s10+$0x0], $0xffff  }
0x25: {  	v6 =	vld.idx.msk [tilespmem:v1+s10+$0x0], $0xffff;
	_ =	sdelay $0x1  }
0x26: {  	v13 =	vld.idx.msk [tilespmem:v3+s10+$0x0], $0xffff;
	_ =	sdelay $0x1  }
0x27: {  	v14 =	vld.idx.msk [tilespmem:v4+s10+$0x0], $0xffff;
	v63 =	vadd.f32 $9.999999930e-09, v63  }
0x28: {  	v7 =	vld.idx.msk [tilespmem:v0+s9+$0x0], $0xffff;
	v6 =	vadd.f32 $9.999999930e-09, v6  }
0x29: {  	v15 =	vld.idx.msk [tilespmem:v5+s10+$0x0], $0xffff;
	(erf) = vrcp.f32 v63  }
0x2a: {  	v55 =	vld.idx.msk [tilespmem:v1+s9+$0x0], $0xffff;
	(erf) = vrcp.f32 v6;
	v6 =	vadd.f32 $9.999999930e-09, v13;
	_ =	sdelay $0x1  }
0x2b: {  	(erf) = vrcp.f32 v6;
	v6 =	vadd.f32 $9.999999930e-09, v14  }
0x2c: {  	v21 =	vld.idx.msk [tilespmem:v3+s9+$0x0], $0xffff;
	v7 =	vmul.u32 $0x3, v7  }
0x2d: {  	(erf) = vrcp.f32 v6;
	v6 =	vadd.f32 $9.999999930e-09, v15  }
0x2e: {  	v63 =	vmul.u32 $0x3, v55;
	v13 =	vadd.s32 $0x1, v7;
	v15 =	vld.idx.msk [tilespmem:v4+s9+$0x0], $0xffff;
	_ =	sdelay $0x1  }
0x2f: {  	v30 =	vld.idx.msk [tilespmem:v5+s9+$0x0], $0xffff;
	v14 =	vadd.s32 $0x2, v7;
	(erf) = vrcp.f32 v6  }
0x30: {  	v21 =	vmul.u32 $0x3, v21;
	v22 =	vadd.s32 $0x1, v63;
	v6 =	vpop (erf)  }
0x31: {  	v7 =	vld.idx.msk [tilespmem:v7+s2+$0x0], $0xffff;
	v29 =	vadd.f32 $0.0e+00, v6  }
0x32: {  	v37 =	vadd.s32 $0x1, v21;
	v13 =	vld.idx.msk [tilespmem:v13+s2+$0x0], $0xffff;
	v31 =	vpop (erf);
	v15 =	vmul.u32 $0x3, v15  }
0x33: {  	v23 =	vadd.s32 $0x2, v63;
	v63 =	vld.idx.msk [tilespmem:v63+s2+$0x0], $0xffff;
	v29 =	vadd.f32 v31, v29  }
0x34: {  	v30 =	vmul.u32 $0x3, v30;
	v14 =	vld.idx.msk [tilespmem:v14+s2+$0x0], $0xffff;
	v39 =	vpop (erf);
	v45 =	vadd.s32 $0x1, v15  }
0x35: {  	v22 =	vld.idx.msk [tilespmem:v22+s2+$0x0], $0xffff;
	v29 =	vadd.f32 v39, v29  }
0x36: {  	v38 =	vadd.s32 $0x2, v21;
	v54 =	vadd.s32 $0x1, v30;
	v21 =	vld.idx.msk [tilespmem:v21+s2+$0x0], $0xffff;
	v7 =	vmul.f32 v6, v7;
	v46 =	vpop (erf)  }
0x37: {  	v37 =	vld.idx.msk [tilespmem:v37+s2+$0x0], $0xffff;
	v29 =	vadd.f32 v46, v29  }
0x38: {  	v13 =	vmul.f32 v13, v6;
	v47 =	vadd.s32 $0x2, v15;
	v7 =	vadd.f32 $0.0e+00, v7;
	v53 =	vpop (erf);
	v15 =	vld.idx.msk [tilespmem:v15+s2+$0x0], $0xffff  }
0x39: {  	v6 =	vmul.f32 v14, v6;
	v14 =	vmul.f32 v31, v63;
	v45 =	vld.idx.msk [tilespmem:v45+s2+$0x0], $0xffff;
	v29 =	vadd.f32 v53, v29  }
0x3a: {  	v22 =	vmul.f32 v22, v31;
	v13 =	vadd.f32 $0.0e+00, v13  }
0x3b: {  	v7 =	vadd.f32 v14, v7;
	v14 =	vmul.f32 v39, v21;
	v21 =	vld.idx.msk [tilespmem:v54+s2+$0x0], $0xffff;
	(erf) = vrcp.f32 v29  }
0x3c: {  	v13 =	vadd.f32 v22, v13;
	v22 =	vmul.f32 v37, v39;
	v29 =	vld.idx.msk [tilespmem:v30+s2+$0x0], $0xffff  }
0x3d: {  	v7 =	vadd.f32 v14, v7  }
0x3e: {  	v13 =	vadd.f32 v22, v13;
	v14 =	vmul.f32 v46, v15;
	v15 =	vmul.f32 v45, v46;
	_ =	sdelay $0x1  }
0x3f: {  	v13 =	vadd.f32 v15, v13;
	v15 =	vmul.f32 v21, v53  }
0x40: {  	v55 =	vadd.s32 $0x2, v30;
	v7 =	vadd.f32 v14, v7;
	v22 =	vmul.f32 v53, v29;
	_ =	sdelay $0x1  }
0x41: {  	v38 =	vld.idx.msk [tilespmem:v38+s2+$0x0], $0xffff;
	v7 =	vadd.f32 v22, v7  }
0x42: {  	v23 =	vld.idx.msk [tilespmem:v23+s2+$0x0], $0xffff;
	v13 =	vadd.f32 v15, v13;
	v15 =	vpop (erf)  }
0x43: {  	v47 =	vld.idx.msk [tilespmem:v47+s2+$0x0], $0xffff;
	v7 =	vmul.f32 v15, v7  }
0x44: {  	v30 =	vld.idx.msk [tilespmem:v55+s2+$0x0], $0xffff  }
0x45: {  	[tilespmem:v2+s11+$0x0] =	vst.idx.msk $0xffff, v7;
	v7 =	vld [tilespmem:$0x1FEC0];
	_ =	sdelay $0x3  }
0x46: {  	v23 =	vmul.f32 v23, v31;
	v6 =	vadd.f32 $0.0e+00, v6;
	_ =	sdelay $0x1  }
0x47: {  	v6 =	vadd.f32 v23, v6;
	v23 =	vmul.f32 v38, v39;
	v13 =	vmul.f32 v15, v13;
	_ =	sdelay $0x1  }
0x48: {  	v6 =	vadd.f32 v23, v6;
	v14 =	vmul.f32 v47, v46;
	[tilespmem:v7+s11+$0x0] =	vst.idx.msk $0xffff, v13;
	v7 =	vld [tilespmem:$0x1FED0];
	_ =	sdelay $0x1  }
0x49: {  	v6 =	vadd.f32 v14, v6;
	v14 =	vmul.f32 v30, v53;
	_ =	sdelay $0x1  }
0x4a: {  	v6 =	vadd.f32 v14, v6;
	_ =	sdelay $0x1  }
0x4b: {  	v6 =	vmul.f32 v6, v15;
	_ =	sdelay $0x1  }
0x4c: {  	[tilespmem:v7+s11+$0x0] =	vst.idx.msk $0xffff, v6  }
0x4d: {  	v6 =	vld.idx.msk [tilespmem:v8+s10+$0x0], $0xffff  }
0x4e: {  	v7 =	vld.idx.msk [tilespmem:v9+s10+$0x0], $0xffff  }
0x4f: {  	v13 =	vld.idx.msk [tilespmem:v8+s9+$0x0], $0xffff  }
0x50: {  	v14 =	vld.idx.msk [tilespmem:v10+s10+$0x0], $0xffff  }
0x51: {  	v15 =	vld.idx.msk [tilespmem:v11+s10+$0x0], $0xffff  }
0x52: {  	v22 =	vld.idx.msk [tilespmem:v10+s9+$0x0], $0xffff;
	v6 =	vadd.f32 $9.999999930e-09, v6  }
0x53: {  	v7 =	vadd.f32 $9.999999930e-09, v7  }
0x54: {  	v21 =	vld.idx.msk [tilespmem:v12+s10+$0x0], $0xffff;
	(erf) = vrcp.f32 v6  }
0x55: {  	v6 =	vld.idx.msk [tilespmem:v9+s9+$0x0], $0xffff;
	(erf) = vrcp.f32 v7;
	v7 =	vadd.f32 $9.999999930e-09, v14  }
0x56: {  	v13 =	vmul.u32 $0x3, v13  }
0x57: {  	v22 =	vmul.u32 $0x3, v22;
	(erf) = vrcp.f32 v7;
	v7 =	vadd.f32 $9.999999930e-09, v15;
	_ =	sdelay $0x1  }
0x58: {  	v14 =	vadd.s32 $0x1, v13;
	(erf) = vrcp.f32 v7;
	v7 =	vadd.f32 $9.999999930e-09, v21  }
0x59: {  	v15 =	vadd.s32 $0x2, v13;
	v6 =	vmul.u32 $0x3, v6;
	v21 =	vld.idx.msk [tilespmem:v11+s9+$0x0], $0xffff  }
0x5a: {  	v31 =	vld.idx.msk [tilespmem:v12+s9+$0x0], $0xffff  }
0x5b: {  	v13 =	vld.idx.msk [tilespmem:v13+s2+$0x0], $0xffff;
	v23 =	vadd.s32 $0x1, v6;
	(erf) = vrcp.f32 v7  }
0x5c: {  	v38 =	vadd.s32 $0x1, v22;
	v63 =	vadd.s32 $0x2, v22;
	v22 =	vld.idx.msk [tilespmem:v22+s2+$0x0], $0xffff;
	v29 =	vadd.s32 $0x2, v6;
	v7 =	vpop (erf)  }
0x5d: {  	v14 =	vld.idx.msk [tilespmem:v14+s2+$0x0], $0xffff;
	v30 =	vadd.f32 $0.0e+00, v7  }
0x5e: {  	v15 =	vld.idx.msk [tilespmem:v15+s2+$0x0], $0xffff;
	v37 =	vpop (erf);
	v21 =	vmul.u32 $0x3, v21  }
0x5f: {  	v6 =	vld.idx.msk [tilespmem:v6+s2+$0x0], $0xffff;
	v30 =	vadd.f32 v37, v30  }
0x60: {  	v31 =	vmul.u32 $0x3, v31;
	v23 =	vld.idx.msk [tilespmem:v23+s2+$0x0], $0xffff;
	v45 =	vpop (erf)  }
0x61: {  	v29 =	vld.idx.msk [tilespmem:v29+s2+$0x0], $0xffff;
	v53 =	vadd.s32 $0x2, v21;
	v30 =	vadd.f32 v45, v30  }
0x62: {  	v55 =	vadd.s32 $0x1, v31;
	v39 =	vld.idx.msk [tilespmem:v63+s2+$0x0], $0xffff;
	v63 =	vadd.s32 $0x2, v31;
	v13 =	vmul.f32 v7, v13;
	v47 =	vpop (erf)  }
0x63: {  	v14 =	vmul.f32 v14, v7;
	v46 =	vadd.s32 $0x1, v21;
	v30 =	vadd.f32 v47, v30  }
0x64: {  	v13 =	vadd.f32 $0.0e+00, v13;
	v7 =	vmul.f32 v15, v7;
	v54 =	vpop (erf);
	v21 =	vld.idx.msk [tilespmem:v21+s2+$0x0], $0xffff;
	v6 =	vmul.f32 v37, v6  }
0x65: {  	v38 =	vld.idx.msk [tilespmem:v38+s2+$0x0], $0xffff;
	v14 =	vadd.f32 $0.0e+00, v14;
	v23 =	vmul.f32 v23, v37;
	v30 =	vadd.f32 v54, v30  }
0x66: {  	v7 =	vadd.f32 $0.0e+00, v7;
	v53 =	vld.idx.msk [tilespmem:v53+s2+$0x0], $0xffff;
	v29 =	vmul.f32 v29, v37;
	v6 =	vadd.f32 v6, v13  }
0x67: {  	v13 =	vadd.f32 v23, v14;
	v14 =	vmul.f32 v45, v22;
	(erf) = vrcp.f32 v30;
	v30 =	vld.idx.msk [tilespmem:v31+s2+$0x0], $0xffff  }
0x68: {  	v7 =	vadd.f32 v29, v7;
	v31 =	vld.idx.msk [tilespmem:v63+s2+$0x0], $0xffff  }
0x69: {  	v15 =	vld.idx.msk [tilespmem:v46+s2+$0x0], $0xffff;
	v29 =	vmul.f32 v39, v45;
	v6 =	vadd.f32 v14, v6;
	v14 =	vmul.f32 v47, v21;
	_ =	sdelay $0x1  }
0x6a: {  	v22 =	vld.idx.msk [tilespmem:v55+s2+$0x0], $0xffff;
	v7 =	vadd.f32 v29, v7;
	v6 =	vadd.f32 v14, v6;
	v14 =	vmul.f32 v53, v47  }
0x6b: {  	v23 =	vmul.f32 v38, v45  }
0x6c: {  	v7 =	vadd.f32 v14, v7;
	v14 =	vmul.f32 v31, v54  }
0x6d: {  	v13 =	vadd.f32 v23, v13;
	v15 =	vmul.f32 v15, v47  }
0x6e: {  	v7 =	vadd.f32 v14, v7;
	v14 =	vld [tilespmem:$0x1FEE0]  }
0x6f: {  	v13 =	vadd.f32 v15, v13;
	v15 =	vmul.f32 v22, v54  }
0x70: {  	v21 =	vmul.f32 v54, v30;
	_ =	sdelay $0x1  }
0x71: {  	v6 =	vadd.f32 v21, v6  }
0x72: {  	v13 =	vadd.f32 v15, v13;
	v15 =	vpop (erf)  }
0x73: {  	v6 =	vmul.f32 v15, v6;
	_ =	sdelay $0x1  }
0x74: {  	[tilespmem:v14+s11+$0x0] =	vst.idx.msk $0xffff, v6;
	v6 =	vmul.f32 v7, v15;
	v7 =	vld [tilespmem:$0x1FEF0];
	_ =	sdelay $0x5  }
0x75: {  	v13 =	vmul.f32 v15, v13;
	_ =	sdelay $0x1  }
0x76: {  	[tilespmem:v7+s11+$0x0] =	vst.idx.msk $0xffff, v13;
	v7 =	vld [tilespmem:$0x1FF00];
	_ =	sdelay $0x7  }
0x77: {  	[tilespmem:v7+s11+$0x0] =	vst.idx.msk $0xffff, v6  }
0x78: {  	v6 =	vld.idx.msk [tilespmem:v16+s10+$0x0], $0xffff  }
0x79: {  	v7 =	vld.idx.msk [tilespmem:v17+s10+$0x0], $0xffff  }
0x7a: {  	v13 =	vld.idx.msk [tilespmem:v16+s9+$0x0], $0xffff  }
0x7b: {  	v14 =	vld.idx.msk [tilespmem:v18+s10+$0x0], $0xffff  }
0x7c: {  	v15 =	vld.idx.msk [tilespmem:v19+s10+$0x0], $0xffff  }
0x7d: {  	v22 =	vld.idx.msk [tilespmem:v18+s9+$0x0], $0xffff;
	v6 =	vadd.f32 $9.999999930e-09, v6  }
0x7e: {  	v7 =	vadd.f32 $9.999999930e-09, v7  }
0x7f: {  	v21 =	vld.idx.msk [tilespmem:v20+s10+$0x0], $0xffff;
	(erf) = vrcp.f32 v6  }
0x80: {  	v6 =	vld.idx.msk [tilespmem:v17+s9+$0x0], $0xffff;
	(erf) = vrcp.f32 v7;
	v7 =	vadd.f32 $9.999999930e-09, v14  }
0x81: {  	v13 =	vmul.u32 $0x3, v13  }
0x82: {  	v22 =	vmul.u32 $0x3, v22;
	(erf) = vrcp.f32 v7;
	v7 =	vadd.f32 $9.999999930e-09, v15;
	_ =	sdelay $0x1  }
0x83: {  	v14 =	vadd.s32 $0x1, v13;
	(erf) = vrcp.f32 v7;
	v7 =	vadd.f32 $9.999999930e-09, v21  }
0x84: {  	v15 =	vadd.s32 $0x2, v13;
	v6 =	vmul.u32 $0x3, v6;
	v21 =	vld.idx.msk [tilespmem:v19+s9+$0x0], $0xffff  }
0x85: {  	v31 =	vld.idx.msk [tilespmem:v20+s9+$0x0], $0xffff  }
0x86: {  	v13 =	vld.idx.msk [tilespmem:v13+s2+$0x0], $0xffff;
	v23 =	vadd.s32 $0x1, v6;
	(erf) = vrcp.f32 v7  }
0x87: {  	v38 =	vadd.s32 $0x1, v22;
	v63 =	vadd.s32 $0x2, v22;
	v22 =	vld.idx.msk [tilespmem:v22+s2+$0x0], $0xffff;
	v29 =	vadd.s32 $0x2, v6;
	v7 =	vpop (erf)  }
0x88: {  	v14 =	vld.idx.msk [tilespmem:v14+s2+$0x0], $0xffff;
	v30 =	vadd.f32 $0.0e+00, v7  }
0x89: {  	v15 =	vld.idx.msk [tilespmem:v15+s2+$0x0], $0xffff;
	v37 =	vpop (erf);
	v21 =	vmul.u32 $0x3, v21  }
0x8a: {  	v6 =	vld.idx.msk [tilespmem:v6+s2+$0x0], $0xffff;
	v30 =	vadd.f32 v37, v30  }
0x8b: {  	v31 =	vmul.u32 $0x3, v31;
	v23 =	vld.idx.msk [tilespmem:v23+s2+$0x0], $0xffff;
	v45 =	vpop (erf)  }
0x8c: {  	v29 =	vld.idx.msk [tilespmem:v29+s2+$0x0], $0xffff;
	v53 =	vadd.s32 $0x2, v21;
	v30 =	vadd.f32 v45, v30  }
0x8d: {  	v55 =	vadd.s32 $0x1, v31;
	v39 =	vld.idx.msk [tilespmem:v63+s2+$0x0], $0xffff;
	v63 =	vadd.s32 $0x2, v31;
	v13 =	vmul.f32 v7, v13;
	v47 =	vpop (erf)  }
0x8e: {  	v14 =	vmul.f32 v14, v7;
	v46 =	vadd.s32 $0x1, v21;
	v30 =	vadd.f32 v47, v30  }
0x8f: {  	v13 =	vadd.f32 $0.0e+00, v13;
	v7 =	vmul.f32 v15, v7;
	v54 =	vpop (erf);
	v21 =	vld.idx.msk [tilespmem:v21+s2+$0x0], $0xffff;
	v6 =	vmul.f32 v37, v6  }
0x90: {  	v38 =	vld.idx.msk [tilespmem:v38+s2+$0x0], $0xffff;
	v14 =	vadd.f32 $0.0e+00, v14;
	v23 =	vmul.f32 v23, v37;
	v30 =	vadd.f32 v54, v30  }
0x91: {  	v7 =	vadd.f32 $0.0e+00, v7;
	v53 =	vld.idx.msk [tilespmem:v53+s2+$0x0], $0xffff;
	v29 =	vmul.f32 v29, v37;
	v6 =	vadd.f32 v6, v13  }
0x92: {  	v13 =	vadd.f32 v23, v14;
	v14 =	vmul.f32 v45, v22;
	(erf) = vrcp.f32 v30;
	v30 =	vld.idx.msk [tilespmem:v31+s2+$0x0], $0xffff  }
0x93: {  	v7 =	vadd.f32 v29, v7;
	v31 =	vld.idx.msk [tilespmem:v63+s2+$0x0], $0xffff  }
0x94: {  	v15 =	vld.idx.msk [tilespmem:v46+s2+$0x0], $0xffff;
	v29 =	vmul.f32 v39, v45;
	v6 =	vadd.f32 v14, v6;
	v14 =	vmul.f32 v47, v21;
	_ =	sdelay $0x1  }
0x95: {  	v22 =	vld.idx.msk [tilespmem:v55+s2+$0x0], $0xffff;
	v7 =	vadd.f32 v29, v7;
	v6 =	vadd.f32 v14, v6;
	v14 =	vmul.f32 v53, v47  }
0x96: {  	v23 =	vmul.f32 v38, v45  }
0x97: {  	v7 =	vadd.f32 v14, v7;
	v14 =	vmul.f32 v31, v54  }
0x98: {  	v13 =	vadd.f32 v23, v13;
	v15 =	vmul.f32 v15, v47  }
0x99: {  	v7 =	vadd.f32 v14, v7;
	v14 =	vld [tilespmem:$0x1FF10]  }
0x9a: {  	v13 =	vadd.f32 v15, v13;
	v15 =	vmul.f32 v22, v54  }
0x9b: {  	v21 =	vmul.f32 v54, v30;
	_ =	sdelay $0x1  }
0x9c: {  	v6 =	vadd.f32 v21, v6  }
0x9d: {  	v13 =	vadd.f32 v15, v13;
	v15 =	vpop (erf)  }
0x9e: {  	v6 =	vmul.f32 v15, v6;
	_ =	sdelay $0x1  }
0x9f: {  	[tilespmem:v14+s11+$0x0] =	vst.idx.msk $0xffff, v6;
	v6 =	vmul.f32 v7, v15;
	v7 =	vld [tilespmem:$0x1FF20];
	_ =	sdelay $0x5  }
0xa0: {  	v13 =	vmul.f32 v15, v13;
	_ =	sdelay $0x1  }
0xa1: {  	[tilespmem:v7+s11+$0x0] =	vst.idx.msk $0xffff, v13;
	v7 =	vld [tilespmem:$0x1FF30];
	_ =	sdelay $0x7  }
0xa2: {  	[tilespmem:v7+s11+$0x0] =	vst.idx.msk $0xffff, v6  }
0xa3: {  	v6 =	vld.idx.msk [tilespmem:v24+s10+$0x0], $0xffff  }
0xa4: {  	v7 =	vld.idx.msk [tilespmem:v25+s10+$0x0], $0xffff  }
0xa5: {  	v13 =	vld.idx.msk [tilespmem:v24+s9+$0x0], $0xffff  }
0xa6: {  	v14 =	vld.idx.msk [tilespmem:v26+s10+$0x0], $0xffff  }
0xa7: {  	v15 =	vld.idx.msk [tilespmem:v27+s10+$0x0], $0xffff  }
0xa8: {  	v22 =	vld.idx.msk [tilespmem:v26+s9+$0x0], $0xffff;
	v6 =	vadd.f32 $9.999999930e-09, v6  }
0xa9: {  	v7 =	vadd.f32 $9.999999930e-09, v7  }
0xaa: {  	v21 =	vld.idx.msk [tilespmem:v28+s10+$0x0], $0xffff;
	(erf) = vrcp.f32 v6  }
0xab: {  	v6 =	vld.idx.msk [tilespmem:v25+s9+$0x0], $0xffff;
	(erf) = vrcp.f32 v7;
	v7 =	vadd.f32 $9.999999930e-09, v14  }
0xac: {  	v13 =	vmul.u32 $0x3, v13  }
0xad: {  	v22 =	vmul.u32 $0x3, v22;
	(erf) = vrcp.f32 v7;
	v7 =	vadd.f32 $9.999999930e-09, v15;
	_ =	sdelay $0x1  }
0xae: {  	v14 =	vadd.s32 $0x1, v13;
	(erf) = vrcp.f32 v7;
	v7 =	vadd.f32 $9.999999930e-09, v21  }
0xaf: {  	v15 =	vadd.s32 $0x2, v13;
	v6 =	vmul.u32 $0x3, v6;
	v21 =	vld.idx.msk [tilespmem:v27+s9+$0x0], $0xffff  }
0xb0: {  	v31 =	vld.idx.msk [tilespmem:v28+s9+$0x0], $0xffff  }
0xb1: {  	v13 =	vld.idx.msk [tilespmem:v13+s2+$0x0], $0xffff;
	v23 =	vadd.s32 $0x1, v6;
	(erf) = vrcp.f32 v7  }
0xb2: {  	v38 =	vadd.s32 $0x1, v22;
	v63 =	vadd.s32 $0x2, v22;
	v22 =	vld.idx.msk [tilespmem:v22+s2+$0x0], $0xffff;
	v29 =	vadd.s32 $0x2, v6;
	v7 =	vpop (erf)  }
0xb3: {  	v14 =	vld.idx.msk [tilespmem:v14+s2+$0x0], $0xffff;
	v30 =	vadd.f32 $0.0e+00, v7  }
0xb4: {  	v15 =	vld.idx.msk [tilespmem:v15+s2+$0x0], $0xffff;
	v37 =	vpop (erf);
	v21 =	vmul.u32 $0x3, v21  }
0xb5: {  	v6 =	vld.idx.msk [tilespmem:v6+s2+$0x0], $0xffff;
	v30 =	vadd.f32 v37, v30  }
0xb6: {  	v31 =	vmul.u32 $0x3, v31;
	v23 =	vld.idx.msk [tilespmem:v23+s2+$0x0], $0xffff;
	v45 =	vpop (erf)  }
0xb7: {  	v29 =	vld.idx.msk [tilespmem:v29+s2+$0x0], $0xffff;
	v53 =	vadd.s32 $0x2, v21;
	v30 =	vadd.f32 v45, v30  }
0xb8: {  	v55 =	vadd.s32 $0x1, v31;
	v39 =	vld.idx.msk [tilespmem:v63+s2+$0x0], $0xffff;
	v63 =	vadd.s32 $0x2, v31;
	v13 =	vmul.f32 v7, v13;
	v47 =	vpop (erf)  }
0xb9: {  	v14 =	vmul.f32 v14, v7;
	v46 =	vadd.s32 $0x1, v21;
	v30 =	vadd.f32 v47, v30  }
0xba: {  	v13 =	vadd.f32 $0.0e+00, v13;
	v7 =	vmul.f32 v15, v7;
	v54 =	vpop (erf);
	v21 =	vld.idx.msk [tilespmem:v21+s2+$0x0], $0xffff;
	v6 =	vmul.f32 v37, v6  }
0xbb: {  	v38 =	vld.idx.msk [tilespmem:v38+s2+$0x0], $0xffff;
	v14 =	vadd.f32 $0.0e+00, v14;
	v23 =	vmul.f32 v23, v37;
	v30 =	vadd.f32 v54, v30  }
0xbc: {  	v7 =	vadd.f32 $0.0e+00, v7;
	v53 =	vld.idx.msk [tilespmem:v53+s2+$0x0], $0xffff;
	v29 =	vmul.f32 v29, v37;
	v6 =	vadd.f32 v6, v13  }
0xbd: {  	v13 =	vadd.f32 v23, v14;
	v14 =	vmul.f32 v45, v22;
	(erf) = vrcp.f32 v30;
	v30 =	vld.idx.msk [tilespmem:v31+s2+$0x0], $0xffff  }
0xbe: {  	v7 =	vadd.f32 v29, v7;
	v31 =	vld.idx.msk [tilespmem:v63+s2+$0x0], $0xffff  }
0xbf: {  	v15 =	vld.idx.msk [tilespmem:v46+s2+$0x0], $0xffff;
	v29 =	vmul.f32 v39, v45;
	v6 =	vadd.f32 v14, v6;
	v14 =	vmul.f32 v47, v21;
	_ =	sdelay $0x1  }
0xc0: {  	v22 =	vld.idx.msk [tilespmem:v55+s2+$0x0], $0xffff;
	v7 =	vadd.f32 v29, v7;
	v6 =	vadd.f32 v14, v6;
	v14 =	vmul.f32 v53, v47  }
0xc1: {  	v23 =	vmul.f32 v38, v45  }
0xc2: {  	v7 =	vadd.f32 v14, v7;
	v14 =	vmul.f32 v31, v54  }
0xc3: {  	v13 =	vadd.f32 v23, v13;
	v15 =	vmul.f32 v15, v47  }
0xc4: {  	v7 =	vadd.f32 v14, v7;
	v14 =	vld [tilespmem:$0x1FF40]  }
0xc5: {  	v13 =	vadd.f32 v15, v13;
	v15 =	vmul.f32 v22, v54  }
0xc6: {  	v21 =	vmul.f32 v54, v30;
	_ =	sdelay $0x1  }
0xc7: {  	v6 =	vadd.f32 v21, v6  }
0xc8: {  	v13 =	vadd.f32 v15, v13;
	v15 =	vpop (erf)  }
0xc9: {  	v6 =	vmul.f32 v15, v6;
	_ =	sdelay $0x1  }
0xca: {  	[tilespmem:v14+s11+$0x0] =	vst.idx.msk $0xffff, v6;
	v6 =	vmul.f32 v7, v15;
	v7 =	vld [tilespmem:$0x1FF50];
	_ =	sdelay $0x5  }
0xcb: {  	v13 =	vmul.f32 v15, v13;
	_ =	sdelay $0x1  }
0xcc: {  	[tilespmem:v7+s11+$0x0] =	vst.idx.msk $0xffff, v13;
	v7 =	vld [tilespmem:$0x1FF60];
	_ =	sdelay $0x7  }
0xcd: {  	[tilespmem:v7+s11+$0x0] =	vst.idx.msk $0xffff, v6  }
0xce: {  	v6 =	vld.idx.msk [tilespmem:v32+s10+$0x0], $0xffff  }
0xcf: {  	v7 =	vld.idx.msk [tilespmem:v33+s10+$0x0], $0xffff  }
0xd0: {  	v13 =	vld.idx.msk [tilespmem:v32+s9+$0x0], $0xffff  }
0xd1: {  	v14 =	vld.idx.msk [tilespmem:v34+s10+$0x0], $0xffff  }
0xd2: {  	v15 =	vld.idx.msk [tilespmem:v35+s10+$0x0], $0xffff  }
0xd3: {  	v22 =	vld.idx.msk [tilespmem:v34+s9+$0x0], $0xffff;
	v6 =	vadd.f32 $9.999999930e-09, v6  }
0xd4: {  	v7 =	vadd.f32 $9.999999930e-09, v7  }
0xd5: {  	v21 =	vld.idx.msk [tilespmem:v36+s10+$0x0], $0xffff;
	(erf) = vrcp.f32 v6  }
0xd6: {  	v6 =	vld.idx.msk [tilespmem:v33+s9+$0x0], $0xffff;
	(erf) = vrcp.f32 v7;
	v7 =	vadd.f32 $9.999999930e-09, v14  }
0xd7: {  	v13 =	vmul.u32 $0x3, v13  }
0xd8: {  	v22 =	vmul.u32 $0x3, v22;
	(erf) = vrcp.f32 v7;
	v7 =	vadd.f32 $9.999999930e-09, v15;
	_ =	sdelay $0x1  }
0xd9: {  	v14 =	vadd.s32 $0x1, v13;
	(erf) = vrcp.f32 v7;
	v7 =	vadd.f32 $9.999999930e-09, v21  }
0xda: {  	v15 =	vadd.s32 $0x2, v13;
	v6 =	vmul.u32 $0x3, v6;
	v21 =	vld.idx.msk [tilespmem:v35+s9+$0x0], $0xffff  }
0xdb: {  	v31 =	vld.idx.msk [tilespmem:v36+s9+$0x0], $0xffff  }
0xdc: {  	v13 =	vld.idx.msk [tilespmem:v13+s2+$0x0], $0xffff;
	v23 =	vadd.s32 $0x1, v6;
	(erf) = vrcp.f32 v7  }
0xdd: {  	v38 =	vadd.s32 $0x1, v22;
	v63 =	vadd.s32 $0x2, v22;
	v22 =	vld.idx.msk [tilespmem:v22+s2+$0x0], $0xffff;
	v29 =	vadd.s32 $0x2, v6;
	v7 =	vpop (erf)  }
0xde: {  	v14 =	vld.idx.msk [tilespmem:v14+s2+$0x0], $0xffff;
	v30 =	vadd.f32 $0.0e+00, v7  }
0xdf: {  	v15 =	vld.idx.msk [tilespmem:v15+s2+$0x0], $0xffff;
	v37 =	vpop (erf);
	v21 =	vmul.u32 $0x3, v21  }
0xe0: {  	v6 =	vld.idx.msk [tilespmem:v6+s2+$0x0], $0xffff;
	v30 =	vadd.f32 v37, v30  }
0xe1: {  	v31 =	vmul.u32 $0x3, v31;
	v23 =	vld.idx.msk [tilespmem:v23+s2+$0x0], $0xffff;
	v45 =	vpop (erf)  }
0xe2: {  	v29 =	vld.idx.msk [tilespmem:v29+s2+$0x0], $0xffff;
	v53 =	vadd.s32 $0x2, v21;
	v30 =	vadd.f32 v45, v30  }
0xe3: {  	v55 =	vadd.s32 $0x1, v31;
	v39 =	vld.idx.msk [tilespmem:v63+s2+$0x0], $0xffff;
	v63 =	vadd.s32 $0x2, v31;
	v13 =	vmul.f32 v7, v13;
	v47 =	vpop (erf)  }
0xe4: {  	v14 =	vmul.f32 v14, v7;
	v46 =	vadd.s32 $0x1, v21;
	v30 =	vadd.f32 v47, v30  }
0xe5: {  	v13 =	vadd.f32 $0.0e+00, v13;
	v7 =	vmul.f32 v15, v7;
	v54 =	vpop (erf);
	v21 =	vld.idx.msk [tilespmem:v21+s2+$0x0], $0xffff;
	v6 =	vmul.f32 v37, v6  }
0xe6: {  	v38 =	vld.idx.msk [tilespmem:v38+s2+$0x0], $0xffff;
	v14 =	vadd.f32 $0.0e+00, v14;
	v23 =	vmul.f32 v23, v37;
	v30 =	vadd.f32 v54, v30  }
0xe7: {  	v7 =	vadd.f32 $0.0e+00, v7;
	v53 =	vld.idx.msk [tilespmem:v53+s2+$0x0], $0xffff;
	v29 =	vmul.f32 v29, v37;
	v6 =	vadd.f32 v6, v13  }
0xe8: {  	v13 =	vadd.f32 v23, v14;
	v14 =	vmul.f32 v45, v22;
	(erf) = vrcp.f32 v30;
	v30 =	vld.idx.msk [tilespmem:v31+s2+$0x0], $0xffff  }
0xe9: {  	v7 =	vadd.f32 v29, v7;
	v31 =	vld.idx.msk [tilespmem:v63+s2+$0x0], $0xffff  }
0xea: {  	v15 =	vld.idx.msk [tilespmem:v46+s2+$0x0], $0xffff;
	v29 =	vmul.f32 v39, v45;
	v6 =	vadd.f32 v14, v6;
	v14 =	vmul.f32 v47, v21;
	_ =	sdelay $0x1  }
0xeb: {  	v22 =	vld.idx.msk [tilespmem:v55+s2+$0x0], $0xffff;
	v7 =	vadd.f32 v29, v7;
	v6 =	vadd.f32 v14, v6;
	v14 =	vmul.f32 v53, v47  }
0xec: {  	v23 =	vmul.f32 v38, v45  }
0xed: {  	v7 =	vadd.f32 v14, v7;
	v14 =	vmul.f32 v31, v54  }
0xee: {  	v13 =	vadd.f32 v23, v13;
	v15 =	vmul.f32 v15, v47  }
0xef: {  	v7 =	vadd.f32 v14, v7;
	v14 =	vld [tilespmem:$0x1FF70]  }
0xf0: {  	v13 =	vadd.f32 v15, v13;
	v15 =	vmul.f32 v22, v54  }
0xf1: {  	v21 =	vmul.f32 v54, v30;
	_ =	sdelay $0x1  }
0xf2: {  	v6 =	vadd.f32 v21, v6  }
0xf3: {  	v13 =	vadd.f32 v15, v13;
	v15 =	vpop (erf)  }
0xf4: {  	v6 =	vmul.f32 v15, v6;
	_ =	sdelay $0x1  }
0xf5: {  	[tilespmem:v14+s11+$0x0] =	vst.idx.msk $0xffff, v6;
	v6 =	vmul.f32 v7, v15;
	v7 =	vld [tilespmem:$0x1FF80];
	_ =	sdelay $0x5  }
0xf6: {  	v13 =	vmul.f32 v15, v13;
	_ =	sdelay $0x1  }
0xf7: {  	[tilespmem:v7+s11+$0x0] =	vst.idx.msk $0xffff, v13;
	v7 =	vld [tilespmem:$0x1FF90];
	_ =	sdelay $0x7  }
0xf8: {  	[tilespmem:v7+s11+$0x0] =	vst.idx.msk $0xffff, v6  }
0xf9: {  	v6 =	vld.idx.msk [tilespmem:v40+s10+$0x0], $0xffff  }
0xfa: {  	v7 =	vld.idx.msk [tilespmem:v41+s10+$0x0], $0xffff  }
0xfb: {  	v13 =	vld.idx.msk [tilespmem:v40+s9+$0x0], $0xffff  }
0xfc: {  	v14 =	vld.idx.msk [tilespmem:v42+s10+$0x0], $0xffff  }
0xfd: {  	v15 =	vld.idx.msk [tilespmem:v43+s10+$0x0], $0xffff  }
0xfe: {  	v22 =	vld.idx.msk [tilespmem:v42+s9+$0x0], $0xffff;
	v6 =	vadd.f32 $9.999999930e-09, v6  }
0xff: {  	v7 =	vadd.f32 $9.999999930e-09, v7  }
0x100: {  	v21 =	vld.idx.msk [tilespmem:v44+s10+$0x0], $0xffff;
	(erf) = vrcp.f32 v6  }
0x101: {  	v6 =	vld.idx.msk [tilespmem:v41+s9+$0x0], $0xffff;
	(erf) = vrcp.f32 v7;
	v7 =	vadd.f32 $9.999999930e-09, v14  }
0x102: {  	v13 =	vmul.u32 $0x3, v13  }
0x103: {  	v22 =	vmul.u32 $0x3, v22;
	(erf) = vrcp.f32 v7;
	v7 =	vadd.f32 $9.999999930e-09, v15;
	_ =	sdelay $0x1  }
0x104: {  	v14 =	vadd.s32 $0x1, v13;
	(erf) = vrcp.f32 v7;
	v7 =	vadd.f32 $9.999999930e-09, v21  }
0x105: {  	v15 =	vadd.s32 $0x2, v13;
	v6 =	vmul.u32 $0x3, v6;
	v21 =	vld.idx.msk [tilespmem:v43+s9+$0x0], $0xffff  }
0x106: {  	v31 =	vld.idx.msk [tilespmem:v44+s9+$0x0], $0xffff  }
0x107: {  	v13 =	vld.idx.msk [tilespmem:v13+s2+$0x0], $0xffff;
	v23 =	vadd.s32 $0x1, v6;
	(erf) = vrcp.f32 v7  }
0x108: {  	v38 =	vadd.s32 $0x1, v22;
	v63 =	vadd.s32 $0x2, v22;
	v22 =	vld.idx.msk [tilespmem:v22+s2+$0x0], $0xffff;
	v29 =	vadd.s32 $0x2, v6;
	v7 =	vpop (erf)  }
0x109: {  	v14 =	vld.idx.msk [tilespmem:v14+s2+$0x0], $0xffff;
	v30 =	vadd.f32 $0.0e+00, v7  }
0x10a: {  	v15 =	vld.idx.msk [tilespmem:v15+s2+$0x0], $0xffff;
	v37 =	vpop (erf);
	v21 =	vmul.u32 $0x3, v21  }
0x10b: {  	v6 =	vld.idx.msk [tilespmem:v6+s2+$0x0], $0xffff;
	v30 =	vadd.f32 v37, v30  }
0x10c: {  	v31 =	vmul.u32 $0x3, v31;
	v23 =	vld.idx.msk [tilespmem:v23+s2+$0x0], $0xffff;
	v45 =	vpop (erf)  }
0x10d: {  	v29 =	vld.idx.msk [tilespmem:v29+s2+$0x0], $0xffff;
	v53 =	vadd.s32 $0x2, v21;
	v30 =	vadd.f32 v45, v30  }
0x10e: {  	v55 =	vadd.s32 $0x1, v31;
	v39 =	vld.idx.msk [tilespmem:v63+s2+$0x0], $0xffff;
	v63 =	vadd.s32 $0x2, v31;
	v13 =	vmul.f32 v7, v13;
	v47 =	vpop (erf)  }
0x10f: {  	v14 =	vmul.f32 v14, v7;
	v46 =	vadd.s32 $0x1, v21;
	v30 =	vadd.f32 v47, v30  }
0x110: {  	v13 =	vadd.f32 $0.0e+00, v13;
	v7 =	vmul.f32 v15, v7;
	v54 =	vpop (erf);
	v21 =	vld.idx.msk [tilespmem:v21+s2+$0x0], $0xffff;
	v6 =	vmul.f32 v37, v6  }
0x111: {  	v38 =	vld.idx.msk [tilespmem:v38+s2+$0x0], $0xffff;
	v14 =	vadd.f32 $0.0e+00, v14;
	v23 =	vmul.f32 v23, v37;
	v30 =	vadd.f32 v54, v30  }
0x112: {  	v7 =	vadd.f32 $0.0e+00, v7;
	v53 =	vld.idx.msk [tilespmem:v53+s2+$0x0], $0xffff;
	v29 =	vmul.f32 v29, v37;
	v6 =	vadd.f32 v6, v13  }
0x113: {  	v13 =	vadd.f32 v23, v14;
	v14 =	vmul.f32 v45, v22;
	(erf) = vrcp.f32 v30;
	v30 =	vld.idx.msk [tilespmem:v31+s2+$0x0], $0xffff  }
0x114: {  	v7 =	vadd.f32 v29, v7;
	v31 =	vld.idx.msk [tilespmem:v63+s2+$0x0], $0xffff  }
0x115: {  	v15 =	vld.idx.msk [tilespmem:v46+s2+$0x0], $0xffff;
	v29 =	vmul.f32 v39, v45;
	v6 =	vadd.f32 v14, v6;
	v14 =	vmul.f32 v47, v21;
	_ =	sdelay $0x1  }
0x116: {  	v22 =	vld.idx.msk [tilespmem:v55+s2+$0x0], $0xffff;
	v7 =	vadd.f32 v29, v7;
	v6 =	vadd.f32 v14, v6;
	v14 =	vmul.f32 v53, v47  }
0x117: {  	v23 =	vmul.f32 v38, v45  }
0x118: {  	v7 =	vadd.f32 v14, v7;
	v14 =	vmul.f32 v31, v54  }
0x119: {  	v13 =	vadd.f32 v23, v13;
	v15 =	vmul.f32 v15, v47  }
0x11a: {  	v7 =	vadd.f32 v14, v7;
	v14 =	vld [tilespmem:$0x1FFA0]  }
0x11b: {  	v13 =	vadd.f32 v15, v13;
	v15 =	vmul.f32 v22, v54  }
0x11c: {  	v21 =	vmul.f32 v54, v30;
	_ =	sdelay $0x1  }
0x11d: {  	v6 =	vadd.f32 v21, v6  }
0x11e: {  	v13 =	vadd.f32 v15, v13;
	v15 =	vpop (erf)  }
0x11f: {  	v6 =	vmul.f32 v15, v6;
	_ =	sdelay $0x1  }
0x120: {  	[tilespmem:v14+s11+$0x0] =	vst.idx.msk $0xffff, v6;
	v6 =	vmul.f32 v7, v15;
	v7 =	vld [tilespmem:$0x1FFB0];
	_ =	sdelay $0x5  }
0x121: {  	v13 =	vmul.f32 v15, v13;
	_ =	sdelay $0x1  }
0x122: {  	[tilespmem:v7+s11+$0x0] =	vst.idx.msk $0xffff, v13;
	v7 =	vld [tilespmem:$0x1FFC0];
	_ =	sdelay $0x7  }
0x123: {  	[tilespmem:v7+s11+$0x0] =	vst.idx.msk $0xffff, v6  }
0x124: {  	v6 =	vld.idx.msk [tilespmem:v48+s10+$0x0], $0xffff  }
0x125: {  	v7 =	vld.idx.msk [tilespmem:v49+s10+$0x0], $0xffff  }
0x126: {  	v13 =	vld.idx.msk [tilespmem:v48+s9+$0x0], $0xffff  }
0x127: {  	v14 =	vld.idx.msk [tilespmem:v50+s10+$0x0], $0xffff  }
0x128: {  	v15 =	vld.idx.msk [tilespmem:v51+s10+$0x0], $0xffff  }
0x129: {  	v22 =	vld.idx.msk [tilespmem:v50+s9+$0x0], $0xffff;
	v6 =	vadd.f32 $9.999999930e-09, v6  }
0x12a: {  	v7 =	vadd.f32 $9.999999930e-09, v7  }
0x12b: {  	v21 =	vld.idx.msk [tilespmem:v52+s10+$0x0], $0xffff;
	(erf) = vrcp.f32 v6  }
0x12c: {  	v6 =	vld.idx.msk [tilespmem:v49+s9+$0x0], $0xffff;
	(erf) = vrcp.f32 v7;
	v7 =	vadd.f32 $9.999999930e-09, v14  }
0x12d: {  	v13 =	vmul.u32 $0x3, v13  }
0x12e: {  	v22 =	vmul.u32 $0x3, v22;
	(erf) = vrcp.f32 v7;
	v7 =	vadd.f32 $9.999999930e-09, v15;
	_ =	sdelay $0x1  }
0x12f: {  	v14 =	vadd.s32 $0x1, v13;
	(erf) = vrcp.f32 v7;
	v7 =	vadd.f32 $9.999999930e-09, v21  }
0x130: {  	v15 =	vadd.s32 $0x2, v13;
	v6 =	vmul.u32 $0x3, v6;
	v21 =	vld.idx.msk [tilespmem:v51+s9+$0x0], $0xffff  }
0x131: {  	v31 =	vld.idx.msk [tilespmem:v52+s9+$0x0], $0xffff  }
0x132: {  	v13 =	vld.idx.msk [tilespmem:v13+s2+$0x0], $0xffff;
	v23 =	vadd.s32 $0x1, v6;
	(erf) = vrcp.f32 v7  }
0x133: {  	v38 =	vadd.s32 $0x1, v22;
	v63 =	vadd.s32 $0x2, v22;
	v22 =	vld.idx.msk [tilespmem:v22+s2+$0x0], $0xffff;
	v29 =	vadd.s32 $0x2, v6;
	v7 =	vpop (erf)  }
0x134: {  	v14 =	vld.idx.msk [tilespmem:v14+s2+$0x0], $0xffff;
	v30 =	vadd.f32 $0.0e+00, v7  }
0x135: {  	v15 =	vld.idx.msk [tilespmem:v15+s2+$0x0], $0xffff;
	v37 =	vpop (erf);
	v21 =	vmul.u32 $0x3, v21  }
0x136: {  	v6 =	vld.idx.msk [tilespmem:v6+s2+$0x0], $0xffff;
	v30 =	vadd.f32 v37, v30  }
0x137: {  	v31 =	vmul.u32 $0x3, v31;
	v23 =	vld.idx.msk [tilespmem:v23+s2+$0x0], $0xffff;
	v45 =	vpop (erf)  }
0x138: {  	v29 =	vld.idx.msk [tilespmem:v29+s2+$0x0], $0xffff;
	v53 =	vadd.s32 $0x2, v21;
	v30 =	vadd.f32 v45, v30  }
0x139: {  	v55 =	vadd.s32 $0x1, v31;
	v39 =	vld.idx.msk [tilespmem:v63+s2+$0x0], $0xffff;
	v63 =	vadd.s32 $0x2, v31;
	v13 =	vmul.f32 v7, v13;
	v47 =	vpop (erf)  }
0x13a: {  	v14 =	vmul.f32 v14, v7;
	v46 =	vadd.s32 $0x1, v21;
	v30 =	vadd.f32 v47, v30  }
0x13b: {  	v13 =	vadd.f32 $0.0e+00, v13;
	v7 =	vmul.f32 v15, v7;
	v54 =	vpop (erf);
	v21 =	vld.idx.msk [tilespmem:v21+s2+$0x0], $0xffff;
	v6 =	vmul.f32 v37, v6  }
0x13c: {  	v38 =	vld.idx.msk [tilespmem:v38+s2+$0x0], $0xffff;
	v14 =	vadd.f32 $0.0e+00, v14;
	v23 =	vmul.f32 v23, v37;
	v30 =	vadd.f32 v54, v30  }
0x13d: {  	v7 =	vadd.f32 $0.0e+00, v7;
	v53 =	vld.idx.msk [tilespmem:v53+s2+$0x0], $0xffff;
	v29 =	vmul.f32 v29, v37;
	v6 =	vadd.f32 v6, v13  }
0x13e: {  	v13 =	vadd.f32 v23, v14;
	v14 =	vmul.f32 v45, v22;
	(erf) = vrcp.f32 v30;
	v30 =	vld.idx.msk [tilespmem:v31+s2+$0x0], $0xffff  }
0x13f: {  	v7 =	vadd.f32 v29, v7;
	v31 =	vld.idx.msk [tilespmem:v63+s2+$0x0], $0xffff  }
0x140: {  	v15 =	vld.idx.msk [tilespmem:v46+s2+$0x0], $0xffff;
	v29 =	vmul.f32 v39, v45;
	v6 =	vadd.f32 v14, v6;
	v14 =	vmul.f32 v47, v21;
	_ =	sdelay $0x1  }
0x141: {  	v22 =	vld.idx.msk [tilespmem:v55+s2+$0x0], $0xffff;
	v7 =	vadd.f32 v29, v7;
	v6 =	vadd.f32 v14, v6;
	v14 =	vmul.f32 v53, v47  }
0x142: {  	v23 =	vmul.f32 v38, v45  }
0x143: {  	v7 =	vadd.f32 v14, v7;
	v14 =	vmul.f32 v31, v54  }
0x144: {  	v13 =	vadd.f32 v23, v13;
	v15 =	vmul.f32 v15, v47  }
0x145: {  	v7 =	vadd.f32 v14, v7;
	v14 =	vld [tilespmem:$0x1FFD0]  }
0x146: {  	v13 =	vadd.f32 v15, v13;
	v15 =	vmul.f32 v22, v54  }
0x147: {  	v21 =	vmul.f32 v54, v30;
	_ =	sdelay $0x1  }
0x148: {  	v6 =	vadd.f32 v21, v6  }
0x149: {  	v13 =	vadd.f32 v15, v13;
	v15 =	vpop (erf)  }
0x14a: {  	v6 =	vmul.f32 v15, v6;
	_ =	sdelay $0x1  }
0x14b: {  	[tilespmem:v14+s11+$0x0] =	vst.idx.msk $0xffff, v6;
	v6 =	vmul.f32 v7, v15;
	v7 =	vld [tilespmem:$0x1FFE0];
	_ =	sdelay $0x5  }
0x14c: {  	v13 =	vmul.f32 v15, v13;
	_ =	sdelay $0x1  }
0x14d: {  	[tilespmem:v7+s11+$0x0] =	vst.idx.msk $0xffff, v13;
	v7 =	vld [tilespmem:$0x1FFF0];
	_ =	sdelay $0x7  }
0x14e: {  	[tilespmem:v7+s11+$0x0] =	vst.idx.msk $0xffff, v6  }
0x14f: {  	v6 =	vld.idx.msk [tilespmem:v56+s10+$0x0], $0xffff;
	_ =	sdelay $0x1  }
0x150: {  	v7 =	vld.idx.msk [tilespmem:v57+s10+$0x0], $0xffff  }
0x151: {  	v13 =	vld.idx.msk [tilespmem:v58+s10+$0x0], $0xffff  }
0x152: {  	v15 =	vld.idx.msk [tilespmem:v59+s10+$0x0], $0xffff  }
0x153: {  	v21 =	vld.idx.msk [tilespmem:v57+s9+$0x0], $0xffff;
	v6 =	vadd.f32 $9.999999930e-09, v6  }
0x154: {  	v22 =	vld.idx.msk [tilespmem:v59+s9+$0x0], $0xffff  }
0x155: {  	v14 =	vld.idx.msk [tilespmem:v56+s9+$0x0], $0xffff;
	(erf) = vrcp.f32 v6;
	v6 =	vadd.f32 $9.999999930e-09, v7  }
0x156: {  	v7 =	vld.idx.msk [tilespmem:v60+s10+$0x0], $0xffff  }
0x157: {  	(erf) = vrcp.f32 v6;
	v6 =	vadd.f32 $9.999999930e-09, v13  }
0x158: {  	v21 =	vmul.u32 $0x3, v21  }
0x159: {  	v22 =	vmul.u32 $0x3, v22;
	(erf) = vrcp.f32 v6;
	v6 =	vadd.f32 $9.999999930e-09, v15  }
0x15a: {  	v23 =	vadd.s32 $0x1, v21;
	v15 =	vld.idx.msk [tilespmem:v58+s9+$0x0], $0xffff  }
0x15b: {  	v13 =	vmul.u32 $0x3, v14;
	(erf) = vrcp.f32 v6;
	v6 =	vadd.f32 $9.999999930e-09, v7;
	_ =	sdelay $0x1  }
0x15c: {  	v37 =	vld.idx.msk [tilespmem:v60+s9+$0x0], $0xffff;
	v14 =	vadd.s32 $0x1, v13  }
0x15d: {  	v30 =	vadd.s32 $0x2, v21;
	v21 =	vld.idx.msk [tilespmem:v21+s2+$0x0], $0xffff;
	v7 =	vadd.s32 $0x2, v13;
	(erf) = vrcp.f32 v6  }
0x15e: {  	v47 =	vadd.s32 $0x1, v22;
	v53 =	vadd.s32 $0x2, v22;
	v22 =	vld.idx.msk [tilespmem:v22+s2+$0x0], $0xffff;
	v15 =	vmul.u32 $0x3, v15;
	v6 =	vpop (erf)  }
0x15f: {  	v23 =	vld.idx.msk [tilespmem:v23+s2+$0x0], $0xffff;
	v29 =	vadd.f32 $0.0e+00, v6  }
0x160: {  	v13 =	vld.idx.msk [tilespmem:v13+s2+$0x0], $0xffff;
	v31 =	vpop (erf);
	v38 =	vadd.s32 $0x1, v15  }
0x161: {  	v14 =	vld.idx.msk [tilespmem:v14+s2+$0x0], $0xffff;
	v63 =	vadd.s32 $0x2, v15;
	v29 =	vadd.f32 v31, v29  }
0x162: {  	v37 =	vmul.u32 $0x3, v37;
	v7 =	vld.idx.msk [tilespmem:v7+s2+$0x0], $0xffff;
	v39 =	vpop (erf)  }
0x163: {  	v30 =	vld.idx.msk [tilespmem:v30+s2+$0x0], $0xffff;
	v29 =	vadd.f32 v39, v29  }
0x164: {  	v55 =	vadd.s32 $0x1, v37;
	v46 =	vpop (erf);
	v15 =	vld.idx.msk [tilespmem:v15+s2+$0x0], $0xffff  }
0x165: {  	v13 =	vmul.f32 v6, v13;
	v38 =	vld.idx.msk [tilespmem:v38+s2+$0x0], $0xffff;
	v29 =	vadd.f32 v46, v29  }
0x166: {  	v21 =	vmul.f32 v31, v21;
	v14 =	vmul.f32 v14, v6;
	v45 =	vld.idx.msk [tilespmem:v63+s2+$0x0], $0xffff;
	v63 =	vadd.s32 $0x2, v37;
	v54 =	vpop (erf)  }
0x167: {  	v6 =	vmul.f32 v7, v6;
	v7 =	vadd.f32 $0.0e+00, v13;
	v13 =	vld.idx.msk [tilespmem:v47+s2+$0x0], $0xffff;
	v29 =	vadd.f32 v54, v29  }
0x168: {  	v23 =	vmul.f32 v23, v31;
	v30 =	vmul.f32 v30, v31;
	v31 =	vld.idx.msk [tilespmem:v37+s2+$0x0], $0xffff;
	v14 =	vadd.f32 $0.0e+00, v14  }
0x169: {  	v7 =	vadd.f32 v21, v7;
	v21 =	vld.idx.msk [tilespmem:v55+s2+$0x0], $0xffff;
	(erf) = vrcp.f32 v29  }
0x16a: {  	v6 =	vadd.f32 $0.0e+00, v6;
	v14 =	vadd.f32 v23, v14;
	v29 =	vld.idx.msk [tilespmem:v53+s2+$0x0], $0xffff;
	v23 =	vmul.f32 v38, v39  }
0x16b: {  	v15 =	vmul.f32 v39, v15  }
0x16c: {  	v6 =	vadd.f32 v30, v6;
	v63 =	vld.idx.msk [tilespmem:v63+s2+$0x0], $0xffff;
	v13 =	vmul.f32 v13, v46;
	v14 =	vadd.f32 v23, v14  }
0x16d: {  	v30 =	vmul.f32 v45, v39;
	v7 =	vadd.f32 v15, v7;
	v15 =	vmul.f32 v46, v22  }
0x16e: {  	v22 =	vmul.f32 v54, v31;
	v13 =	vadd.f32 v13, v14;
	v14 =	vmul.f32 v21, v54  }
0x16f: {  	v6 =	vadd.f32 v30, v6;
	v7 =	vadd.f32 v15, v7;
	v15 =	vmul.f32 v29, v46;
	_ =	sdelay $0x1  }
0x170: {  	v7 =	vadd.f32 v22, v7;
	v6 =	vadd.f32 v15, v6;
	v15 =	vmul.f32 v63, v54  }
0x171: {  	v21 =	vadd.s32 $0x152, v2;
	v13 =	vadd.f32 v14, v13;
	v14 =	vpop (erf)  }
0x172: {  	v6 =	vadd.f32 v15, v6;
	v7 =	vmul.f32 v14, v7  }
0x173: {  	v13 =	vmul.f32 v14, v13  }
0x174: {  	v6 =	vmul.f32 v6, v14;
	[tilespmem:v61+s11+$0x0] =	vst.idx.msk $0xffff, v7  }
0x175: {  	p0 =	sne.s32 s7, $0x1;
	[tilespmem:v62+s11+$0x0] =	vst.idx.msk $0xffff, v13  }
.Ltmp0:
0x176: {  	[tilespmem:v21+s11+$0x0] =	vst.idx.msk $0xffff, v6;
	(pc) =	sbr.rel @p0 .LBB2_1-.Ltmp0, $4  }
0x177: {  	[hbm4b:s6+s2] =	stream.linear.scatter [tilespmem:s11], [sflag:$0x1], $0x180, $0x38;
	[tilespmem:$0x4180] =	vst v63  }
0x178: {  	_ =	swait.ge [sflag:s8], $0x180  }
0x179: {  	[sflag:s8] =	ssyncset.done $0x0  }
0x17a: {  	s7 =	sadd.s32 $0xFFFFFFFF, s7;
	[sflag:s8] =	ssyncadd.s32 $0xFFFFFE80  }
0x17b: {  	_ =	sfence.sel $0x180000  }
0x17c: {  	[bflag:$0x0] =	sbarrier.arrive $0xFFFF  }
0x17d: {  	p0 =	sne.s32 s1, $0x0;
	_ =	strace $0x90000047  }
0x17e: {  	s0 =	sadd.s32 @!p0 $0x100000, s0;
	[bflag:$0x2] =	sbarrier.arrive $0xFFFF  }
0x17f: {  	[sflag:s0] =	ssyncadd.tile.s32 @!p0 $0x1;
	_ =	shalt  }
.Lfunc_end2:
_tile_overlayer_lowered:
.L_overlay_start_2:
0x180: {  	(tag) =	ssettag $0x2  }
0x181: {  	s0 =	rddreg [dreg:$0x0];
	s2 =	stileid.u32  }
0x182: {  	s1 =	rddreg [dreg:$0x1];
	p0 =	sne.s32 s2, $0x0  }
0x183: {  	s3 =	rddreg [dreg:$0x2];
	[bflag:$0x3] =	sbarrier.arrive $0xFFFF;
	s2 =	simm.s32 @!p0 $0x1C01  }
0x184: {  	[timem:s3], [sflag:s2] =	dma.local @!p0 [hbm:s0], s1  }
0x185: {  	s0 =	simm.s32 @!p0 $0x1  }
0x186: {  	_ =	swait.ge @!p0 [sflag:s0], s1  }
0x187: {  	s1 =	ssub.s32 @!p0 $0x0, s1;
	[sflag:s0] =	ssyncset.done @!p0 $0x0  }
0x188: {  	[sflag:s0] =	ssyncadd.s32 @!p0 s1  }
0x189: {  	[bflag:$0x3] =	sbarrier.arrive $0xFFFF  }
0x18a: {  	_ =	shalt  }

</sc_bundles>
